<compile_context>
chip_gen: v7x
topology: tpu7x:2x2x1
jax: 0.10.2.dev20260603
libtpu: 0.0.44.dev20260713+nightly
codegen_flags: <defaults>
</compile_context>

<pallas_src>
import functools

import jax
import jax.numpy as jnp
from jax import lax
from jax.experimental import pallas as pl
from jax.experimental.pallas import tpu as pltpu
from jax.experimental.pallas import tpu_sc as plsc

MAX_W = 256
DIM = 128
LANES = 16

_info = plsc.get_sparse_core_info()
NC = _info.num_cores
NS = _info.num_subcores
NW = NC * NS

CHUNK = 128


def _make_kernel(B):
    b_per_w = B // NW
    n_chunks = b_per_w // CHUNK
    mesh = plsc.VectorSubcoreMesh(core_axis_name="c", subcore_axis_name="s")

    NBUF = 6
    ILAG = 2
    GLAG = 2

    @functools.partial(
        pl.kernel,
        out_type=jax.ShapeDtypeStruct((B, DIM), jnp.float32),
        mesh=mesh,
        scratch_types=[
            pltpu.VMEM((NBUF, CHUNK), jnp.int32),
            pltpu.VMEM((NBUF, CHUNK), jnp.int32),
            pltpu.VMEM((NBUF, CHUNK), jnp.int32),
            pltpu.VMEM((NBUF, CHUNK, DIM), jnp.float32),
        ] + [pltpu.SemaphoreType.DMA] * (3 * NBUF),
    )
    def body(h_hbm, w_hbm, table_hbm, out_hbm, h_v, w_v, idx_v, rows_v,
             *sems):
        sem_i = sems[0:NBUF]
        sem_g = sems[NBUF:2 * NBUF]
        sem_w = sems[2 * NBUF:3 * NBUF]
        wid = lax.axis_index("s") * NC + lax.axis_index("c")
        base = wid * b_per_w

        def fire_ids(j, b):
            pltpu.async_copy(
                h_hbm.at[pl.ds(base + j * CHUNK, CHUNK)], h_v.at[b], sem_i[b]
            )
            pltpu.async_copy(
                w_hbm.at[pl.ds(base + j * CHUNK, CHUNK)], w_v.at[b], sem_i[b]
            )

        def wait_ids(b):
            pltpu.make_async_copy(
                h_hbm.at[pl.ds(base, CHUNK)], h_v.at[b], sem_i[b]
            ).wait()
            pltpu.make_async_copy(
                w_hbm.at[pl.ds(base, CHUNK)], w_v.at[b], sem_i[b]
            ).wait()

        def fire_gather(b):
            for i in range(CHUNK // LANES):
                s = i * LANES
                idx_v[b, pl.ds(s, LANES)] = (
                    h_v[b, pl.ds(s, LANES)] * MAX_W + w_v[b, pl.ds(s, LANES)]
                )
            pltpu.async_copy(table_hbm.at[idx_v.at[b]], rows_v.at[b], sem_g[b])

        def wait_gather(b):
            pltpu.make_async_copy(
                table_hbm.at[idx_v.at[b]], rows_v.at[b], sem_g[b]
            ).wait()

        def fire_wb(j, b):
            pltpu.async_copy(
                rows_v.at[b], out_hbm.at[pl.ds(base + j * CHUNK, CHUNK)],
                sem_w[b],
            )

        def wait_wb(j, b):
            pltpu.make_async_copy(
                rows_v.at[b], out_hbm.at[pl.ds(base + j * CHUNK, CHUNK)],
                sem_w[b],
            ).wait()

        n_slots = n_chunks + ILAG + GLAG
        n_groups = (n_slots + NBUF - 1) // NBUF

        def group(g, carry):
            for b in range(NBUF):
                j = g * NBUF + b

                @pl.when((j >= NBUF) & (j < n_chunks))
                def _():
                    wait_wb(j - NBUF, b)

                @pl.when(j < n_chunks)
                def _():
                    fire_ids(j, b)

                j1 = j - ILAG
                b1 = (b - ILAG) % NBUF

                @pl.when((j1 >= 0) & (j1 < n_chunks))
                def _():
                    wait_ids(b1)
                    fire_gather(b1)

                j2 = j - ILAG - GLAG
                b2 = (b - ILAG - GLAG) % NBUF

                @pl.when((j2 >= 0) & (j2 < n_chunks))
                def _():
                    wait_gather(b2)
                    fire_wb(j2, b2)

            return carry

        lax.fori_loop(0, n_groups, group, 0)

        first = n_chunks - NBUF
        for k in range(NBUF):
            j = first + k
            wait_wb(j, j % NBUF)

    return body


def kernel(height_ids, width_ids, embed):
    n, t = height_ids.shape
    B = n * t
    h = height_ids.reshape(B).astype(jnp.int32)
    w = width_ids.reshape(B).astype(jnp.int32)
    out = _make_kernel(B)(h, w, embed)
    return out.reshape(n, t, DIM)

# --- scband reference (transcript-rebuilt; emitter-appended) ---
"""Pipeline reference for scband-joint-position-embedding-10849087390110 (READ-ONLY COPY).

The authoritative reference and input builder live on the scoring server;
editing this copy changes nothing except your own understanding.
"""

import jax, jax.numpy as jnp
import numpy as np

MAX_HEIGHT = 256
MAX_WIDTH = 256
DIM = 128


def setup_inputs(seed: int = 0) -> dict:
    key = jax.random.key(seed)
    k1, k2, k3 = jax.random.split(key, 3)
    height_ids = jax.random.randint(k1, (4096, 200), 0, MAX_HEIGHT, dtype=jnp.int64 if jax.config.jax_enable_x64 else jnp.int32)
    width_ids = jax.random.randint(k2, (4096, 200), 0, MAX_WIDTH, dtype=jnp.int64 if jax.config.jax_enable_x64 else jnp.int32)
    # learned parameter: trunc_normal_(std=0.02) approximated by clipped normal
    embed = jnp.clip(jax.random.normal(k3, (MAX_HEIGHT * MAX_WIDTH, DIM), dtype=jnp.float32) * 0.02, -0.04, 0.04)
    return {"height_ids": height_ids, "width_ids": width_ids, "embed": embed}


def reference(height_ids, width_ids, embed):
    ids = height_ids * MAX_WIDTH + width_ids
    return jnp.take(embed, ids, axis=0)

if __name__ == "__main__":
    import jax
    _d = setup_inputs()
    print(jax.jit(kernel)(*tuple(_d.values())))

</pallas_src>

<mosaic_0001>
#map = affine_map<(d0, d1) -> (0)>
#map1 = affine_map<(d0, d1) -> (0, 0)>
module attributes {stable_mosaic.version = 14 : i64} {
  func.func @body(%arg0: i32, %arg1: i32, %arg2: memref<819200xi32, #tpu.memory_space<hbm>>, %arg3: memref<819200xi32, #tpu.memory_space<hbm>>, %arg4: memref<65536x128xf32, #tpu.memory_space<hbm>>, %arg5: memref<819200x128xf32, #tpu.memory_space<hbm>>, %arg6: memref<6x128xi32, #tpu.memory_space<vmem>>, %arg7: memref<6x128xi32, #tpu.memory_space<vmem>>, %arg8: memref<6x128xi32, #tpu.memory_space<vmem>>, %arg9: memref<6x128x128xf32, #tpu.memory_space<vmem>>, %arg10: memref<!tpu.dma_semaphore, #tpu.memory_space<semaphore_mem>>, %arg11: memref<!tpu.dma_semaphore, #tpu.memory_space<semaphore_mem>>, %arg12: memref<!tpu.dma_semaphore, #tpu.memory_space<semaphore_mem>>, %arg13: memref<!tpu.dma_semaphore, #tpu.memory_space<semaphore_mem>>, %arg14: memref<!tpu.dma_semaphore, #tpu.memory_space<semaphore_mem>>, %arg15: memref<!tpu.dma_semaphore, #tpu.memory_space<semaphore_mem>>, %arg16: memref<!tpu.dma_semaphore, #tpu.memory_space<semaphore_mem>>, %arg17: memref<!tpu.dma_semaphore, #tpu.memory_space<semaphore_mem>>, %arg18: memref<!tpu.dma_semaphore, #tpu.memory_space<semaphore_mem>>, %arg19: memref<!tpu.dma_semaphore, #tpu.memory_space<semaphore_mem>>, %arg20: memref<!tpu.dma_semaphore, #tpu.memory_space<semaphore_mem>>, %arg21: memref<!tpu.dma_semaphore, #tpu.memory_space<semaphore_mem>>, %arg22: memref<!tpu.dma_semaphore, #tpu.memory_space<semaphore_mem>>, %arg23: memref<!tpu.dma_semaphore, #tpu.memory_space<semaphore_mem>>, %arg24: memref<!tpu.dma_semaphore, #tpu.memory_space<semaphore_mem>>, %arg25: memref<!tpu.dma_semaphore, #tpu.memory_space<semaphore_mem>>, %arg26: memref<!tpu.dma_semaphore, #tpu.memory_space<semaphore_mem>>, %arg27: memref<!tpu.dma_semaphore, #tpu.memory_space<semaphore_mem>>) attributes {dimension_semantics = [#tpu.dimension_semantics<core_parallel>, #tpu.dimension_semantics<subcore_parallel>], iteration_bounds = array<i64: 2, 16>, scalar_prefetch = 0 : i64, scratch_operands = 22 : i64, tpu.core_type = #tpu.core_type<sc_vector_subcore>, window_params = [{transform_indices = #map}, {transform_indices = #map}, {transform_indices = #map1}, {transform_indices = #map1}]} {
    %mul3A = arith.constant 2 : i32
    %mul3A_0 = arith.muli %arg1, %mul3A : i32
    %add3A = arith.addi %mul3A_0, %arg0 : i32
    %mul3A_1 = arith.constant 25600 : i32
    %mul3A_2 = arith.muli %add3A, %mul3A_1 : i32
    %scan3A = arith.constant 0 : i32
    %scan3A_3 = arith.constant 0 : i32
    %scan3A_4 = arith.constant 34 : i32
    %scan3A_5 = arith.addi %scan3A_3, %scan3A_4 : i32
    %scan3A_6 = arith.constant 1 : i32
    scf.for %scan3A_97 = %scan3A_3 to %scan3A_5 step %scan3A_6  : i32 {
      %mul3A_98 = arith.constant 6 : i32
      %mul3A_99 = arith.muli %scan3A_97, %mul3A_98 : i32
      %add3A_100 = arith.constant 0 : i32
      %add3A_101 = arith.addi %mul3A_99, %add3A_100 : i32
      %ge3A = arith.constant 6 : i32
      %ge3A_102 = arith.cmpi sge, %add3A_101, %ge3A : i32
      %lt3A = arith.constant 200 : i32
      %lt3A_103 = arith.cmpi slt, %add3A_101, %lt3A : i32
      %and3A = arith.andi %ge3A_102, %lt3A_103 : i1
      %convert_element_type3A = arith.extui %and3A : i1 to i32
      %cond3A = arith.constant 0 : i32
      %cond3A_104 = arith.cmpi ne, %convert_element_type3A, %cond3A : i32
      scf.if %cond3A_104 {
        %sub3A_326 = arith.constant 6 : i32
        %sub3A_327 = arith.subi %add3A_101, %sub3A_326 : i32
        %mul3A_328 = arith.constant 128 : i32
        %mul3A_329 = arith.muli %sub3A_327, %mul3A_328 : i32
        %add3A_330 = arith.addi %mul3A_2, %mul3A_329 : i32
        %dma_wait3A_331 = arith.constant 0 : i32
        %dma_wait3A_332 = arith.constant 0 : i32
        %dma_wait3A_333 = arith.constant 0 : i32
        %dma_wait3A_334 = tpu.memref_slice %arg9[%dma_wait3A_331, %dma_wait3A_332, %dma_wait3A_333] : memref<6x128x128xf32, #tpu.memory_space<vmem>> -> memref<1x128x128xf32, #tpu.memory_space<vmem>>
        %dma_wait3A_335 = tpu.memref_squeeze %dma_wait3A_334 : memref<1x128x128xf32, #tpu.memory_space<vmem>> -> memref<128x128xf32, #tpu.memory_space<vmem>>
        %dma_wait3A_336 = arith.constant 0 : i32
        %dma_wait3A_337 = tpu.memref_slice %arg5[%add3A_330, %dma_wait3A_336] : memref<819200x128xf32, #tpu.memory_space<hbm>> -> memref<128x128xf32, #tpu.memory_space<hbm>>
        %dma_wait3A_338 = arith.constant 0 : i32
        %dma_wait3A_339 = tpu.memref_slice %arg5[%add3A_330, %dma_wait3A_338] : memref<819200x128xf32, #tpu.memory_space<hbm>> -> memref<128x128xf32, #tpu.memory_space<hbm>>
        %dma_wait3A_340 = arith.constant 0 : i32
        %dma_wait3A_341 = arith.constant 0 : i32
        %dma_wait3A_342 = tpu.memref_slice %arg9[%dma_wait3A_331, %dma_wait3A_340, %dma_wait3A_341] : memref<6x128x128xf32, #tpu.memory_space<vmem>> -> memref<1x128x128xf32, #tpu.memory_space<vmem>>
        %dma_wait3A_343 = tpu.memref_squeeze %dma_wait3A_342 : memref<1x128x128xf32, #tpu.memory_space<vmem>> -> memref<128x128xf32, #tpu.memory_space<vmem>>
        tpu.wait_dma2 semaphore(%arg22 : memref<!tpu.dma_semaphore, #tpu.memory_space<semaphore_mem>>) src(%dma_wait3A_343 : memref<128x128xf32, #tpu.memory_space<vmem>>) dst(%dma_wait3A_339 : memref<128x128xf32, #tpu.memory_space<hbm>>)
      } else {
      }
      %lt3A_105 = arith.constant 200 : i32
      %lt3A_106 = arith.cmpi slt, %add3A_101, %lt3A_105 : i32
      %convert_element_type3A_107 = arith.extui %lt3A_106 : i1 to i32
      %cond3A_108 = arith.constant 0 : i32
      %cond3A_109 = arith.cmpi ne, %convert_element_type3A_107, %cond3A_108 : i32
      scf.if %cond3A_109 {
        %mul3A_326 = arith.constant 128 : i32
        %mul3A_327 = arith.muli %add3A_101, %mul3A_326 : i32
        %add3A_328 = arith.addi %mul3A_2, %mul3A_327 : i32
        %dma_start3A = arith.constant 0 : i32
        %dma_start3A_329 = arith.constant 0 : i32
        %dma_start3A_330 = tpu.memref_slice %arg6[%dma_start3A, %dma_start3A_329] : memref<6x128xi32, #tpu.memory_space<vmem>> -> memref<1x128xi32, #tpu.memory_space<vmem>>
        %dma_start3A_331 = tpu.memref_squeeze %dma_start3A_330 : memref<1x128xi32, #tpu.memory_space<vmem>> -> memref<128xi32, #tpu.memory_space<vmem>>
        %dma_start3A_332 = tpu.memref_slice %arg2[%add3A_328] : memref<819200xi32, #tpu.memory_space<hbm>> -> memref<128xi32, #tpu.memory_space<hbm>>
        %dma_start3A_333 = arith.constant 0 : i32
        %dma_start3A_334 = tpu.memref_slice %arg6[%dma_start3A, %dma_start3A_333] : memref<6x128xi32, #tpu.memory_space<vmem>> -> memref<1x128xi32, #tpu.memory_space<vmem>>
        %dma_start3A_335 = tpu.memref_squeeze %dma_start3A_334 : memref<1x128xi32, #tpu.memory_space<vmem>> -> memref<128xi32, #tpu.memory_space<vmem>>
        %dma_start3A_336 = tpu.memref_slice %arg2[%add3A_328] : memref<819200xi32, #tpu.memory_space<hbm>> -> memref<128xi32, #tpu.memory_space<hbm>>
        tpu.enqueue_dma source(%dma_start3A_336 : memref<128xi32, #tpu.memory_space<hbm>>) target(%dma_start3A_335 : memref<128xi32, #tpu.memory_space<vmem>>) target_semaphore(%arg10 : memref<!tpu.dma_semaphore, #tpu.memory_space<semaphore_mem>>)
        %mul3A_337 = arith.constant 128 : i32
        %mul3A_338 = arith.muli %add3A_101, %mul3A_337 : i32
        %add3A_339 = arith.addi %mul3A_2, %mul3A_338 : i32
        %dma_start3A_340 = arith.constant 0 : i32
        %dma_start3A_341 = arith.constant 0 : i32
        %dma_start3A_342 = tpu.memref_slice %arg7[%dma_start3A_340, %dma_start3A_341] : memref<6x128xi32, #tpu.memory_space<vmem>> -> memref<1x128xi32, #tpu.memory_space<vmem>>
        %dma_start3A_343 = tpu.memref_squeeze %dma_start3A_342 : memref<1x128xi32, #tpu.memory_space<vmem>> -> memref<128xi32, #tpu.memory_space<vmem>>
        %dma_start3A_344 = tpu.memref_slice %arg3[%add3A_339] : memref<819200xi32, #tpu.memory_space<hbm>> -> memref<128xi32, #tpu.memory_space<hbm>>
        %dma_start3A_345 = arith.constant 0 : i32
        %dma_start3A_346 = tpu.memref_slice %arg7[%dma_start3A_340, %dma_start3A_345] : memref<6x128xi32, #tpu.memory_space<vmem>> -> memref<1x128xi32, #tpu.memory_space<vmem>>
        %dma_start3A_347 = tpu.memref_squeeze %dma_start3A_346 : memref<1x128xi32, #tpu.memory_space<vmem>> -> memref<128xi32, #tpu.memory_space<vmem>>
        %dma_start3A_348 = tpu.memref_slice %arg3[%add3A_339] : memref<819200xi32, #tpu.memory_space<hbm>> -> memref<128xi32, #tpu.memory_space<hbm>>
        tpu.enqueue_dma source(%dma_start3A_348 : memref<128xi32, #tpu.memory_space<hbm>>) target(%dma_start3A_347 : memref<128xi32, #tpu.memory_space<vmem>>) target_semaphore(%arg10 : memref<!tpu.dma_semaphore, #tpu.memory_space<semaphore_mem>>)
      } else {
      }
      %sub3A = arith.constant 2 : i32
      %sub3A_110 = arith.subi %add3A_101, %sub3A : i32
      %ge3A_111 = arith.constant 0 : i32
      %ge3A_112 = arith.cmpi sge, %sub3A_110, %ge3A_111 : i32
      %lt3A_113 = arith.constant 200 : i32
      %lt3A_114 = arith.cmpi slt, %sub3A_110, %lt3A_113 : i32
      %and3A_115 = arith.andi %ge3A_112, %lt3A_114 : i1
      %convert_element_type3A_116 = arith.extui %and3A_115 : i1 to i32
      %cond3A_117 = arith.constant 0 : i32
      %cond3A_118 = arith.cmpi ne, %convert_element_type3A_116, %cond3A_117 : i32
      scf.if %cond3A_118 {
        %dma_wait3A_326 = arith.constant 4 : i32
        %dma_wait3A_327 = arith.constant 0 : i32
        %dma_wait3A_328 = tpu.memref_slice %arg6[%dma_wait3A_326, %dma_wait3A_327] : memref<6x128xi32, #tpu.memory_space<vmem>> -> memref<1x128xi32, #tpu.memory_space<vmem>>
        %dma_wait3A_329 = tpu.memref_squeeze %dma_wait3A_328 : memref<1x128xi32, #tpu.memory_space<vmem>> -> memref<128xi32, #tpu.memory_space<vmem>>
        %dma_wait3A_330 = tpu.memref_slice %arg2[%mul3A_2] : memref<819200xi32, #tpu.memory_space<hbm>> -> memref<128xi32, #tpu.memory_space<hbm>>
        %dma_wait3A_331 = arith.constant 0 : i32
        %dma_wait3A_332 = tpu.memref_slice %arg6[%dma_wait3A_326, %dma_wait3A_331] : memref<6x128xi32, #tpu.memory_space<vmem>> -> memref<1x128xi32, #tpu.memory_space<vmem>>
        %dma_wait3A_333 = tpu.memref_squeeze %dma_wait3A_332 : memref<1x128xi32, #tpu.memory_space<vmem>> -> memref<128xi32, #tpu.memory_space<vmem>>
        %dma_wait3A_334 = tpu.memref_slice %arg2[%mul3A_2] : memref<819200xi32, #tpu.memory_space<hbm>> -> memref<128xi32, #tpu.memory_space<hbm>>
        tpu.wait_dma2 semaphore(%arg14 : memref<!tpu.dma_semaphore, #tpu.memory_space<semaphore_mem>>) src(%dma_wait3A_334 : memref<128xi32, #tpu.memory_space<hbm>>) dst(%dma_wait3A_333 : memref<128xi32, #tpu.memory_space<vmem>>)
        %dma_wait3A_335 = arith.constant 4 : i32
        %dma_wait3A_336 = arith.constant 0 : i32
        %dma_wait3A_337 = tpu.memref_slice %arg7[%dma_wait3A_335, %dma_wait3A_336] : memref<6x128xi32, #tpu.memory_space<vmem>> -> memref<1x128xi32, #tpu.memory_space<vmem>>
        %dma_wait3A_338 = tpu.memref_squeeze %dma_wait3A_337 : memref<1x128xi32, #tpu.memory_space<vmem>> -> memref<128xi32, #tpu.memory_space<vmem>>
        %dma_wait3A_339 = tpu.memref_slice %arg3[%mul3A_2] : memref<819200xi32, #tpu.memory_space<hbm>> -> memref<128xi32, #tpu.memory_space<hbm>>
        %dma_wait3A_340 = arith.constant 0 : i32
        %dma_wait3A_341 = tpu.memref_slice %arg7[%dma_wait3A_335, %dma_wait3A_340] : memref<6x128xi32, #tpu.memory_space<vmem>> -> memref<1x128xi32, #tpu.memory_space<vmem>>
        %dma_wait3A_342 = tpu.memref_squeeze %dma_wait3A_341 : memref<1x128xi32, #tpu.memory_space<vmem>> -> memref<128xi32, #tpu.memory_space<vmem>>
        %dma_wait3A_343 = tpu.memref_slice %arg3[%mul3A_2] : memref<819200xi32, #tpu.memory_space<hbm>> -> memref<128xi32, #tpu.memory_space<hbm>>
        tpu.wait_dma2 semaphore(%arg14 : memref<!tpu.dma_semaphore, #tpu.memory_space<semaphore_mem>>) src(%dma_wait3A_343 : memref<128xi32, #tpu.memory_space<hbm>>) dst(%dma_wait3A_342 : memref<128xi32, #tpu.memory_space<vmem>>)
        %get3A = arith.constant 4 : i32
        %get3A_344 = arith.index_cast %get3A : i32 to index
        %get3A_345 = arith.constant 0 : index
        %get3A_346 = tpu.vector_load %arg6[%get3A_344, %get3A_345] {strides = array<i32>} : memref<6x128xi32, #tpu.memory_space<vmem>>, vector<1x16xi32>,
        %get3A_347 = vector.shape_cast %get3A_346 : vector<1x16xi32> to vector<16xi32>
        %mul3A_348 = arith.constant 256 : i32
        %mul3A_349 = vector.broadcast %mul3A_348 : i32 to vector<16xi32>
        %mul3A_350 = arith.muli %get3A_347, %mul3A_349 : vector<16xi32>
        %get3A_351 = arith.constant 4 : i32
        %get3A_352 = arith.index_cast %get3A_351 : i32 to index
        %get3A_353 = arith.constant 0 : index
        %get3A_354 = tpu.vector_load %arg7[%get3A_352, %get3A_353] {strides = array<i32>} : memref<6x128xi32, #tpu.memory_space<vmem>>, vector<1x16xi32>,
        %get3A_355 = vector.shape_cast %get3A_354 : vector<1x16xi32> to vector<16xi32>
        %add3A_356 = arith.addi %mul3A_350, %get3A_355 : vector<16xi32>
        %swap3A = arith.constant 4 : i32
        %swap3A_357 = arith.index_cast %swap3A : i32 to index
        %swap3A_358 = arith.constant 0 : index
        %swap3A_359 = tpu.vector_load %arg8[%swap3A_357, %swap3A_358] {strides = array<i32>} : memref<6x128xi32, #tpu.memory_space<vmem>>, vector<1x16xi32>,
        %swap3A_360 = vector.shape_cast %swap3A_359 : vector<1x16xi32> to vector<16xi32>
        %swap3A_361 = vector.shape_cast %add3A_356 : vector<16xi32> to vector<1x16xi32>
        tpu.vector_store %arg8[%swap3A_357, %swap3A_358], %swap3A_361 {strides = array<i32>} : memref<6x128xi32, #tpu.memory_space<vmem>>, vector<1x16xi32>,
        %get3A_362 = arith.constant 4 : i32
        %get3A_363 = arith.index_cast %get3A_362 : i32 to index
        %get3A_364 = arith.constant 16 : index
        %get3A_365 = tpu.vector_load %arg6[%get3A_363, %get3A_364] {strides = array<i32>} : memref<6x128xi32, #tpu.memory_space<vmem>>, vector<1x16xi32>,
        %get3A_366 = vector.shape_cast %get3A_365 : vector<1x16xi32> to vector<16xi32>
        %mul3A_367 = arith.constant 256 : i32
        %mul3A_368 = vector.broadcast %mul3A_367 : i32 to vector<16xi32>
        %mul3A_369 = arith.muli %get3A_366, %mul3A_368 : vector<16xi32>
        %get3A_370 = arith.constant 4 : i32
        %get3A_371 = arith.index_cast %get3A_370 : i32 to index
        %get3A_372 = arith.constant 16 : index
        %get3A_373 = tpu.vector_load %arg7[%get3A_371, %get3A_372] {strides = array<i32>} : memref<6x128xi32, #tpu.memory_space<vmem>>, vector<1x16xi32>,
        %get3A_374 = vector.shape_cast %get3A_373 : vector<1x16xi32> to vector<16xi32>
        %add3A_375 = arith.addi %mul3A_369, %get3A_374 : vector<16xi32>
        %swap3A_376 = arith.constant 4 : i32
        %swap3A_377 = arith.index_cast %swap3A_376 : i32 to index
        %swap3A_378 = arith.constant 16 : index
        %swap3A_379 = tpu.vector_load %arg8[%swap3A_377, %swap3A_378] {strides = array<i32>} : memref<6x128xi32, #tpu.memory_space<vmem>>, vector<1x16xi32>,
        %swap3A_380 = vector.shape_cast %swap3A_379 : vector<1x16xi32> to vector<16xi32>
        %swap3A_381 = vector.shape_cast %add3A_375 : vector<16xi32> to vector<1x16xi32>
        tpu.vector_store %arg8[%swap3A_377, %swap3A_378], %swap3A_381 {strides = array<i32>} : memref<6x128xi32, #tpu.memory_space<vmem>>, vector<1x16xi32>,
        %get3A_382 = arith.constant 4 : i32
        %get3A_383 = arith.index_cast %get3A_382 : i32 to index
        %get3A_384 = arith.constant 32 : index
        %get3A_385 = tpu.vector_load %arg6[%get3A_383, %get3A_384] {strides = array<i32>} : memref<6x128xi32, #tpu.memory_space<vmem>>, vector<1x16xi32>,
        %get3A_386 = vector.shape_cast %get3A_385 : vector<1x16xi32> to vector<16xi32>
        %mul3A_387 = arith.constant 256 : i32
        %mul3A_388 = vector.broadcast %mul3A_387 : i32 to vector<16xi32>
        %mul3A_389 = arith.muli %get3A_386, %mul3A_388 : vector<16xi32>
        %get3A_390 = arith.constant 4 : i32
        %get3A_391 = arith.index_cast %get3A_390 : i32 to index
        %get3A_392 = arith.constant 32 : index
        %get3A_393 = tpu.vector_load %arg7[%get3A_391, %get3A_392] {strides = array<i32>} : memref<6x128xi32, #tpu.memory_space<vmem>>, vector<1x16xi32>,
        %get3A_394 = vector.shape_cast %get3A_393 : vector<1x16xi32> to vector<16xi32>
        %add3A_395 = arith.addi %mul3A_389, %get3A_394 : vector<16xi32>
        %swap3A_396 = arith.constant 4 : i32
        %swap3A_397 = arith.index_cast %swap3A_396 : i32 to index
        %swap3A_398 = arith.constant 32 : index
        %swap3A_399 = tpu.vector_load %arg8[%swap3A_397, %swap3A_398] {strides = array<i32>} : memref<6x128xi32, #tpu.memory_space<vmem>>, vector<1x16xi32>,
        %swap3A_400 = vector.shape_cast %swap3A_399 : vector<1x16xi32> to vector<16xi32>
        %swap3A_401 = vector.shape_cast %add3A_395 : vector<16xi32> to vector<1x16xi32>
        tpu.vector_store %arg8[%swap3A_397, %swap3A_398], %swap3A_401 {strides = array<i32>} : memref<6x128xi32, #tpu.memory_space<vmem>>, vector<1x16xi32>,
        %get3A_402 = arith.constant 4 : i32
        %get3A_403 = arith.index_cast %get3A_402 : i32 to index
        %get3A_404 = arith.constant 48 : index
        %get3A_405 = tpu.vector_load %arg6[%get3A_403, %get3A_404] {strides = array<i32>} : memref<6x128xi32, #tpu.memory_space<vmem>>, vector<1x16xi32>,
        %get3A_406 = vector.shape_cast %get3A_405 : vector<1x16xi32> to vector<16xi32>
        %mul3A_407 = arith.constant 256 : i32
        %mul3A_408 = vector.broadcast %mul3A_407 : i32 to vector<16xi32>
        %mul3A_409 = arith.muli %get3A_406, %mul3A_408 : vector<16xi32>
        %get3A_410 = arith.constant 4 : i32
        %get3A_411 = arith.index_cast %get3A_410 : i32 to index
        %get3A_412 = arith.constant 48 : index
        %get3A_413 = tpu.vector_load %arg7[%get3A_411, %get3A_412] {strides = array<i32>} : memref<6x128xi32, #tpu.memory_space<vmem>>, vector<1x16xi32>,
        %get3A_414 = vector.shape_cast %get3A_413 : vector<1x16xi32> to vector<16xi32>
        %add3A_415 = arith.addi %mul3A_409, %get3A_414 : vector<16xi32>
        %swap3A_416 = arith.constant 4 : i32
        %swap3A_417 = arith.index_cast %swap3A_416 : i32 to index
        %swap3A_418 = arith.constant 48 : index
        %swap3A_419 = tpu.vector_load %arg8[%swap3A_417, %swap3A_418] {strides = array<i32>} : memref<6x128xi32, #tpu.memory_space<vmem>>, vector<1x16xi32>,
        %swap3A_420 = vector.shape_cast %swap3A_419 : vector<1x16xi32> to vector<16xi32>
        %swap3A_421 = vector.shape_cast %add3A_415 : vector<16xi32> to vector<1x16xi32>
        tpu.vector_store %arg8[%swap3A_417, %swap3A_418], %swap3A_421 {strides = array<i32>} : memref<6x128xi32, #tpu.memory_space<vmem>>, vector<1x16xi32>,
        %get3A_422 = arith.constant 4 : i32
        %get3A_423 = arith.index_cast %get3A_422 : i32 to index
        %get3A_424 = arith.constant 64 : index
        %get3A_425 = tpu.vector_load %arg6[%get3A_423, %get3A_424] {strides = array<i32>} : memref<6x128xi32, #tpu.memory_space<vmem>>, vector<1x16xi32>,
        %get3A_426 = vector.shape_cast %get3A_425 : vector<1x16xi32> to vector<16xi32>
        %mul3A_427 = arith.constant 256 : i32
        %mul3A_428 = vector.broadcast %mul3A_427 : i32 to vector<16xi32>
        %mul3A_429 = arith.muli %get3A_426, %mul3A_428 : vector<16xi32>
        %get3A_430 = arith.constant 4 : i32
        %get3A_431 = arith.index_cast %get3A_430 : i32 to index
        %get3A_432 = arith.constant 64 : index
        %get3A_433 = tpu.vector_load %arg7[%get3A_431, %get3A_432] {strides = array<i32>} : memref<6x128xi32, #tpu.memory_space<vmem>>, vector<1x16xi32>,
        %get3A_434 = vector.shape_cast %get3A_433 : vector<1x16xi32> to vector<16xi32>
        %add3A_435 = arith.addi %mul3A_429, %get3A_434 : vector<16xi32>
        %swap3A_436 = arith.constant 4 : i32
        %swap3A_437 = arith.index_cast %swap3A_436 : i32 to index
        %swap3A_438 = arith.constant 64 : index
        %swap3A_439 = tpu.vector_load %arg8[%swap3A_437, %swap3A_438] {strides = array<i32>} : memref<6x128xi32, #tpu.memory_space<vmem>>, vector<1x16xi32>,
        %swap3A_440 = vector.shape_cast %swap3A_439 : vector<1x16xi32> to vector<16xi32>
        %swap3A_441 = vector.shape_cast %add3A_435 : vector<16xi32> to vector<1x16xi32>
        tpu.vector_store %arg8[%swap3A_437, %swap3A_438], %swap3A_441 {strides = array<i32>} : memref<6x128xi32, #tpu.memory_space<vmem>>, vector<1x16xi32>,
        %get3A_442 = arith.constant 4 : i32
        %get3A_443 = arith.index_cast %get3A_442 : i32 to index
        %get3A_444 = arith.constant 80 : index
        %get3A_445 = tpu.vector_load %arg6[%get3A_443, %get3A_444] {strides = array<i32>} : memref<6x128xi32, #tpu.memory_space<vmem>>, vector<1x16xi32>,
        %get3A_446 = vector.shape_cast %get3A_445 : vector<1x16xi32> to vector<16xi32>
        %mul3A_447 = arith.constant 256 : i32
        %mul3A_448 = vector.broadcast %mul3A_447 : i32 to vector<16xi32>
        %mul3A_449 = arith.muli %get3A_446, %mul3A_448 : vector<16xi32>
        %get3A_450 = arith.constant 4 : i32
        %get3A_451 = arith.index_cast %get3A_450 : i32 to index
        %get3A_452 = arith.constant 80 : index
        %get3A_453 = tpu.vector_load %arg7[%get3A_451, %get3A_452] {strides = array<i32>} : memref<6x128xi32, #tpu.memory_space<vmem>>, vector<1x16xi32>,
        %get3A_454 = vector.shape_cast %get3A_453 : vector<1x16xi32> to vector<16xi32>
        %add3A_455 = arith.addi %mul3A_449, %get3A_454 : vector<16xi32>
        %swap3A_456 = arith.constant 4 : i32
        %swap3A_457 = arith.index_cast %swap3A_456 : i32 to index
        %swap3A_458 = arith.constant 80 : index
        %swap3A_459 = tpu.vector_load %arg8[%swap3A_457, %swap3A_458] {strides = array<i32>} : memref<6x128xi32, #tpu.memory_space<vmem>>, vector<1x16xi32>,
        %swap3A_460 = vector.shape_cast %swap3A_459 : vector<1x16xi32> to vector<16xi32>
        %swap3A_461 = vector.shape_cast %add3A_455 : vector<16xi32> to vector<1x16xi32>
        tpu.vector_store %arg8[%swap3A_457, %swap3A_458], %swap3A_461 {strides = array<i32>} : memref<6x128xi32, #tpu.memory_space<vmem>>, vector<1x16xi32>,
        %get3A_462 = arith.constant 4 : i32
        %get3A_463 = arith.index_cast %get3A_462 : i32 to index
        %get3A_464 = arith.constant 96 : index
        %get3A_465 = tpu.vector_load %arg6[%get3A_463, %get3A_464] {strides = array<i32>} : memref<6x128xi32, #tpu.memory_space<vmem>>, vector<1x16xi32>,
        %get3A_466 = vector.shape_cast %get3A_465 : vector<1x16xi32> to vector<16xi32>
        %mul3A_467 = arith.constant 256 : i32
        %mul3A_468 = vector.broadcast %mul3A_467 : i32 to vector<16xi32>
        %mul3A_469 = arith.muli %get3A_466, %mul3A_468 : vector<16xi32>
        %get3A_470 = arith.constant 4 : i32
        %get3A_471 = arith.index_cast %get3A_470 : i32 to index
        %get3A_472 = arith.constant 96 : index
        %get3A_473 = tpu.vector_load %arg7[%get3A_471, %get3A_472] {strides = array<i32>} : memref<6x128xi32, #tpu.memory_space<vmem>>, vector<1x16xi32>,
        %get3A_474 = vector.shape_cast %get3A_473 : vector<1x16xi32> to vector<16xi32>
        %add3A_475 = arith.addi %mul3A_469, %get3A_474 : vector<16xi32>
        %swap3A_476 = arith.constant 4 : i32
        %swap3A_477 = arith.index_cast %swap3A_476 : i32 to index
        %swap3A_478 = arith.constant 96 : index
        %swap3A_479 = tpu.vector_load %arg8[%swap3A_477, %swap3A_478] {strides = array<i32>} : memref<6x128xi32, #tpu.memory_space<vmem>>, vector<1x16xi32>,
        %swap3A_480 = vector.shape_cast %swap3A_479 : vector<1x16xi32> to vector<16xi32>
        %swap3A_481 = vector.shape_cast %add3A_475 : vector<16xi32> to vector<1x16xi32>
        tpu.vector_store %arg8[%swap3A_477, %swap3A_478], %swap3A_481 {strides = array<i32>} : memref<6x128xi32, #tpu.memory_space<vmem>>, vector<1x16xi32>,
        %get3A_482 = arith.constant 4 : i32
        %get3A_483 = arith.index_cast %get3A_482 : i32 to index
        %get3A_484 = arith.constant 112 : index
        %get3A_485 = tpu.vector_load %arg6[%get3A_483, %get3A_484] {strides = array<i32>} : memref<6x128xi32, #tpu.memory_space<vmem>>, vector<1x16xi32>,
        %get3A_486 = vector.shape_cast %get3A_485 : vector<1x16xi32> to vector<16xi32>
        %mul3A_487 = arith.constant 256 : i32
        %mul3A_488 = vector.broadcast %mul3A_487 : i32 to vector<16xi32>
        %mul3A_489 = arith.muli %get3A_486, %mul3A_488 : vector<16xi32>
        %get3A_490 = arith.constant 4 : i32
        %get3A_491 = arith.index_cast %get3A_490 : i32 to index
        %get3A_492 = arith.constant 112 : index
        %get3A_493 = tpu.vector_load %arg7[%get3A_491, %get3A_492] {strides = array<i32>} : memref<6x128xi32, #tpu.memory_space<vmem>>, vector<1x16xi32>,
        %get3A_494 = vector.shape_cast %get3A_493 : vector<1x16xi32> to vector<16xi32>
        %add3A_495 = arith.addi %mul3A_489, %get3A_494 : vector<16xi32>
        %swap3A_496 = arith.constant 4 : i32
        %swap3A_497 = arith.index_cast %swap3A_496 : i32 to index
        %swap3A_498 = arith.constant 112 : index
        %swap3A_499 = tpu.vector_load %arg8[%swap3A_497, %swap3A_498] {strides = array<i32>} : memref<6x128xi32, #tpu.memory_space<vmem>>, vector<1x16xi32>,
        %swap3A_500 = vector.shape_cast %swap3A_499 : vector<1x16xi32> to vector<16xi32>
        %swap3A_501 = vector.shape_cast %add3A_495 : vector<16xi32> to vector<1x16xi32>
        tpu.vector_store %arg8[%swap3A_497, %swap3A_498], %swap3A_501 {strides = array<i32>} : memref<6x128xi32, #tpu.memory_space<vmem>>, vector<1x16xi32>,
        %dma_start3A = arith.constant 4 : i32
        %dma_start3A_502 = arith.constant 4 : i32
        %dma_start3A_503 = arith.constant 0 : i32
        %dma_start3A_504 = arith.constant 0 : i32
        %dma_start3A_505 = tpu.memref_slice %arg9[%dma_start3A_502, %dma_start3A_503, %dma_start3A_504] : memref<6x128x128xf32, #tpu.memory_space<vmem>> -> memref<1x128x128xf32, #tpu.memory_space<vmem>>
        %dma_start3A_506 = tpu.memref_squeeze %dma_start3A_505 : memref<1x128x128xf32, #tpu.memory_space<vmem>> -> memref<128x128xf32, #tpu.memory_space<vmem>>
        %dma_start3A_507 = arith.constant 0 : i32
        %dma_start3A_508 = tpu.memref_slice %arg8[%dma_start3A, %dma_start3A_507] : memref<6x128xi32, #tpu.memory_space<vmem>> -> memref<1x128xi32, #tpu.memory_space<vmem>>
        %dma_start3A_509 = tpu.memref_squeeze %dma_start3A_508 : memref<1x128xi32, #tpu.memory_space<vmem>> -> memref<128xi32, #tpu.memory_space<vmem>>
        %dma_start3A_510 = arith.constant 0 : i32
        %dma_start3A_511 = arith.constant 0 : i32
        %dma_start3A_512 = tpu.memref_slice %arg4[%dma_start3A_510, %dma_start3A_511] : memref<65536x128xf32, #tpu.memory_space<hbm>> -> memref<65536x128xf32, #tpu.memory_space<hbm>>
        tpu.enqueue_indirect_dma source(%dma_start3A_512 : memref<65536x128xf32, #tpu.memory_space<hbm>>) target(%dma_start3A_506 : memref<128x128xf32, #tpu.memory_space<vmem>>) offsets(%dma_start3A_509 : memref<128xi32, #tpu.memory_space<vmem>>) semaphore(%arg20 : memref<!tpu.dma_semaphore, #tpu.memory_space<semaphore_mem>>)
      } else {
      }
      %sub3A_119 = arith.constant 2 : i32
      %sub3A_120 = arith.subi %add3A_101, %sub3A_119 : i32
      %sub3A_121 = arith.constant 2 : i32
      %sub3A_122 = arith.subi %sub3A_120, %sub3A_121 : i32
      %ge3A_123 = arith.constant 0 : i32
      %ge3A_124 = arith.cmpi sge, %sub3A_122, %ge3A_123 : i32
      %lt3A_125 = arith.constant 200 : i32
      %lt3A_126 = arith.cmpi slt, %sub3A_122, %lt3A_125 : i32
      %and3A_127 = arith.andi %ge3A_124, %lt3A_126 : i1
      %convert_element_type3A_128 = arith.extui %and3A_127 : i1 to i32
      %cond3A_129 = arith.constant 0 : i32
      %cond3A_130 = arith.cmpi ne, %convert_element_type3A_128, %cond3A_129 : i32
      scf.if %cond3A_130 {
        %dma_wait3A_326 = arith.constant 2 : i32
        %dma_wait3A_327 = arith.constant 2 : i32
        %dma_wait3A_328 = arith.constant 0 : i32
        %dma_wait3A_329 = arith.constant 0 : i32
        %dma_wait3A_330 = tpu.memref_slice %arg9[%dma_wait3A_327, %dma_wait3A_328, %dma_wait3A_329] : memref<6x128x128xf32, #tpu.memory_space<vmem>> -> memref<1x128x128xf32, #tpu.memory_space<vmem>>
        %dma_wait3A_331 = tpu.memref_squeeze %dma_wait3A_330 : memref<1x128x128xf32, #tpu.memory_space<vmem>> -> memref<128x128xf32, #tpu.memory_space<vmem>>
        %dma_wait3A_332 = arith.constant 0 : i32
        %dma_wait3A_333 = tpu.memref_slice %arg8[%dma_wait3A_326, %dma_wait3A_332] : memref<6x128xi32, #tpu.memory_space<vmem>> -> memref<1x128xi32, #tpu.memory_space<vmem>>
        %dma_wait3A_334 = tpu.memref_squeeze %dma_wait3A_333 : memref<1x128xi32, #tpu.memory_space<vmem>> -> memref<128xi32, #tpu.memory_space<vmem>>
        %dma_wait3A_335 = arith.constant 0 : i32
        %dma_wait3A_336 = arith.constant 0 : i32
        %dma_wait3A_337 = tpu.memref_slice %arg4[%dma_wait3A_335, %dma_wait3A_336] : memref<65536x128xf32, #tpu.memory_space<hbm>> -> memref<65536x128xf32, #tpu.memory_space<hbm>>
        tpu.wait_indirect_dma semaphore(%arg18 : memref<!tpu.dma_semaphore, #tpu.memory_space<semaphore_mem>>) src(%dma_wait3A_337 : memref<65536x128xf32, #tpu.memory_space<hbm>>) dst(%dma_wait3A_331 : memref<128x128xf32, #tpu.memory_space<vmem>>)
        %mul3A_338 = arith.constant 128 : i32
        %mul3A_339 = arith.muli %sub3A_122, %mul3A_338 : i32
        %add3A_340 = arith.addi %mul3A_2, %mul3A_339 : i32
        %dma_start3A = arith.constant 2 : i32
        %dma_start3A_341 = arith.constant 0 : i32
        %dma_start3A_342 = arith.constant 0 : i32
        %dma_start3A_343 = tpu.memref_slice %arg9[%dma_start3A, %dma_start3A_341, %dma_start3A_342] : memref<6x128x128xf32, #tpu.memory_space<vmem>> -> memref<1x128x128xf32, #tpu.memory_space<vmem>>
        %dma_start3A_344 = tpu.memref_squeeze %dma_start3A_343 : memref<1x128x128xf32, #tpu.memory_space<vmem>> -> memref<128x128xf32, #tpu.memory_space<vmem>>
        %dma_start3A_345 = arith.constant 0 : i32
        %dma_start3A_346 = tpu.memref_slice %arg5[%add3A_340, %dma_start3A_345] : memref<819200x128xf32, #tpu.memory_space<hbm>> -> memref<128x128xf32, #tpu.memory_space<hbm>>
        %dma_start3A_347 = arith.constant 0 : i32
        %dma_start3A_348 = tpu.memref_slice %arg5[%add3A_340, %dma_start3A_347] : memref<819200x128xf32, #tpu.memory_space<hbm>> -> memref<128x128xf32, #tpu.memory_space<hbm>>
        %dma_start3A_349 = arith.constant 0 : i32
        %dma_start3A_350 = arith.constant 0 : i32
        %dma_start3A_351 = tpu.memref_slice %arg9[%dma_start3A, %dma_start3A_349, %dma_start3A_350] : memref<6x128x128xf32, #tpu.memory_space<vmem>> -> memref<1x128x128xf32, #tpu.memory_space<vmem>>
        %dma_start3A_352 = tpu.memref_squeeze %dma_start3A_351 : memref<1x128x128xf32, #tpu.memory_space<vmem>> -> memref<128x128xf32, #tpu.memory_space<vmem>>
        tpu.enqueue_dma source(%dma_start3A_352 : memref<128x128xf32, #tpu.memory_space<vmem>>) target(%dma_start3A_348 : memref<128x128xf32, #tpu.memory_space<hbm>>) target_semaphore(%arg24 : memref<!tpu.dma_semaphore, #tpu.memory_space<semaphore_mem>>)
      } else {
      }
      %mul3A_131 = arith.constant 6 : i32
      %mul3A_132 = arith.muli %scan3A_97, %mul3A_131 : i32
      %add3A_133 = arith.constant 1 : i32
      %add3A_134 = arith.addi %mul3A_132, %add3A_133 : i32
      %ge3A_135 = arith.constant 6 : i32
      %ge3A_136 = arith.cmpi sge, %add3A_134, %ge3A_135 : i32
      %lt3A_137 = arith.constant 200 : i32
      %lt3A_138 = arith.cmpi slt, %add3A_134, %lt3A_137 : i32
      %and3A_139 = arith.andi %ge3A_136, %lt3A_138 : i1
      %convert_element_type3A_140 = arith.extui %and3A_139 : i1 to i32
      %cond3A_141 = arith.constant 0 : i32
      %cond3A_142 = arith.cmpi ne, %convert_element_type3A_140, %cond3A_141 : i32
      scf.if %cond3A_142 {
        %sub3A_326 = arith.constant 6 : i32
        %sub3A_327 = arith.subi %add3A_134, %sub3A_326 : i32
        %mul3A_328 = arith.constant 128 : i32
        %mul3A_329 = arith.muli %sub3A_327, %mul3A_328 : i32
        %add3A_330 = arith.addi %mul3A_2, %mul3A_329 : i32
        %dma_wait3A_331 = arith.constant 1 : i32
        %dma_wait3A_332 = arith.constant 0 : i32
        %dma_wait3A_333 = arith.constant 0 : i32
        %dma_wait3A_334 = tpu.memref_slice %arg9[%dma_wait3A_331, %dma_wait3A_332, %dma_wait3A_333] : memref<6x128x128xf32, #tpu.memory_space<vmem>> -> memref<1x128x128xf32, #tpu.memory_space<vmem>>
        %dma_wait3A_335 = tpu.memref_squeeze %dma_wait3A_334 : memref<1x128x128xf32, #tpu.memory_space<vmem>> -> memref<128x128xf32, #tpu.memory_space<vmem>>
        %dma_wait3A_336 = arith.constant 0 : i32
        %dma_wait3A_337 = tpu.memref_slice %arg5[%add3A_330, %dma_wait3A_336] : memref<819200x128xf32, #tpu.memory_space<hbm>> -> memref<128x128xf32, #tpu.memory_space<hbm>>
        %dma_wait3A_338 = arith.constant 0 : i32
        %dma_wait3A_339 = tpu.memref_slice %arg5[%add3A_330, %dma_wait3A_338] : memref<819200x128xf32, #tpu.memory_space<hbm>> -> memref<128x128xf32, #tpu.memory_space<hbm>>
        %dma_wait3A_340 = arith.constant 0 : i32
        %dma_wait3A_341 = arith.constant 0 : i32
        %dma_wait3A_342 = tpu.memref_slice %arg9[%dma_wait3A_331, %dma_wait3A_340, %dma_wait3A_341] : memref<6x128x128xf32, #tpu.memory_space<vmem>> -> memref<1x128x128xf32, #tpu.memory_space<vmem>>
        %dma_wait3A_343 = tpu.memref_squeeze %dma_wait3A_342 : memref<1x128x128xf32, #tpu.memory_space<vmem>> -> memref<128x128xf32, #tpu.memory_space<vmem>>
        tpu.wait_dma2 semaphore(%arg23 : memref<!tpu.dma_semaphore, #tpu.memory_space<semaphore_mem>>) src(%dma_wait3A_343 : memref<128x128xf32, #tpu.memory_space<vmem>>) dst(%dma_wait3A_339 : memref<128x128xf32, #tpu.memory_space<hbm>>)
      } else {
      }
      %lt3A_143 = arith.constant 200 : i32
      %lt3A_144 = arith.cmpi slt, %add3A_134, %lt3A_143 : i32
      %convert_element_type3A_145 = arith.extui %lt3A_144 : i1 to i32
      %cond3A_146 = arith.constant 0 : i32
      %cond3A_147 = arith.cmpi ne, %convert_element_type3A_145, %cond3A_146 : i32
      scf.if %cond3A_147 {
        %mul3A_326 = arith.constant 128 : i32
        %mul3A_327 = arith.muli %add3A_134, %mul3A_326 : i32
        %add3A_328 = arith.addi %mul3A_2, %mul3A_327 : i32
        %dma_start3A = arith.constant 1 : i32
        %dma_start3A_329 = arith.constant 0 : i32
        %dma_start3A_330 = tpu.memref_slice %arg6[%dma_start3A, %dma_start3A_329] : memref<6x128xi32, #tpu.memory_space<vmem>> -> memref<1x128xi32, #tpu.memory_space<vmem>>
        %dma_start3A_331 = tpu.memref_squeeze %dma_start3A_330 : memref<1x128xi32, #tpu.memory_space<vmem>> -> memref<128xi32, #tpu.memory_space<vmem>>
        %dma_start3A_332 = tpu.memref_slice %arg2[%add3A_328] : memref<819200xi32, #tpu.memory_space<hbm>> -> memref<128xi32, #tpu.memory_space<hbm>>
        %dma_start3A_333 = arith.constant 0 : i32
        %dma_start3A_334 = tpu.memref_slice %arg6[%dma_start3A, %dma_start3A_333] : memref<6x128xi32, #tpu.memory_space<vmem>> -> memref<1x128xi32, #tpu.memory_space<vmem>>
        %dma_start3A_335 = tpu.memref_squeeze %dma_start3A_334 : memref<1x128xi32, #tpu.memory_space<vmem>> -> memref<128xi32, #tpu.memory_space<vmem>>
        %dma_start3A_336 = tpu.memref_slice %arg2[%add3A_328] : memref<819200xi32, #tpu.memory_space<hbm>> -> memref<128xi32, #tpu.memory_space<hbm>>
        tpu.enqueue_dma source(%dma_start3A_336 : memref<128xi32, #tpu.memory_space<hbm>>) target(%dma_start3A_335 : memref<128xi32, #tpu.memory_space<vmem>>) target_semaphore(%arg11 : memref<!tpu.dma_semaphore, #tpu.memory_space<semaphore_mem>>)
        %mul3A_337 = arith.constant 128 : i32
        %mul3A_338 = arith.muli %add3A_134, %mul3A_337 : i32
        %add3A_339 = arith.addi %mul3A_2, %mul3A_338 : i32
        %dma_start3A_340 = arith.constant 1 : i32
        %dma_start3A_341 = arith.constant 0 : i32
        %dma_start3A_342 = tpu.memref_slice %arg7[%dma_start3A_340, %dma_start3A_341] : memref<6x128xi32, #tpu.memory_space<vmem>> -> memref<1x128xi32, #tpu.memory_space<vmem>>
        %dma_start3A_343 = tpu.memref_squeeze %dma_start3A_342 : memref<1x128xi32, #tpu.memory_space<vmem>> -> memref<128xi32, #tpu.memory_space<vmem>>
        %dma_start3A_344 = tpu.memref_slice %arg3[%add3A_339] : memref<819200xi32, #tpu.memory_space<hbm>> -> memref<128xi32, #tpu.memory_space<hbm>>
        %dma_start3A_345 = arith.constant 0 : i32
        %dma_start3A_346 = tpu.memref_slice %arg7[%dma_start3A_340, %dma_start3A_345] : memref<6x128xi32, #tpu.memory_space<vmem>> -> memref<1x128xi32, #tpu.memory_space<vmem>>
        %dma_start3A_347 = tpu.memref_squeeze %dma_start3A_346 : memref<1x128xi32, #tpu.memory_space<vmem>> -> memref<128xi32, #tpu.memory_space<vmem>>
        %dma_start3A_348 = tpu.memref_slice %arg3[%add3A_339] : memref<819200xi32, #tpu.memory_space<hbm>> -> memref<128xi32, #tpu.memory_space<hbm>>
        tpu.enqueue_dma source(%dma_start3A_348 : memref<128xi32, #tpu.memory_space<hbm>>) target(%dma_start3A_347 : memref<128xi32, #tpu.memory_space<vmem>>) target_semaphore(%arg11 : memref<!tpu.dma_semaphore, #tpu.memory_space<semaphore_mem>>)
      } else {
      }
      %sub3A_148 = arith.constant 2 : i32
      %sub3A_149 = arith.subi %add3A_134, %sub3A_148 : i32
      %ge3A_150 = arith.constant 0 : i32
      %ge3A_151 = arith.cmpi sge, %sub3A_149, %ge3A_150 : i32
      %lt3A_152 = arith.constant 200 : i32
      %lt3A_153 = arith.cmpi slt, %sub3A_149, %lt3A_152 : i32
      %and3A_154 = arith.andi %ge3A_151, %lt3A_153 : i1
      %convert_element_type3A_155 = arith.extui %and3A_154 : i1 to i32
      %cond3A_156 = arith.constant 0 : i32
      %cond3A_157 = arith.cmpi ne, %convert_element_type3A_155, %cond3A_156 : i32
      scf.if %cond3A_157 {
        %dma_wait3A_326 = arith.constant 5 : i32
        %dma_wait3A_327 = arith.constant 0 : i32
        %dma_wait3A_328 = tpu.memref_slice %arg6[%dma_wait3A_326, %dma_wait3A_327] : memref<6x128xi32, #tpu.memory_space<vmem>> -> memref<1x128xi32, #tpu.memory_space<vmem>>
        %dma_wait3A_329 = tpu.memref_squeeze %dma_wait3A_328 : memref<1x128xi32, #tpu.memory_space<vmem>> -> memref<128xi32, #tpu.memory_space<vmem>>
        %dma_wait3A_330 = tpu.memref_slice %arg2[%mul3A_2] : memref<819200xi32, #tpu.memory_space<hbm>> -> memref<128xi32, #tpu.memory_space<hbm>>
        %dma_wait3A_331 = arith.constant 0 : i32
        %dma_wait3A_332 = tpu.memref_slice %arg6[%dma_wait3A_326, %dma_wait3A_331] : memref<6x128xi32, #tpu.memory_space<vmem>> -> memref<1x128xi32, #tpu.memory_space<vmem>>
        %dma_wait3A_333 = tpu.memref_squeeze %dma_wait3A_332 : memref<1x128xi32, #tpu.memory_space<vmem>> -> memref<128xi32, #tpu.memory_space<vmem>>
        %dma_wait3A_334 = tpu.memref_slice %arg2[%mul3A_2] : memref<819200xi32, #tpu.memory_space<hbm>> -> memref<128xi32, #tpu.memory_space<hbm>>
        tpu.wait_dma2 semaphore(%arg15 : memref<!tpu.dma_semaphore, #tpu.memory_space<semaphore_mem>>) src(%dma_wait3A_334 : memref<128xi32, #tpu.memory_space<hbm>>) dst(%dma_wait3A_333 : memref<128xi32, #tpu.memory_space<vmem>>)
        %dma_wait3A_335 = arith.constant 5 : i32
        %dma_wait3A_336 = arith.constant 0 : i32
        %dma_wait3A_337 = tpu.memref_slice %arg7[%dma_wait3A_335, %dma_wait3A_336] : memref<6x128xi32, #tpu.memory_space<vmem>> -> memref<1x128xi32, #tpu.memory_space<vmem>>
        %dma_wait3A_338 = tpu.memref_squeeze %dma_wait3A_337 : memref<1x128xi32, #tpu.memory_space<vmem>> -> memref<128xi32, #tpu.memory_space<vmem>>
        %dma_wait3A_339 = tpu.memref_slice %arg3[%mul3A_2] : memref<819200xi32, #tpu.memory_space<hbm>> -> memref<128xi32, #tpu.memory_space<hbm>>
        %dma_wait3A_340 = arith.constant 0 : i32
        %dma_wait3A_341 = tpu.memref_slice %arg7[%dma_wait3A_335, %dma_wait3A_340] : memref<6x128xi32, #tpu.memory_space<vmem>> -> memref<1x128xi32, #tpu.memory_space<vmem>>
        %dma_wait3A_342 = tpu.memref_squeeze %dma_wait3A_341 : memref<1x128xi32, #tpu.memory_space<vmem>> -> memref<128xi32, #tpu.memory_space<vmem>>
        %dma_wait3A_343 = tpu.memref_slice %arg3[%mul3A_2] : memref<819200xi32, #tpu.memory_space<hbm>> -> memref<128xi32, #tpu.memory_space<hbm>>
        tpu.wait_dma2 semaphore(%arg15 : memref<!tpu.dma_semaphore, #tpu.memory_space<semaphore_mem>>) src(%dma_wait3A_343 : memref<128xi32, #tpu.memory_space<hbm>>) dst(%dma_wait3A_342 : memref<128xi32, #tpu.memory_space<vmem>>)
        %get3A = arith.constant 5 : i32
        %get3A_344 = arith.index_cast %get3A : i32 to index
        %get3A_345 = arith.constant 0 : index
        %get3A_346 = tpu.vector_load %arg6[%get3A_344, %get3A_345] {strides = array<i32>} : memref<6x128xi32, #tpu.memory_space<vmem>>, vector<1x16xi32>,
        %get3A_347 = vector.shape_cast %get3A_346 : vector<1x16xi32> to vector<16xi32>
        %mul3A_348 = arith.constant 256 : i32
        %mul3A_349 = vector.broadcast %mul3A_348 : i32 to vector<16xi32>
        %mul3A_350 = arith.muli %get3A_347, %mul3A_349 : vector<16xi32>
        %get3A_351 = arith.constant 5 : i32
        %get3A_352 = arith.index_cast %get3A_351 : i32 to index
        %get3A_353 = arith.constant 0 : index
        %get3A_354 = tpu.vector_load %arg7[%get3A_352, %get3A_353] {strides = array<i32>} : memref<6x128xi32, #tpu.memory_space<vmem>>, vector<1x16xi32>,
        %get3A_355 = vector.shape_cast %get3A_354 : vector<1x16xi32> to vector<16xi32>
        %add3A_356 = arith.addi %mul3A_350, %get3A_355 : vector<16xi32>
        %swap3A = arith.constant 5 : i32
        %swap3A_357 = arith.index_cast %swap3A : i32 to index
        %swap3A_358 = arith.constant 0 : index
        %swap3A_359 = tpu.vector_load %arg8[%swap3A_357, %swap3A_358] {strides = array<i32>} : memref<6x128xi32, #tpu.memory_space<vmem>>, vector<1x16xi32>,
        %swap3A_360 = vector.shape_cast %swap3A_359 : vector<1x16xi32> to vector<16xi32>
        %swap3A_361 = vector.shape_cast %add3A_356 : vector<16xi32> to vector<1x16xi32>
        tpu.vector_store %arg8[%swap3A_357, %swap3A_358], %swap3A_361 {strides = array<i32>} : memref<6x128xi32, #tpu.memory_space<vmem>>, vector<1x16xi32>,
        %get3A_362 = arith.constant 5 : i32
        %get3A_363 = arith.index_cast %get3A_362 : i32 to index
        %get3A_364 = arith.constant 16 : index
        %get3A_365 = tpu.vector_load %arg6[%get3A_363, %get3A_364] {strides = array<i32>} : memref<6x128xi32, #tpu.memory_space<vmem>>, vector<1x16xi32>,
        %get3A_366 = vector.shape_cast %get3A_365 : vector<1x16xi32> to vector<16xi32>
        %mul3A_367 = arith.constant 256 : i32
        %mul3A_368 = vector.broadcast %mul3A_367 : i32 to vector<16xi32>
        %mul3A_369 = arith.muli %get3A_366, %mul3A_368 : vector<16xi32>
        %get3A_370 = arith.constant 5 : i32
        %get3A_371 = arith.index_cast %get3A_370 : i32 to index
        %get3A_372 = arith.constant 16 : index
        %get3A_373 = tpu.vector_load %arg7[%get3A_371, %get3A_372] {strides = array<i32>} : memref<6x128xi32, #tpu.memory_space<vmem>>, vector<1x16xi32>,
        %get3A_374 = vector.shape_cast %get3A_373 : vector<1x16xi32> to vector<16xi32>
        %add3A_375 = arith.addi %mul3A_369, %get3A_374 : vector<16xi32>
        %swap3A_376 = arith.constant 5 : i32
        %swap3A_377 = arith.index_cast %swap3A_376 : i32 to index
        %swap3A_378 = arith.constant 16 : index
        %swap3A_379 = tpu.vector_load %arg8[%swap3A_377, %swap3A_378] {strides = array<i32>} : memref<6x128xi32, #tpu.memory_space<vmem>>, vector<1x16xi32>,
        %swap3A_380 = vector.shape_cast %swap3A_379 : vector<1x16xi32> to vector<16xi32>
        %swap3A_381 = vector.shape_cast %add3A_375 : vector<16xi32> to vector<1x16xi32>
        tpu.vector_store %arg8[%swap3A_377, %swap3A_378], %swap3A_381 {strides = array<i32>} : memref<6x128xi32, #tpu.memory_space<vmem>>, vector<1x16xi32>,
        %get3A_382 = arith.constant 5 : i32
        %get3A_383 = arith.index_cast %get3A_382 : i32 to index
        %get3A_384 = arith.constant 32 : index
        %get3A_385 = tpu.vector_load %arg6[%get3A_383, %get3A_384] {strides = array<i32>} : memref<6x128xi32, #tpu.memory_space<vmem>>, vector<1x16xi32>,
        %get3A_386 = vector.shape_cast %get3A_385 : vector<1x16xi32> to vector<16xi32>
        %mul3A_387 = arith.constant 256 : i32
        %mul3A_388 = vector.broadcast %mul3A_387 : i32 to vector<16xi32>
        %mul3A_389 = arith.muli %get3A_386, %mul3A_388 : vector<16xi32>
        %get3A_390 = arith.constant 5 : i32
        %get3A_391 = arith.index_cast %get3A_390 : i32 to index
        %get3A_392 = arith.constant 32 : index
        %get3A_393 = tpu.vector_load %arg7[%get3A_391, %get3A_392] {strides = array<i32>} : memref<6x128xi32, #tpu.memory_space<vmem>>, vector<1x16xi32>,
        %get3A_394 = vector.shape_cast %get3A_393 : vector<1x16xi32> to vector<16xi32>
        %add3A_395 = arith.addi %mul3A_389, %get3A_394 : vector<16xi32>
        %swap3A_396 = arith.constant 5 : i32
        %swap3A_397 = arith.index_cast %swap3A_396 : i32 to index
        %swap3A_398 = arith.constant 32 : index
        %swap3A_399 = tpu.vector_load %arg8[%swap3A_397, %swap3A_398] {strides = array<i32>} : memref<6x128xi32, #tpu.memory_space<vmem>>, vector<1x16xi32>,
        %swap3A_400 = vector.shape_cast %swap3A_399 : vector<1x16xi32> to vector<16xi32>
        %swap3A_401 = vector.shape_cast %add3A_395 : vector<16xi32> to vector<1x16xi32>
        tpu.vector_store %arg8[%swap3A_397, %swap3A_398], %swap3A_401 {strides = array<i32>} : memref<6x128xi32, #tpu.memory_space<vmem>>, vector<1x16xi32>,
        %get3A_402 = arith.constant 5 : i32
        %get3A_403 = arith.index_cast %get3A_402 : i32 to index
        %get3A_404 = arith.constant 48 : index
        %get3A_405 = tpu.vector_load %arg6[%get3A_403, %get3A_404] {strides = array<i32>} : memref<6x128xi32, #tpu.memory_space<vmem>>, vector<1x16xi32>,
        %get3A_406 = vector.shape_cast %get3A_405 : vector<1x16xi32> to vector<16xi32>
        %mul3A_407 = arith.constant 256 : i32
        %mul3A_408 = vector.broadcast %mul3A_407 : i32 to vector<16xi32>
        %mul3A_409 = arith.muli %get3A_406, %mul3A_408 : vector<16xi32>
        %get3A_410 = arith.constant 5 : i32
        %get3A_411 = arith.index_cast %get3A_410 : i32 to index
        %get3A_412 = arith.constant 48 : index
        %get3A_413 = tpu.vector_load %arg7[%get3A_411, %get3A_412] {strides = array<i32>} : memref<6x128xi32, #tpu.memory_space<vmem>>, vector<1x16xi32>,
        %get3A_414 = vector.shape_cast %get3A_413 : vector<1x16xi32> to vector<16xi32>
        %add3A_415 = arith.addi %mul3A_409, %get3A_414 : vector<16xi32>
        %swap3A_416 = arith.constant 5 : i32
        %swap3A_417 = arith.index_cast %swap3A_416 : i32 to index
        %swap3A_418 = arith.constant 48 : index
        %swap3A_419 = tpu.vector_load %arg8[%swap3A_417, %swap3A_418] {strides = array<i32>} : memref<6x128xi32, #tpu.memory_space<vmem>>, vector<1x16xi32>,
        %swap3A_420 = vector.shape_cast %swap3A_419 : vector<1x16xi32> to vector<16xi32>
        %swap3A_421 = vector.shape_cast %add3A_415 : vector<16xi32> to vector<1x16xi32>
        tpu.vector_store %arg8[%swap3A_417, %swap3A_418], %swap3A_421 {strides = array<i32>} : memref<6x128xi32, #tpu.memory_space<vmem>>, vector<1x16xi32>,
        %get3A_422 = arith.constant 5 : i32
        %get3A_423 = arith.index_cast %get3A_422 : i32 to index
        %get3A_424 = arith.constant 64 : index
        %get3A_425 = tpu.vector_load %arg6[%get3A_423, %get3A_424] {strides = array<i32>} : memref<6x128xi32, #tpu.memory_space<vmem>>, vector<1x16xi32>,
        %get3A_426 = vector.shape_cast %get3A_425 : vector<1x16xi32> to vector<16xi32>
        %mul3A_427 = arith.constant 256 : i32
        %mul3A_428 = vector.broadcast %mul3A_427 : i32 to vector<16xi32>
        %mul3A_429 = arith.muli %get3A_426, %mul3A_428 : vector<16xi32>
        %get3A_430 = arith.constant 5 : i32
        %get3A_431 = arith.index_cast %get3A_430 : i32 to index
        %get3A_432 = arith.constant 64 : index
        %get3A_433 = tpu.vector_load %arg7[%get3A_431, %get3A_432] {strides = array<i32>} : memref<6x128xi32, #tpu.memory_space<vmem>>, vector<1x16xi32>,
        %get3A_434 = vector.shape_cast %get3A_433 : vector<1x16xi32> to vector<16xi32>
        %add3A_435 = arith.addi %mul3A_429, %get3A_434 : vector<16xi32>
        %swap3A_436 = arith.constant 5 : i32
        %swap3A_437 = arith.index_cast %swap3A_436 : i32 to index
        %swap3A_438 = arith.constant 64 : index
        %swap3A_439 = tpu.vector_load %arg8[%swap3A_437, %swap3A_438] {strides = array<i32>} : memref<6x128xi32, #tpu.memory_space<vmem>>, vector<1x16xi32>,
        %swap3A_440 = vector.shape_cast %swap3A_439 : vector<1x16xi32> to vector<16xi32>
        %swap3A_441 = vector.shape_cast %add3A_435 : vector<16xi32> to vector<1x16xi32>
        tpu.vector_store %arg8[%swap3A_437, %swap3A_438], %swap3A_441 {strides = array<i32>} : memref<6x128xi32, #tpu.memory_space<vmem>>, vector<1x16xi32>,
        %get3A_442 = arith.constant 5 : i32
        %get3A_443 = arith.index_cast %get3A_442 : i32 to index
        %get3A_444 = arith.constant 80 : index
        %get3A_445 = tpu.vector_load %arg6[%get3A_443, %get3A_444] {strides = array<i32>} : memref<6x128xi32, #tpu.memory_space<vmem>>, vector<1x16xi32>,
        %get3A_446 = vector.shape_cast %get3A_445 : vector<1x16xi32> to vector<16xi32>
        %mul3A_447 = arith.constant 256 : i32
        %mul3A_448 = vector.broadcast %mul3A_447 : i32 to vector<16xi32>
        %mul3A_449 = arith.muli %get3A_446, %mul3A_448 : vector<16xi32>
        %get3A_450 = arith.constant 5 : i32
        %get3A_451 = arith.index_cast %get3A_450 : i32 to index
        %get3A_452 = arith.constant 80 : index
        %get3A_453 = tpu.vector_load %arg7[%get3A_451, %get3A_452] {strides = array<i32>} : memref<6x128xi32, #tpu.memory_space<vmem>>, vector<1x16xi32>,
        %get3A_454 = vector.shape_cast %get3A_453 : vector<1x16xi32> to vector<16xi32>
        %add3A_455 = arith.addi %mul3A_449, %get3A_454 : vector<16xi32>
        %swap3A_456 = arith.constant 5 : i32
        %swap3A_457 = arith.index_cast %swap3A_456 : i32 to index
        %swap3A_458 = arith.constant 80 : index
        %swap3A_459 = tpu.vector_load %arg8[%swap3A_457, %swap3A_458] {strides = array<i32>} : memref<6x128xi32, #tpu.memory_space<vmem>>, vector<1x16xi32>,
        %swap3A_460 = vector.shape_cast %swap3A_459 : vector<1x16xi32> to vector<16xi32>
        %swap3A_461 = vector.shape_cast %add3A_455 : vector<16xi32> to vector<1x16xi32>
        tpu.vector_store %arg8[%swap3A_457, %swap3A_458], %swap3A_461 {strides = array<i32>} : memref<6x128xi32, #tpu.memory_space<vmem>>, vector<1x16xi32>,
        %get3A_462 = arith.constant 5 : i32
        %get3A_463 = arith.index_cast %get3A_462 : i32 to index
        %get3A_464 = arith.constant 96 : index
        %get3A_465 = tpu.vector_load %arg6[%get3A_463, %get3A_464] {strides = array<i32>} : memref<6x128xi32, #tpu.memory_space<vmem>>, vector<1x16xi32>,
        %get3A_466 = vector.shape_cast %get3A_465 : vector<1x16xi32> to vector<16xi32>
        %mul3A_467 = arith.constant 256 : i32
        %mul3A_468 = vector.broadcast %mul3A_467 : i32 to vector<16xi32>
        %mul3A_469 = arith.muli %get3A_466, %mul3A_468 : vector<16xi32>
        %get3A_470 = arith.constant 5 : i32
        %get3A_471 = arith.index_cast %get3A_470 : i32 to index
        %get3A_472 = arith.constant 96 : index
        %get3A_473 = tpu.vector_load %arg7[%get3A_471, %get3A_472] {strides = array<i32>} : memref<6x128xi32, #tpu.memory_space<vmem>>, vector<1x16xi32>,
        %get3A_474 = vector.shape_cast %get3A_473 : vector<1x16xi32> to vector<16xi32>
        %add3A_475 = arith.addi %mul3A_469, %get3A_474 : vector<16xi32>
        %swap3A_476 = arith.constant 5 : i32
        %swap3A_477 = arith.index_cast %swap3A_476 : i32 to index
        %swap3A_478 = arith.constant 96 : index
        %swap3A_479 = tpu.vector_load %arg8[%swap3A_477, %swap3A_478] {strides = array<i32>} : memref<6x128xi32, #tpu.memory_space<vmem>>, vector<1x16xi32>,
        %swap3A_480 = vector.shape_cast %swap3A_479 : vector<1x16xi32> to vector<16xi32>
        %swap3A_481 = vector.shape_cast %add3A_475 : vector<16xi32> to vector<1x16xi32>
        tpu.vector_store %arg8[%swap3A_477, %swap3A_478], %swap3A_481 {strides = array<i32>} : memref<6x128xi32, #tpu.memory_space<vmem>>, vector<1x16xi32>,
        %get3A_482 = arith.constant 5 : i32
        %get3A_483 = arith.index_cast %get3A_482 : i32 to index
        %get3A_484 = arith.constant 112 : index
        %get3A_485 = tpu.vector_load %arg6[%get3A_483, %get3A_484] {strides = array<i32>} : memref<6x128xi32, #tpu.memory_space<vmem>>, vector<1x16xi32>,
        %get3A_486 = vector.shape_cast %get3A_485 : vector<1x16xi32> to vector<16xi32>
        %mul3A_487 = arith.constant 256 : i32
        %mul3A_488 = vector.broadcast %mul3A_487 : i32 to vector<16xi32>
        %mul3A_489 = arith.muli %get3A_486, %mul3A_488 : vector<16xi32>
        %get3A_490 = arith.constant 5 : i32
        %get3A_491 = arith.index_cast %get3A_490 : i32 to index
        %get3A_492 = arith.constant 112 : index
        %get3A_493 = tpu.vector_load %arg7[%get3A_491, %get3A_492] {strides = array<i32>} : memref<6x128xi32, #tpu.memory_space<vmem>>, vector<1x16xi32>,
        %get3A_494 = vector.shape_cast %get3A_493 : vector<1x16xi32> to vector<16xi32>
        %add3A_495 = arith.addi %mul3A_489, %get3A_494 : vector<16xi32>
        %swap3A_496 = arith.constant 5 : i32
        %swap3A_497 = arith.index_cast %swap3A_496 : i32 to index
        %swap3A_498 = arith.constant 112 : index
        %swap3A_499 = tpu.vector_load %arg8[%swap3A_497, %swap3A_498] {strides = array<i32>} : memref<6x128xi32, #tpu.memory_space<vmem>>, vector<1x16xi32>,
        %swap3A_500 = vector.shape_cast %swap3A_499 : vector<1x16xi32> to vector<16xi32>
        %swap3A_501 = vector.shape_cast %add3A_495 : vector<16xi32> to vector<1x16xi32>
        tpu.vector_store %arg8[%swap3A_497, %swap3A_498], %swap3A_501 {strides = array<i32>} : memref<6x128xi32, #tpu.memory_space<vmem>>, vector<1x16xi32>,
        %dma_start3A = arith.constant 5 : i32
        %dma_start3A_502 = arith.constant 5 : i32
        %dma_start3A_503 = arith.constant 0 : i32
        %dma_start3A_504 = arith.constant 0 : i32
        %dma_start3A_505 = tpu.memref_slice %arg9[%dma_start3A_502, %dma_start3A_503, %dma_start3A_504] : memref<6x128x128xf32, #tpu.memory_space<vmem>> -> memref<1x128x128xf32, #tpu.memory_space<vmem>>
        %dma_start3A_506 = tpu.memref_squeeze %dma_start3A_505 : memref<1x128x128xf32, #tpu.memory_space<vmem>> -> memref<128x128xf32, #tpu.memory_space<vmem>>
        %dma_start3A_507 = arith.constant 0 : i32
        %dma_start3A_508 = tpu.memref_slice %arg8[%dma_start3A, %dma_start3A_507] : memref<6x128xi32, #tpu.memory_space<vmem>> -> memref<1x128xi32, #tpu.memory_space<vmem>>
        %dma_start3A_509 = tpu.memref_squeeze %dma_start3A_508 : memref<1x128xi32, #tpu.memory_space<vmem>> -> memref<128xi32, #tpu.memory_space<vmem>>
        %dma_start3A_510 = arith.constant 0 : i32
        %dma_start3A_511 = arith.constant 0 : i32
        %dma_start3A_512 = tpu.memref_slice %arg4[%dma_start3A_510, %dma_start3A_511] : memref<65536x128xf32, #tpu.memory_space<hbm>> -> memref<65536x128xf32, #tpu.memory_space<hbm>>
        tpu.enqueue_indirect_dma source(%dma_start3A_512 : memref<65536x128xf32, #tpu.memory_space<hbm>>) target(%dma_start3A_506 : memref<128x128xf32, #tpu.memory_space<vmem>>) offsets(%dma_start3A_509 : memref<128xi32, #tpu.memory_space<vmem>>) semaphore(%arg21 : memref<!tpu.dma_semaphore, #tpu.memory_space<semaphore_mem>>)
      } else {
      }
      %sub3A_158 = arith.constant 2 : i32
      %sub3A_159 = arith.subi %add3A_134, %sub3A_158 : i32
      %sub3A_160 = arith.constant 2 : i32
      %sub3A_161 = arith.subi %sub3A_159, %sub3A_160 : i32
      %ge3A_162 = arith.constant 0 : i32
      %ge3A_163 = arith.cmpi sge, %sub3A_161, %ge3A_162 : i32
      %lt3A_164 = arith.constant 200 : i32
      %lt3A_165 = arith.cmpi slt, %sub3A_161, %lt3A_164 : i32
      %and3A_166 = arith.andi %ge3A_163, %lt3A_165 : i1
      %convert_element_type3A_167 = arith.extui %and3A_166 : i1 to i32
      %cond3A_168 = arith.constant 0 : i32
      %cond3A_169 = arith.cmpi ne, %convert_element_type3A_167, %cond3A_168 : i32
      scf.if %cond3A_169 {
        %dma_wait3A_326 = arith.constant 3 : i32
        %dma_wait3A_327 = arith.constant 3 : i32
        %dma_wait3A_328 = arith.constant 0 : i32
        %dma_wait3A_329 = arith.constant 0 : i32
        %dma_wait3A_330 = tpu.memref_slice %arg9[%dma_wait3A_327, %dma_wait3A_328, %dma_wait3A_329] : memref<6x128x128xf32, #tpu.memory_space<vmem>> -> memref<1x128x128xf32, #tpu.memory_space<vmem>>
        %dma_wait3A_331 = tpu.memref_squeeze %dma_wait3A_330 : memref<1x128x128xf32, #tpu.memory_space<vmem>> -> memref<128x128xf32, #tpu.memory_space<vmem>>
        %dma_wait3A_332 = arith.constant 0 : i32
        %dma_wait3A_333 = tpu.memref_slice %arg8[%dma_wait3A_326, %dma_wait3A_332] : memref<6x128xi32, #tpu.memory_space<vmem>> -> memref<1x128xi32, #tpu.memory_space<vmem>>
        %dma_wait3A_334 = tpu.memref_squeeze %dma_wait3A_333 : memref<1x128xi32, #tpu.memory_space<vmem>> -> memref<128xi32, #tpu.memory_space<vmem>>
        %dma_wait3A_335 = arith.constant 0 : i32
        %dma_wait3A_336 = arith.constant 0 : i32
        %dma_wait3A_337 = tpu.memref_slice %arg4[%dma_wait3A_335, %dma_wait3A_336] : memref<65536x128xf32, #tpu.memory_space<hbm>> -> memref<65536x128xf32, #tpu.memory_space<hbm>>
        tpu.wait_indirect_dma semaphore(%arg19 : memref<!tpu.dma_semaphore, #tpu.memory_space<semaphore_mem>>) src(%dma_wait3A_337 : memref<65536x128xf32, #tpu.memory_space<hbm>>) dst(%dma_wait3A_331 : memref<128x128xf32, #tpu.memory_space<vmem>>)
        %mul3A_338 = arith.constant 128 : i32
        %mul3A_339 = arith.muli %sub3A_161, %mul3A_338 : i32
        %add3A_340 = arith.addi %mul3A_2, %mul3A_339 : i32
        %dma_start3A = arith.constant 3 : i32
        %dma_start3A_341 = arith.constant 0 : i32
        %dma_start3A_342 = arith.constant 0 : i32
        %dma_start3A_343 = tpu.memref_slice %arg9[%dma_start3A, %dma_start3A_341, %dma_start3A_342] : memref<6x128x128xf32, #tpu.memory_space<vmem>> -> memref<1x128x128xf32, #tpu.memory_space<vmem>>
        %dma_start3A_344 = tpu.memref_squeeze %dma_start3A_343 : memref<1x128x128xf32, #tpu.memory_space<vmem>> -> memref<128x128xf32, #tpu.memory_space<vmem>>
        %dma_start3A_345 = arith.constant 0 : i32
        %dma_start3A_346 = tpu.memref_slice %arg5[%add3A_340, %dma_start3A_345] : memref<819200x128xf32, #tpu.memory_space<hbm>> -> memref<128x128xf32, #tpu.memory_space<hbm>>
        %dma_start3A_347 = arith.constant 0 : i32
        %dma_start3A_348 = tpu.memref_slice %arg5[%add3A_340, %dma_start3A_347] : memref<819200x128xf32, #tpu.memory_space<hbm>> -> memref<128x128xf32, #tpu.memory_space<hbm>>
        %dma_start3A_349 = arith.constant 0 : i32
        %dma_start3A_350 = arith.constant 0 : i32
        %dma_start3A_351 = tpu.memref_slice %arg9[%dma_start3A, %dma_start3A_349, %dma_start3A_350] : memref<6x128x128xf32, #tpu.memory_space<vmem>> -> memref<1x128x128xf32, #tpu.memory_space<vmem>>
        %dma_start3A_352 = tpu.memref_squeeze %dma_start3A_351 : memref<1x128x128xf32, #tpu.memory_space<vmem>> -> memref<128x128xf32, #tpu.memory_space<vmem>>
        tpu.enqueue_dma source(%dma_start3A_352 : memref<128x128xf32, #tpu.memory_space<vmem>>) target(%dma_start3A_348 : memref<128x128xf32, #tpu.memory_space<hbm>>) target_semaphore(%arg25 : memref<!tpu.dma_semaphore, #tpu.memory_space<semaphore_mem>>)
      } else {
      }
      %mul3A_170 = arith.constant 6 : i32
      %mul3A_171 = arith.muli %scan3A_97, %mul3A_170 : i32
      %add3A_172 = arith.constant 2 : i32
      %add3A_173 = arith.addi %mul3A_171, %add3A_172 : i32
      %ge3A_174 = arith.constant 6 : i32
      %ge3A_175 = arith.cmpi sge, %add3A_173, %ge3A_174 : i32
      %lt3A_176 = arith.constant 200 : i32
      %lt3A_177 = arith.cmpi slt, %add3A_173, %lt3A_176 : i32
      %and3A_178 = arith.andi %ge3A_175, %lt3A_177 : i1
      %convert_element_type3A_179 = arith.extui %and3A_178 : i1 to i32
      %cond3A_180 = arith.constant 0 : i32
      %cond3A_181 = arith.cmpi ne, %convert_element_type3A_179, %cond3A_180 : i32
      scf.if %cond3A_181 {
        %sub3A_326 = arith.constant 6 : i32
        %sub3A_327 = arith.subi %add3A_173, %sub3A_326 : i32
        %mul3A_328 = arith.constant 128 : i32
        %mul3A_329 = arith.muli %sub3A_327, %mul3A_328 : i32
        %add3A_330 = arith.addi %mul3A_2, %mul3A_329 : i32
        %dma_wait3A_331 = arith.constant 2 : i32
        %dma_wait3A_332 = arith.constant 0 : i32
        %dma_wait3A_333 = arith.constant 0 : i32
        %dma_wait3A_334 = tpu.memref_slice %arg9[%dma_wait3A_331, %dma_wait3A_332, %dma_wait3A_333] : memref<6x128x128xf32, #tpu.memory_space<vmem>> -> memref<1x128x128xf32, #tpu.memory_space<vmem>>
        %dma_wait3A_335 = tpu.memref_squeeze %dma_wait3A_334 : memref<1x128x128xf32, #tpu.memory_space<vmem>> -> memref<128x128xf32, #tpu.memory_space<vmem>>
        %dma_wait3A_336 = arith.constant 0 : i32
        %dma_wait3A_337 = tpu.memref_slice %arg5[%add3A_330, %dma_wait3A_336] : memref<819200x128xf32, #tpu.memory_space<hbm>> -> memref<128x128xf32, #tpu.memory_space<hbm>>
        %dma_wait3A_338 = arith.constant 0 : i32
        %dma_wait3A_339 = tpu.memref_slice %arg5[%add3A_330, %dma_wait3A_338] : memref<819200x128xf32, #tpu.memory_space<hbm>> -> memref<128x128xf32, #tpu.memory_space<hbm>>
        %dma_wait3A_340 = arith.constant 0 : i32
        %dma_wait3A_341 = arith.constant 0 : i32
        %dma_wait3A_342 = tpu.memref_slice %arg9[%dma_wait3A_331, %dma_wait3A_340, %dma_wait3A_341] : memref<6x128x128xf32, #tpu.memory_space<vmem>> -> memref<1x128x128xf32, #tpu.memory_space<vmem>>
        %dma_wait3A_343 = tpu.memref_squeeze %dma_wait3A_342 : memref<1x128x128xf32, #tpu.memory_space<vmem>> -> memref<128x128xf32, #tpu.memory_space<vmem>>
        tpu.wait_dma2 semaphore(%arg24 : memref<!tpu.dma_semaphore, #tpu.memory_space<semaphore_mem>>) src(%dma_wait3A_343 : memref<128x128xf32, #tpu.memory_space<vmem>>) dst(%dma_wait3A_339 : memref<128x128xf32, #tpu.memory_space<hbm>>)
      } else {
      }
      %lt3A_182 = arith.constant 200 : i32
      %lt3A_183 = arith.cmpi slt, %add3A_173, %lt3A_182 : i32
      %convert_element_type3A_184 = arith.extui %lt3A_183 : i1 to i32
      %cond3A_185 = arith.constant 0 : i32
      %cond3A_186 = arith.cmpi ne, %convert_element_type3A_184, %cond3A_185 : i32
      scf.if %cond3A_186 {
        %mul3A_326 = arith.constant 128 : i32
        %mul3A_327 = arith.muli %add3A_173, %mul3A_326 : i32
        %add3A_328 = arith.addi %mul3A_2, %mul3A_327 : i32
        %dma_start3A = arith.constant 2 : i32
        %dma_start3A_329 = arith.constant 0 : i32
        %dma_start3A_330 = tpu.memref_slice %arg6[%dma_start3A, %dma_start3A_329] : memref<6x128xi32, #tpu.memory_space<vmem>> -> memref<1x128xi32, #tpu.memory_space<vmem>>
        %dma_start3A_331 = tpu.memref_squeeze %dma_start3A_330 : memref<1x128xi32, #tpu.memory_space<vmem>> -> memref<128xi32, #tpu.memory_space<vmem>>
        %dma_start3A_332 = tpu.memref_slice %arg2[%add3A_328] : memref<819200xi32, #tpu.memory_space<hbm>> -> memref<128xi32, #tpu.memory_space<hbm>>
        %dma_start3A_333 = arith.constant 0 : i32
        %dma_start3A_334 = tpu.memref_slice %arg6[%dma_start3A, %dma_start3A_333] : memref<6x128xi32, #tpu.memory_space<vmem>> -> memref<1x128xi32, #tpu.memory_space<vmem>>
        %dma_start3A_335 = tpu.memref_squeeze %dma_start3A_334 : memref<1x128xi32, #tpu.memory_space<vmem>> -> memref<128xi32, #tpu.memory_space<vmem>>
        %dma_start3A_336 = tpu.memref_slice %arg2[%add3A_328] : memref<819200xi32, #tpu.memory_space<hbm>> -> memref<128xi32, #tpu.memory_space<hbm>>
        tpu.enqueue_dma source(%dma_start3A_336 : memref<128xi32, #tpu.memory_space<hbm>>) target(%dma_start3A_335 : memref<128xi32, #tpu.memory_space<vmem>>) target_semaphore(%arg12 : memref<!tpu.dma_semaphore, #tpu.memory_space<semaphore_mem>>)
        %mul3A_337 = arith.constant 128 : i32
        %mul3A_338 = arith.muli %add3A_173, %mul3A_337 : i32
        %add3A_339 = arith.addi %mul3A_2, %mul3A_338 : i32
        %dma_start3A_340 = arith.constant 2 : i32
        %dma_start3A_341 = arith.constant 0 : i32
        %dma_start3A_342 = tpu.memref_slice %arg7[%dma_start3A_340, %dma_start3A_341] : memref<6x128xi32, #tpu.memory_space<vmem>> -> memref<1x128xi32, #tpu.memory_space<vmem>>
        %dma_start3A_343 = tpu.memref_squeeze %dma_start3A_342 : memref<1x128xi32, #tpu.memory_space<vmem>> -> memref<128xi32, #tpu.memory_space<vmem>>
        %dma_start3A_344 = tpu.memref_slice %arg3[%add3A_339] : memref<819200xi32, #tpu.memory_space<hbm>> -> memref<128xi32, #tpu.memory_space<hbm>>
        %dma_start3A_345 = arith.constant 0 : i32
        %dma_start3A_346 = tpu.memref_slice %arg7[%dma_start3A_340, %dma_start3A_345] : memref<6x128xi32, #tpu.memory_space<vmem>> -> memref<1x128xi32, #tpu.memory_space<vmem>>
        %dma_start3A_347 = tpu.memref_squeeze %dma_start3A_346 : memref<1x128xi32, #tpu.memory_space<vmem>> -> memref<128xi32, #tpu.memory_space<vmem>>
        %dma_start3A_348 = tpu.memref_slice %arg3[%add3A_339] : memref<819200xi32, #tpu.memory_space<hbm>> -> memref<128xi32, #tpu.memory_space<hbm>>
        tpu.enqueue_dma source(%dma_start3A_348 : memref<128xi32, #tpu.memory_space<hbm>>) target(%dma_start3A_347 : memref<128xi32, #tpu.memory_space<vmem>>) target_semaphore(%arg12 : memref<!tpu.dma_semaphore, #tpu.memory_space<semaphore_mem>>)
      } else {
      }
      %sub3A_187 = arith.constant 2 : i32
      %sub3A_188 = arith.subi %add3A_173, %sub3A_187 : i32
      %ge3A_189 = arith.constant 0 : i32
      %ge3A_190 = arith.cmpi sge, %sub3A_188, %ge3A_189 : i32
      %lt3A_191 = arith.constant 200 : i32
      %lt3A_192 = arith.cmpi slt, %sub3A_188, %lt3A_191 : i32
      %and3A_193 = arith.andi %ge3A_190, %lt3A_192 : i1
      %convert_element_type3A_194 = arith.extui %and3A_193 : i1 to i32
      %cond3A_195 = arith.constant 0 : i32
      %cond3A_196 = arith.cmpi ne, %convert_element_type3A_194, %cond3A_195 : i32
      scf.if %cond3A_196 {
        %dma_wait3A_326 = arith.constant 0 : i32
        %dma_wait3A_327 = arith.constant 0 : i32
        %dma_wait3A_328 = tpu.memref_slice %arg6[%dma_wait3A_326, %dma_wait3A_327] : memref<6x128xi32, #tpu.memory_space<vmem>> -> memref<1x128xi32, #tpu.memory_space<vmem>>
        %dma_wait3A_329 = tpu.memref_squeeze %dma_wait3A_328 : memref<1x128xi32, #tpu.memory_space<vmem>> -> memref<128xi32, #tpu.memory_space<vmem>>
        %dma_wait3A_330 = tpu.memref_slice %arg2[%mul3A_2] : memref<819200xi32, #tpu.memory_space<hbm>> -> memref<128xi32, #tpu.memory_space<hbm>>
        %dma_wait3A_331 = arith.constant 0 : i32
        %dma_wait3A_332 = tpu.memref_slice %arg6[%dma_wait3A_326, %dma_wait3A_331] : memref<6x128xi32, #tpu.memory_space<vmem>> -> memref<1x128xi32, #tpu.memory_space<vmem>>
        %dma_wait3A_333 = tpu.memref_squeeze %dma_wait3A_332 : memref<1x128xi32, #tpu.memory_space<vmem>> -> memref<128xi32, #tpu.memory_space<vmem>>
        %dma_wait3A_334 = tpu.memref_slice %arg2[%mul3A_2] : memref<819200xi32, #tpu.memory_space<hbm>> -> memref<128xi32, #tpu.memory_space<hbm>>
        tpu.wait_dma2 semaphore(%arg10 : memref<!tpu.dma_semaphore, #tpu.memory_space<semaphore_mem>>) src(%dma_wait3A_334 : memref<128xi32, #tpu.memory_space<hbm>>) dst(%dma_wait3A_333 : memref<128xi32, #tpu.memory_space<vmem>>)
        %dma_wait3A_335 = arith.constant 0 : i32
        %dma_wait3A_336 = arith.constant 0 : i32
        %dma_wait3A_337 = tpu.memref_slice %arg7[%dma_wait3A_335, %dma_wait3A_336] : memref<6x128xi32, #tpu.memory_space<vmem>> -> memref<1x128xi32, #tpu.memory_space<vmem>>
        %dma_wait3A_338 = tpu.memref_squeeze %dma_wait3A_337 : memref<1x128xi32, #tpu.memory_space<vmem>> -> memref<128xi32, #tpu.memory_space<vmem>>
        %dma_wait3A_339 = tpu.memref_slice %arg3[%mul3A_2] : memref<819200xi32, #tpu.memory_space<hbm>> -> memref<128xi32, #tpu.memory_space<hbm>>
        %dma_wait3A_340 = arith.constant 0 : i32
        %dma_wait3A_341 = tpu.memref_slice %arg7[%dma_wait3A_335, %dma_wait3A_340] : memref<6x128xi32, #tpu.memory_space<vmem>> -> memref<1x128xi32, #tpu.memory_space<vmem>>
        %dma_wait3A_342 = tpu.memref_squeeze %dma_wait3A_341 : memref<1x128xi32, #tpu.memory_space<vmem>> -> memref<128xi32, #tpu.memory_space<vmem>>
        %dma_wait3A_343 = tpu.memref_slice %arg3[%mul3A_2] : memref<819200xi32, #tpu.memory_space<hbm>> -> memref<128xi32, #tpu.memory_space<hbm>>
        tpu.wait_dma2 semaphore(%arg10 : memref<!tpu.dma_semaphore, #tpu.memory_space<semaphore_mem>>) src(%dma_wait3A_343 : memref<128xi32, #tpu.memory_space<hbm>>) dst(%dma_wait3A_342 : memref<128xi32, #tpu.memory_space<vmem>>)
        %get3A = arith.constant 0 : i32
        %get3A_344 = arith.index_cast %get3A : i32 to index
        %get3A_345 = arith.constant 0 : index
        %get3A_346 = tpu.vector_load %arg6[%get3A_344, %get3A_345] {strides = array<i32>} : memref<6x128xi32, #tpu.memory_space<vmem>>, vector<1x16xi32>,
        %get3A_347 = vector.shape_cast %get3A_346 : vector<1x16xi32> to vector<16xi32>
        %mul3A_348 = arith.constant 256 : i32
        %mul3A_349 = vector.broadcast %mul3A_348 : i32 to vector<16xi32>
        %mul3A_350 = arith.muli %get3A_347, %mul3A_349 : vector<16xi32>
        %get3A_351 = arith.constant 0 : i32
        %get3A_352 = arith.index_cast %get3A_351 : i32 to index
        %get3A_353 = arith.constant 0 : index
        %get3A_354 = tpu.vector_load %arg7[%get3A_352, %get3A_353] {strides = array<i32>} : memref<6x128xi32, #tpu.memory_space<vmem>>, vector<1x16xi32>,
        %get3A_355 = vector.shape_cast %get3A_354 : vector<1x16xi32> to vector<16xi32>
        %add3A_356 = arith.addi %mul3A_350, %get3A_355 : vector<16xi32>
        %swap3A = arith.constant 0 : i32
        %swap3A_357 = arith.index_cast %swap3A : i32 to index
        %swap3A_358 = arith.constant 0 : index
        %swap3A_359 = tpu.vector_load %arg8[%swap3A_357, %swap3A_358] {strides = array<i32>} : memref<6x128xi32, #tpu.memory_space<vmem>>, vector<1x16xi32>,
        %swap3A_360 = vector.shape_cast %swap3A_359 : vector<1x16xi32> to vector<16xi32>
        %swap3A_361 = vector.shape_cast %add3A_356 : vector<16xi32> to vector<1x16xi32>
        tpu.vector_store %arg8[%swap3A_357, %swap3A_358], %swap3A_361 {strides = array<i32>} : memref<6x128xi32, #tpu.memory_space<vmem>>, vector<1x16xi32>,
        %get3A_362 = arith.constant 0 : i32
        %get3A_363 = arith.index_cast %get3A_362 : i32 to index
        %get3A_364 = arith.constant 16 : index
        %get3A_365 = tpu.vector_load %arg6[%get3A_363, %get3A_364] {strides = array<i32>} : memref<6x128xi32, #tpu.memory_space<vmem>>, vector<1x16xi32>,
        %get3A_366 = vector.shape_cast %get3A_365 : vector<1x16xi32> to vector<16xi32>
        %mul3A_367 = arith.constant 256 : i32
        %mul3A_368 = vector.broadcast %mul3A_367 : i32 to vector<16xi32>
        %mul3A_369 = arith.muli %get3A_366, %mul3A_368 : vector<16xi32>
        %get3A_370 = arith.constant 0 : i32
        %get3A_371 = arith.index_cast %get3A_370 : i32 to index
        %get3A_372 = arith.constant 16 : index
        %get3A_373 = tpu.vector_load %arg7[%get3A_371, %get3A_372] {strides = array<i32>} : memref<6x128xi32, #tpu.memory_space<vmem>>, vector<1x16xi32>,
        %get3A_374 = vector.shape_cast %get3A_373 : vector<1x16xi32> to vector<16xi32>
        %add3A_375 = arith.addi %mul3A_369, %get3A_374 : vector<16xi32>
        %swap3A_376 = arith.constant 0 : i32
        %swap3A_377 = arith.index_cast %swap3A_376 : i32 to index
        %swap3A_378 = arith.constant 16 : index
        %swap3A_379 = tpu.vector_load %arg8[%swap3A_377, %swap3A_378] {strides = array<i32>} : memref<6x128xi32, #tpu.memory_space<vmem>>, vector<1x16xi32>,
        %swap3A_380 = vector.shape_cast %swap3A_379 : vector<1x16xi32> to vector<16xi32>
        %swap3A_381 = vector.shape_cast %add3A_375 : vector<16xi32> to vector<1x16xi32>
        tpu.vector_store %arg8[%swap3A_377, %swap3A_378], %swap3A_381 {strides = array<i32>} : memref<6x128xi32, #tpu.memory_space<vmem>>, vector<1x16xi32>,
        %get3A_382 = arith.constant 0 : i32
        %get3A_383 = arith.index_cast %get3A_382 : i32 to index
        %get3A_384 = arith.constant 32 : index
        %get3A_385 = tpu.vector_load %arg6[%get3A_383, %get3A_384] {strides = array<i32>} : memref<6x128xi32, #tpu.memory_space<vmem>>, vector<1x16xi32>,
        %get3A_386 = vector.shape_cast %get3A_385 : vector<1x16xi32> to vector<16xi32>
        %mul3A_387 = arith.constant 256 : i32
        %mul3A_388 = vector.broadcast %mul3A_387 : i32 to vector<16xi32>
        %mul3A_389 = arith.muli %get3A_386, %mul3A_388 : vector<16xi32>
        %get3A_390 = arith.constant 0 : i32
        %get3A_391 = arith.index_cast %get3A_390 : i32 to index
        %get3A_392 = arith.constant 32 : index
        %get3A_393 = tpu.vector_load %arg7[%get3A_391, %get3A_392] {strides = array<i32>} : memref<6x128xi32, #tpu.memory_space<vmem>>, vector<1x16xi32>,
        %get3A_394 = vector.shape_cast %get3A_393 : vector<1x16xi32> to vector<16xi32>
        %add3A_395 = arith.addi %mul3A_389, %get3A_394 : vector<16xi32>
        %swap3A_396 = arith.constant 0 : i32
        %swap3A_397 = arith.index_cast %swap3A_396 : i32 to index
        %swap3A_398 = arith.constant 32 : index
        %swap3A_399 = tpu.vector_load %arg8[%swap3A_397, %swap3A_398] {strides = array<i32>} : memref<6x128xi32, #tpu.memory_space<vmem>>, vector<1x16xi32>,
        %swap3A_400 = vector.shape_cast %swap3A_399 : vector<1x16xi32> to vector<16xi32>
        %swap3A_401 = vector.shape_cast %add3A_395 : vector<16xi32> to vector<1x16xi32>
        tpu.vector_store %arg8[%swap3A_397, %swap3A_398], %swap3A_401 {strides = array<i32>} : memref<6x128xi32, #tpu.memory_space<vmem>>, vector<1x16xi32>,
        %get3A_402 = arith.constant 0 : i32
        %get3A_403 = arith.index_cast %get3A_402 : i32 to index
        %get3A_404 = arith.constant 48 : index
        %get3A_405 = tpu.vector_load %arg6[%get3A_403, %get3A_404] {strides = array<i32>} : memref<6x128xi32, #tpu.memory_space<vmem>>, vector<1x16xi32>,
        %get3A_406 = vector.shape_cast %get3A_405 : vector<1x16xi32> to vector<16xi32>
        %mul3A_407 = arith.constant 256 : i32
        %mul3A_408 = vector.broadcast %mul3A_407 : i32 to vector<16xi32>
        %mul3A_409 = arith.muli %get3A_406, %mul3A_408 : vector<16xi32>
        %get3A_410 = arith.constant 0 : i32
        %get3A_411 = arith.index_cast %get3A_410 : i32 to index
        %get3A_412 = arith.constant 48 : index
        %get3A_413 = tpu.vector_load %arg7[%get3A_411, %get3A_412] {strides = array<i32>} : memref<6x128xi32, #tpu.memory_space<vmem>>, vector<1x16xi32>,
        %get3A_414 = vector.shape_cast %get3A_413 : vector<1x16xi32> to vector<16xi32>
        %add3A_415 = arith.addi %mul3A_409, %get3A_414 : vector<16xi32>
        %swap3A_416 = arith.constant 0 : i32
        %swap3A_417 = arith.index_cast %swap3A_416 : i32 to index
        %swap3A_418 = arith.constant 48 : index
        %swap3A_419 = tpu.vector_load %arg8[%swap3A_417, %swap3A_418] {strides = array<i32>} : memref<6x128xi32, #tpu.memory_space<vmem>>, vector<1x16xi32>,
        %swap3A_420 = vector.shape_cast %swap3A_419 : vector<1x16xi32> to vector<16xi32>
        %swap3A_421 = vector.shape_cast %add3A_415 : vector<16xi32> to vector<1x16xi32>
        tpu.vector_store %arg8[%swap3A_417, %swap3A_418], %swap3A_421 {strides = array<i32>} : memref<6x128xi32, #tpu.memory_space<vmem>>, vector<1x16xi32>,
        %get3A_422 = arith.constant 0 : i32
        %get3A_423 = arith.index_cast %get3A_422 : i32 to index
        %get3A_424 = arith.constant 64 : index
        %get3A_425 = tpu.vector_load %arg6[%get3A_423, %get3A_424] {strides = array<i32>} : memref<6x128xi32, #tpu.memory_space<vmem>>, vector<1x16xi32>,
        %get3A_426 = vector.shape_cast %get3A_425 : vector<1x16xi32> to vector<16xi32>
        %mul3A_427 = arith.constant 256 : i32
        %mul3A_428 = vector.broadcast %mul3A_427 : i32 to vector<16xi32>
        %mul3A_429 = arith.muli %get3A_426, %mul3A_428 : vector<16xi32>
        %get3A_430 = arith.constant 0 : i32
        %get3A_431 = arith.index_cast %get3A_430 : i32 to index
        %get3A_432 = arith.constant 64 : index
        %get3A_433 = tpu.vector_load %arg7[%get3A_431, %get3A_432] {strides = array<i32>} : memref<6x128xi32, #tpu.memory_space<vmem>>, vector<1x16xi32>,
        %get3A_434 = vector.shape_cast %get3A_433 : vector<1x16xi32> to vector<16xi32>
        %add3A_435 = arith.addi %mul3A_429, %get3A_434 : vector<16xi32>
        %swap3A_436 = arith.constant 0 : i32
        %swap3A_437 = arith.index_cast %swap3A_436 : i32 to index
        %swap3A_438 = arith.constant 64 : index
        %swap3A_439 = tpu.vector_load %arg8[%swap3A_437, %swap3A_438] {strides = array<i32>} : memref<6x128xi32, #tpu.memory_space<vmem>>, vector<1x16xi32>,
        %swap3A_440 = vector.shape_cast %swap3A_439 : vector<1x16xi32> to vector<16xi32>
        %swap3A_441 = vector.shape_cast %add3A_435 : vector<16xi32> to vector<1x16xi32>
        tpu.vector_store %arg8[%swap3A_437, %swap3A_438], %swap3A_441 {strides = array<i32>} : memref<6x128xi32, #tpu.memory_space<vmem>>, vector<1x16xi32>,
        %get3A_442 = arith.constant 0 : i32
        %get3A_443 = arith.index_cast %get3A_442 : i32 to index
        %get3A_444 = arith.constant 80 : index
        %get3A_445 = tpu.vector_load %arg6[%get3A_443, %get3A_444] {strides = array<i32>} : memref<6x128xi32, #tpu.memory_space<vmem>>, vector<1x16xi32>,
        %get3A_446 = vector.shape_cast %get3A_445 : vector<1x16xi32> to vector<16xi32>
        %mul3A_447 = arith.constant 256 : i32
        %mul3A_448 = vector.broadcast %mul3A_447 : i32 to vector<16xi32>
        %mul3A_449 = arith.muli %get3A_446, %mul3A_448 : vector<16xi32>
        %get3A_450 = arith.constant 0 : i32
        %get3A_451 = arith.index_cast %get3A_450 : i32 to index
        %get3A_452 = arith.constant 80 : index
        %get3A_453 = tpu.vector_load %arg7[%get3A_451, %get3A_452] {strides = array<i32>} : memref<6x128xi32, #tpu.memory_space<vmem>>, vector<1x16xi32>,
        %get3A_454 = vector.shape_cast %get3A_453 : vector<1x16xi32> to vector<16xi32>
        %add3A_455 = arith.addi %mul3A_449, %get3A_454 : vector<16xi32>
        %swap3A_456 = arith.constant 0 : i32
        %swap3A_457 = arith.index_cast %swap3A_456 : i32 to index
        %swap3A_458 = arith.constant 80 : index
        %swap3A_459 = tpu.vector_load %arg8[%swap3A_457, %swap3A_458] {strides = array<i32>} : memref<6x128xi32, #tpu.memory_space<vmem>>, vector<1x16xi32>,
        %swap3A_460 = vector.shape_cast %swap3A_459 : vector<1x16xi32> to vector<16xi32>
        %swap3A_461 = vector.shape_cast %add3A_455 : vector<16xi32> to vector<1x16xi32>
        tpu.vector_store %arg8[%swap3A_457, %swap3A_458], %swap3A_461 {strides = array<i32>} : memref<6x128xi32, #tpu.memory_space<vmem>>, vector<1x16xi32>,
        %get3A_462 = arith.constant 0 : i32
        %get3A_463 = arith.index_cast %get3A_462 : i32 to index
        %get3A_464 = arith.constant 96 : index
        %get3A_465 = tpu.vector_load %arg6[%get3A_463, %get3A_464] {strides = array<i32>} : memref<6x128xi32, #tpu.memory_space<vmem>>, vector<1x16xi32>,
        %get3A_466 = vector.shape_cast %get3A_465 : vector<1x16xi32> to vector<16xi32>
        %mul3A_467 = arith.constant 256 : i32
        %mul3A_468 = vector.broadcast %mul3A_467 : i32 to vector<16xi32>
        %mul3A_469 = arith.muli %get3A_466, %mul3A_468 : vector<16xi32>
        %get3A_470 = arith.constant 0 : i32
        %get3A_471 = arith.index_cast %get3A_470 : i32 to index
        %get3A_472 = arith.constant 96 : index
        %get3A_473 = tpu.vector_load %arg7[%get3A_471, %get3A_472] {strides = array<i32>} : memref<6x128xi32, #tpu.memory_space<vmem>>, vector<1x16xi32>,
        %get3A_474 = vector.shape_cast %get3A_473 : vector<1x16xi32> to vector<16xi32>
        %add3A_475 = arith.addi %mul3A_469, %get3A_474 : vector<16xi32>
        %swap3A_476 = arith.constant 0 : i32
        %swap3A_477 = arith.index_cast %swap3A_476 : i32 to index
        %swap3A_478 = arith.constant 96 : index
        %swap3A_479 = tpu.vector_load %arg8[%swap3A_477, %swap3A_478] {strides = array<i32>} : memref<6x128xi32, #tpu.memory_space<vmem>>, vector<1x16xi32>,
        %swap3A_480 = vector.shape_cast %swap3A_479 : vector<1x16xi32> to vector<16xi32>
        %swap3A_481 = vector.shape_cast %add3A_475 : vector<16xi32> to vector<1x16xi32>
        tpu.vector_store %arg8[%swap3A_477, %swap3A_478], %swap3A_481 {strides = array<i32>} : memref<6x128xi32, #tpu.memory_space<vmem>>, vector<1x16xi32>,
        %get3A_482 = arith.constant 0 : i32
        %get3A_483 = arith.index_cast %get3A_482 : i32 to index
        %get3A_484 = arith.constant 112 : index
        %get3A_485 = tpu.vector_load %arg6[%get3A_483, %get3A_484] {strides = array<i32>} : memref<6x128xi32, #tpu.memory_space<vmem>>, vector<1x16xi32>,
        %get3A_486 = vector.shape_cast %get3A_485 : vector<1x16xi32> to vector<16xi32>
        %mul3A_487 = arith.constant 256 : i32
        %mul3A_488 = vector.broadcast %mul3A_487 : i32 to vector<16xi32>
        %mul3A_489 = arith.muli %get3A_486, %mul3A_488 : vector<16xi32>
        %get3A_490 = arith.constant 0 : i32
        %get3A_491 = arith.index_cast %get3A_490 : i32 to index
        %get3A_492 = arith.constant 112 : index
        %get3A_493 = tpu.vector_load %arg7[%get3A_491, %get3A_492] {strides = array<i32>} : memref<6x128xi32, #tpu.memory_space<vmem>>, vector<1x16xi32>,
        %get3A_494 = vector.shape_cast %get3A_493 : vector<1x16xi32> to vector<16xi32>
        %add3A_495 = arith.addi %mul3A_489, %get3A_494 : vector<16xi32>
        %swap3A_496 = arith.constant 0 : i32
        %swap3A_497 = arith.index_cast %swap3A_496 : i32 to index
        %swap3A_498 = arith.constant 112 : index
        %swap3A_499 = tpu.vector_load %arg8[%swap3A_497, %swap3A_498] {strides = array<i32>} : memref<6x128xi32, #tpu.memory_space<vmem>>, vector<1x16xi32>,
        %swap3A_500 = vector.shape_cast %swap3A_499 : vector<1x16xi32> to vector<16xi32>
        %swap3A_501 = vector.shape_cast %add3A_495 : vector<16xi32> to vector<1x16xi32>
        tpu.vector_store %arg8[%swap3A_497, %swap3A_498], %swap3A_501 {strides = array<i32>} : memref<6x128xi32, #tpu.memory_space<vmem>>, vector<1x16xi32>,
        %dma_start3A = arith.constant 0 : i32
        %dma_start3A_502 = arith.constant 0 : i32
        %dma_start3A_503 = arith.constant 0 : i32
        %dma_start3A_504 = arith.constant 0 : i32
        %dma_start3A_505 = tpu.memref_slice %arg9[%dma_start3A_502, %dma_start3A_503, %dma_start3A_504] : memref<6x128x128xf32, #tpu.memory_space<vmem>> -> memref<1x128x128xf32, #tpu.memory_space<vmem>>
        %dma_start3A_506 = tpu.memref_squeeze %dma_start3A_505 : memref<1x128x128xf32, #tpu.memory_space<vmem>> -> memref<128x128xf32, #tpu.memory_space<vmem>>
        %dma_start3A_507 = arith.constant 0 : i32
        %dma_start3A_508 = tpu.memref_slice %arg8[%dma_start3A, %dma_start3A_507] : memref<6x128xi32, #tpu.memory_space<vmem>> -> memref<1x128xi32, #tpu.memory_space<vmem>>
        %dma_start3A_509 = tpu.memref_squeeze %dma_start3A_508 : memref<1x128xi32, #tpu.memory_space<vmem>> -> memref<128xi32, #tpu.memory_space<vmem>>
        %dma_start3A_510 = arith.constant 0 : i32
        %dma_start3A_511 = arith.constant 0 : i32
        %dma_start3A_512 = tpu.memref_slice %arg4[%dma_start3A_510, %dma_start3A_511] : memref<65536x128xf32, #tpu.memory_space<hbm>> -> memref<65536x128xf32, #tpu.memory_space<hbm>>
        tpu.enqueue_indirect_dma source(%dma_start3A_512 : memref<65536x128xf32, #tpu.memory_space<hbm>>) target(%dma_start3A_506 : memref<128x128xf32, #tpu.memory_space<vmem>>) offsets(%dma_start3A_509 : memref<128xi32, #tpu.memory_space<vmem>>) semaphore(%arg16 : memref<!tpu.dma_semaphore, #tpu.memory_space<semaphore_mem>>)
      } else {
      }
      %sub3A_197 = arith.constant 2 : i32
      %sub3A_198 = arith.subi %add3A_173, %sub3A_197 : i32
      %sub3A_199 = arith.constant 2 : i32
      %sub3A_200 = arith.subi %sub3A_198, %sub3A_199 : i32
      %ge3A_201 = arith.constant 0 : i32
      %ge3A_202 = arith.cmpi sge, %sub3A_200, %ge3A_201 : i32
      %lt3A_203 = arith.constant 200 : i32
      %lt3A_204 = arith.cmpi slt, %sub3A_200, %lt3A_203 : i32
      %and3A_205 = arith.andi %ge3A_202, %lt3A_204 : i1
      %convert_element_type3A_206 = arith.extui %and3A_205 : i1 to i32
      %cond3A_207 = arith.constant 0 : i32
      %cond3A_208 = arith.cmpi ne, %convert_element_type3A_206, %cond3A_207 : i32
      scf.if %cond3A_208 {
        %dma_wait3A_326 = arith.constant 4 : i32
        %dma_wait3A_327 = arith.constant 4 : i32
        %dma_wait3A_328 = arith.constant 0 : i32
        %dma_wait3A_329 = arith.constant 0 : i32
        %dma_wait3A_330 = tpu.memref_slice %arg9[%dma_wait3A_327, %dma_wait3A_328, %dma_wait3A_329] : memref<6x128x128xf32, #tpu.memory_space<vmem>> -> memref<1x128x128xf32, #tpu.memory_space<vmem>>
        %dma_wait3A_331 = tpu.memref_squeeze %dma_wait3A_330 : memref<1x128x128xf32, #tpu.memory_space<vmem>> -> memref<128x128xf32, #tpu.memory_space<vmem>>
        %dma_wait3A_332 = arith.constant 0 : i32
        %dma_wait3A_333 = tpu.memref_slice %arg8[%dma_wait3A_326, %dma_wait3A_332] : memref<6x128xi32, #tpu.memory_space<vmem>> -> memref<1x128xi32, #tpu.memory_space<vmem>>
        %dma_wait3A_334 = tpu.memref_squeeze %dma_wait3A_333 : memref<1x128xi32, #tpu.memory_space<vmem>> -> memref<128xi32, #tpu.memory_space<vmem>>
        %dma_wait3A_335 = arith.constant 0 : i32
        %dma_wait3A_336 = arith.constant 0 : i32
        %dma_wait3A_337 = tpu.memref_slice %arg4[%dma_wait3A_335, %dma_wait3A_336] : memref<65536x128xf32, #tpu.memory_space<hbm>> -> memref<65536x128xf32, #tpu.memory_space<hbm>>
        tpu.wait_indirect_dma semaphore(%arg20 : memref<!tpu.dma_semaphore, #tpu.memory_space<semaphore_mem>>) src(%dma_wait3A_337 : memref<65536x128xf32, #tpu.memory_space<hbm>>) dst(%dma_wait3A_331 : memref<128x128xf32, #tpu.memory_space<vmem>>)
        %mul3A_338 = arith.constant 128 : i32
        %mul3A_339 = arith.muli %sub3A_200, %mul3A_338 : i32
        %add3A_340 = arith.addi %mul3A_2, %mul3A_339 : i32
        %dma_start3A = arith.constant 4 : i32
        %dma_start3A_341 = arith.constant 0 : i32
        %dma_start3A_342 = arith.constant 0 : i32
        %dma_start3A_343 = tpu.memref_slice %arg9[%dma_start3A, %dma_start3A_341, %dma_start3A_342] : memref<6x128x128xf32, #tpu.memory_space<vmem>> -> memref<1x128x128xf32, #tpu.memory_space<vmem>>
        %dma_start3A_344 = tpu.memref_squeeze %dma_start3A_343 : memref<1x128x128xf32, #tpu.memory_space<vmem>> -> memref<128x128xf32, #tpu.memory_space<vmem>>
        %dma_start3A_345 = arith.constant 0 : i32
        %dma_start3A_346 = tpu.memref_slice %arg5[%add3A_340, %dma_start3A_345] : memref<819200x128xf32, #tpu.memory_space<hbm>> -> memref<128x128xf32, #tpu.memory_space<hbm>>
        %dma_start3A_347 = arith.constant 0 : i32
        %dma_start3A_348 = tpu.memref_slice %arg5[%add3A_340, %dma_start3A_347] : memref<819200x128xf32, #tpu.memory_space<hbm>> -> memref<128x128xf32, #tpu.memory_space<hbm>>
        %dma_start3A_349 = arith.constant 0 : i32
        %dma_start3A_350 = arith.constant 0 : i32
        %dma_start3A_351 = tpu.memref_slice %arg9[%dma_start3A, %dma_start3A_349, %dma_start3A_350] : memref<6x128x128xf32, #tpu.memory_space<vmem>> -> memref<1x128x128xf32, #tpu.memory_space<vmem>>
        %dma_start3A_352 = tpu.memref_squeeze %dma_start3A_351 : memref<1x128x128xf32, #tpu.memory_space<vmem>> -> memref<128x128xf32, #tpu.memory_space<vmem>>
        tpu.enqueue_dma source(%dma_start3A_352 : memref<128x128xf32, #tpu.memory_space<vmem>>) target(%dma_start3A_348 : memref<128x128xf32, #tpu.memory_space<hbm>>) target_semaphore(%arg26 : memref<!tpu.dma_semaphore, #tpu.memory_space<semaphore_mem>>)
      } else {
      }
      %mul3A_209 = arith.constant 6 : i32
      %mul3A_210 = arith.muli %scan3A_97, %mul3A_209 : i32
      %add3A_211 = arith.constant 3 : i32
      %add3A_212 = arith.addi %mul3A_210, %add3A_211 : i32
      %ge3A_213 = arith.constant 6 : i32
      %ge3A_214 = arith.cmpi sge, %add3A_212, %ge3A_213 : i32
      %lt3A_215 = arith.constant 200 : i32
      %lt3A_216 = arith.cmpi slt, %add3A_212, %lt3A_215 : i32
      %and3A_217 = arith.andi %ge3A_214, %lt3A_216 : i1
      %convert_element_type3A_218 = arith.extui %and3A_217 : i1 to i32
      %cond3A_219 = arith.constant 0 : i32
      %cond3A_220 = arith.cmpi ne, %convert_element_type3A_218, %cond3A_219 : i32
      scf.if %cond3A_220 {
        %sub3A_326 = arith.constant 6 : i32
        %sub3A_327 = arith.subi %add3A_212, %sub3A_326 : i32
        %mul3A_328 = arith.constant 128 : i32
        %mul3A_329 = arith.muli %sub3A_327, %mul3A_328 : i32
        %add3A_330 = arith.addi %mul3A_2, %mul3A_329 : i32
        %dma_wait3A_331 = arith.constant 3 : i32
        %dma_wait3A_332 = arith.constant 0 : i32
        %dma_wait3A_333 = arith.constant 0 : i32
        %dma_wait3A_334 = tpu.memref_slice %arg9[%dma_wait3A_331, %dma_wait3A_332, %dma_wait3A_333] : memref<6x128x128xf32, #tpu.memory_space<vmem>> -> memref<1x128x128xf32, #tpu.memory_space<vmem>>
        %dma_wait3A_335 = tpu.memref_squeeze %dma_wait3A_334 : memref<1x128x128xf32, #tpu.memory_space<vmem>> -> memref<128x128xf32, #tpu.memory_space<vmem>>
        %dma_wait3A_336 = arith.constant 0 : i32
        %dma_wait3A_337 = tpu.memref_slice %arg5[%add3A_330, %dma_wait3A_336] : memref<819200x128xf32, #tpu.memory_space<hbm>> -> memref<128x128xf32, #tpu.memory_space<hbm>>
        %dma_wait3A_338 = arith.constant 0 : i32
        %dma_wait3A_339 = tpu.memref_slice %arg5[%add3A_330, %dma_wait3A_338] : memref<819200x128xf32, #tpu.memory_space<hbm>> -> memref<128x128xf32, #tpu.memory_space<hbm>>
        %dma_wait3A_340 = arith.constant 0 : i32
        %dma_wait3A_341 = arith.constant 0 : i32
        %dma_wait3A_342 = tpu.memref_slice %arg9[%dma_wait3A_331, %dma_wait3A_340, %dma_wait3A_341] : memref<6x128x128xf32, #tpu.memory_space<vmem>> -> memref<1x128x128xf32, #tpu.memory_space<vmem>>
        %dma_wait3A_343 = tpu.memref_squeeze %dma_wait3A_342 : memref<1x128x128xf32, #tpu.memory_space<vmem>> -> memref<128x128xf32, #tpu.memory_space<vmem>>
        tpu.wait_dma2 semaphore(%arg25 : memref<!tpu.dma_semaphore, #tpu.memory_space<semaphore_mem>>) src(%dma_wait3A_343 : memref<128x128xf32, #tpu.memory_space<vmem>>) dst(%dma_wait3A_339 : memref<128x128xf32, #tpu.memory_space<hbm>>)
      } else {
      }
      %lt3A_221 = arith.constant 200 : i32
      %lt3A_222 = arith.cmpi slt, %add3A_212, %lt3A_221 : i32
      %convert_element_type3A_223 = arith.extui %lt3A_222 : i1 to i32
      %cond3A_224 = arith.constant 0 : i32
      %cond3A_225 = arith.cmpi ne, %convert_element_type3A_223, %cond3A_224 : i32
      scf.if %cond3A_225 {
        %mul3A_326 = arith.constant 128 : i32
        %mul3A_327 = arith.muli %add3A_212, %mul3A_326 : i32
        %add3A_328 = arith.addi %mul3A_2, %mul3A_327 : i32
        %dma_start3A = arith.constant 3 : i32
        %dma_start3A_329 = arith.constant 0 : i32
        %dma_start3A_330 = tpu.memref_slice %arg6[%dma_start3A, %dma_start3A_329] : memref<6x128xi32, #tpu.memory_space<vmem>> -> memref<1x128xi32, #tpu.memory_space<vmem>>
        %dma_start3A_331 = tpu.memref_squeeze %dma_start3A_330 : memref<1x128xi32, #tpu.memory_space<vmem>> -> memref<128xi32, #tpu.memory_space<vmem>>
        %dma_start3A_332 = tpu.memref_slice %arg2[%add3A_328] : memref<819200xi32, #tpu.memory_space<hbm>> -> memref<128xi32, #tpu.memory_space<hbm>>
        %dma_start3A_333 = arith.constant 0 : i32
        %dma_start3A_334 = tpu.memref_slice %arg6[%dma_start3A, %dma_start3A_333] : memref<6x128xi32, #tpu.memory_space<vmem>> -> memref<1x128xi32, #tpu.memory_space<vmem>>
        %dma_start3A_335 = tpu.memref_squeeze %dma_start3A_334 : memref<1x128xi32, #tpu.memory_space<vmem>> -> memref<128xi32, #tpu.memory_space<vmem>>
        %dma_start3A_336 = tpu.memref_slice %arg2[%add3A_328] : memref<819200xi32, #tpu.memory_space<hbm>> -> memref<128xi32, #tpu.memory_space<hbm>>
        tpu.enqueue_dma source(%dma_start3A_336 : memref<128xi32, #tpu.memory_space<hbm>>) target(%dma_start3A_335 : memref<128xi32, #tpu.memory_space<vmem>>) target_semaphore(%arg13 : memref<!tpu.dma_semaphore, #tpu.memory_space<semaphore_mem>>)
        %mul3A_337 = arith.constant 128 : i32
        %mul3A_338 = arith.muli %add3A_212, %mul3A_337 : i32
        %add3A_339 = arith.addi %mul3A_2, %mul3A_338 : i32
        %dma_start3A_340 = arith.constant 3 : i32
        %dma_start3A_341 = arith.constant 0 : i32
        %dma_start3A_342 = tpu.memref_slice %arg7[%dma_start3A_340, %dma_start3A_341] : memref<6x128xi32, #tpu.memory_space<vmem>> -> memref<1x128xi32, #tpu.memory_space<vmem>>
        %dma_start3A_343 = tpu.memref_squeeze %dma_start3A_342 : memref<1x128xi32, #tpu.memory_space<vmem>> -> memref<128xi32, #tpu.memory_space<vmem>>
        %dma_start3A_344 = tpu.memref_slice %arg3[%add3A_339] : memref<819200xi32, #tpu.memory_space<hbm>> -> memref<128xi32, #tpu.memory_space<hbm>>
        %dma_start3A_345 = arith.constant 0 : i32
        %dma_start3A_346 = tpu.memref_slice %arg7[%dma_start3A_340, %dma_start3A_345] : memref<6x128xi32, #tpu.memory_space<vmem>> -> memref<1x128xi32, #tpu.memory_space<vmem>>
        %dma_start3A_347 = tpu.memref_squeeze %dma_start3A_346 : memref<1x128xi32, #tpu.memory_space<vmem>> -> memref<128xi32, #tpu.memory_space<vmem>>
        %dma_start3A_348 = tpu.memref_slice %arg3[%add3A_339] : memref<819200xi32, #tpu.memory_space<hbm>> -> memref<128xi32, #tpu.memory_space<hbm>>
        tpu.enqueue_dma source(%dma_start3A_348 : memref<128xi32, #tpu.memory_space<hbm>>) target(%dma_start3A_347 : memref<128xi32, #tpu.memory_space<vmem>>) target_semaphore(%arg13 : memref<!tpu.dma_semaphore, #tpu.memory_space<semaphore_mem>>)
      } else {
      }
      %sub3A_226 = arith.constant 2 : i32
      %sub3A_227 = arith.subi %add3A_212, %sub3A_226 : i32
      %ge3A_228 = arith.constant 0 : i32
      %ge3A_229 = arith.cmpi sge, %sub3A_227, %ge3A_228 : i32
      %lt3A_230 = arith.constant 200 : i32
      %lt3A_231 = arith.cmpi slt, %sub3A_227, %lt3A_230 : i32
      %and3A_232 = arith.andi %ge3A_229, %lt3A_231 : i1
      %convert_element_type3A_233 = arith.extui %and3A_232 : i1 to i32
      %cond3A_234 = arith.constant 0 : i32
      %cond3A_235 = arith.cmpi ne, %convert_element_type3A_233, %cond3A_234 : i32
      scf.if %cond3A_235 {
        %dma_wait3A_326 = arith.constant 1 : i32
        %dma_wait3A_327 = arith.constant 0 : i32
        %dma_wait3A_328 = tpu.memref_slice %arg6[%dma_wait3A_326, %dma_wait3A_327] : memref<6x128xi32, #tpu.memory_space<vmem>> -> memref<1x128xi32, #tpu.memory_space<vmem>>
        %dma_wait3A_329 = tpu.memref_squeeze %dma_wait3A_328 : memref<1x128xi32, #tpu.memory_space<vmem>> -> memref<128xi32, #tpu.memory_space<vmem>>
        %dma_wait3A_330 = tpu.memref_slice %arg2[%mul3A_2] : memref<819200xi32, #tpu.memory_space<hbm>> -> memref<128xi32, #tpu.memory_space<hbm>>
        %dma_wait3A_331 = arith.constant 0 : i32
        %dma_wait3A_332 = tpu.memref_slice %arg6[%dma_wait3A_326, %dma_wait3A_331] : memref<6x128xi32, #tpu.memory_space<vmem>> -> memref<1x128xi32, #tpu.memory_space<vmem>>
        %dma_wait3A_333 = tpu.memref_squeeze %dma_wait3A_332 : memref<1x128xi32, #tpu.memory_space<vmem>> -> memref<128xi32, #tpu.memory_space<vmem>>
        %dma_wait3A_334 = tpu.memref_slice %arg2[%mul3A_2] : memref<819200xi32, #tpu.memory_space<hbm>> -> memref<128xi32, #tpu.memory_space<hbm>>
        tpu.wait_dma2 semaphore(%arg11 : memref<!tpu.dma_semaphore, #tpu.memory_space<semaphore_mem>>) src(%dma_wait3A_334 : memref<128xi32, #tpu.memory_space<hbm>>) dst(%dma_wait3A_333 : memref<128xi32, #tpu.memory_space<vmem>>)
        %dma_wait3A_335 = arith.constant 1 : i32
        %dma_wait3A_336 = arith.constant 0 : i32
        %dma_wait3A_337 = tpu.memref_slice %arg7[%dma_wait3A_335, %dma_wait3A_336] : memref<6x128xi32, #tpu.memory_space<vmem>> -> memref<1x128xi32, #tpu.memory_space<vmem>>
        %dma_wait3A_338 = tpu.memref_squeeze %dma_wait3A_337 : memref<1x128xi32, #tpu.memory_space<vmem>> -> memref<128xi32, #tpu.memory_space<vmem>>
        %dma_wait3A_339 = tpu.memref_slice %arg3[%mul3A_2] : memref<819200xi32, #tpu.memory_space<hbm>> -> memref<128xi32, #tpu.memory_space<hbm>>
        %dma_wait3A_340 = arith.constant 0 : i32
        %dma_wait3A_341 = tpu.memref_slice %arg7[%dma_wait3A_335, %dma_wait3A_340] : memref<6x128xi32, #tpu.memory_space<vmem>> -> memref<1x128xi32, #tpu.memory_space<vmem>>
        %dma_wait3A_342 = tpu.memref_squeeze %dma_wait3A_341 : memref<1x128xi32, #tpu.memory_space<vmem>> -> memref<128xi32, #tpu.memory_space<vmem>>
        %dma_wait3A_343 = tpu.memref_slice %arg3[%mul3A_2] : memref<819200xi32, #tpu.memory_space<hbm>> -> memref<128xi32, #tpu.memory_space<hbm>>
        tpu.wait_dma2 semaphore(%arg11 : memref<!tpu.dma_semaphore, #tpu.memory_space<semaphore_mem>>) src(%dma_wait3A_343 : memref<128xi32, #tpu.memory_space<hbm>>) dst(%dma_wait3A_342 : memref<128xi32, #tpu.memory_space<vmem>>)
        %get3A = arith.constant 1 : i32
        %get3A_344 = arith.index_cast %get3A : i32 to index
        %get3A_345 = arith.constant 0 : index
        %get3A_346 = tpu.vector_load %arg6[%get3A_344, %get3A_345] {strides = array<i32>} : memref<6x128xi32, #tpu.memory_space<vmem>>, vector<1x16xi32>,
        %get3A_347 = vector.shape_cast %get3A_346 : vector<1x16xi32> to vector<16xi32>
        %mul3A_348 = arith.constant 256 : i32
        %mul3A_349 = vector.broadcast %mul3A_348 : i32 to vector<16xi32>
        %mul3A_350 = arith.muli %get3A_347, %mul3A_349 : vector<16xi32>
        %get3A_351 = arith.constant 1 : i32
        %get3A_352 = arith.index_cast %get3A_351 : i32 to index
        %get3A_353 = arith.constant 0 : index
        %get3A_354 = tpu.vector_load %arg7[%get3A_352, %get3A_353] {strides = array<i32>} : memref<6x128xi32, #tpu.memory_space<vmem>>, vector<1x16xi32>,
        %get3A_355 = vector.shape_cast %get3A_354 : vector<1x16xi32> to vector<16xi32>
        %add3A_356 = arith.addi %mul3A_350, %get3A_355 : vector<16xi32>
        %swap3A = arith.constant 1 : i32
        %swap3A_357 = arith.index_cast %swap3A : i32 to index
        %swap3A_358 = arith.constant 0 : index
        %swap3A_359 = tpu.vector_load %arg8[%swap3A_357, %swap3A_358] {strides = array<i32>} : memref<6x128xi32, #tpu.memory_space<vmem>>, vector<1x16xi32>,
        %swap3A_360 = vector.shape_cast %swap3A_359 : vector<1x16xi32> to vector<16xi32>
        %swap3A_361 = vector.shape_cast %add3A_356 : vector<16xi32> to vector<1x16xi32>
        tpu.vector_store %arg8[%swap3A_357, %swap3A_358], %swap3A_361 {strides = array<i32>} : memref<6x128xi32, #tpu.memory_space<vmem>>, vector<1x16xi32>,
        %get3A_362 = arith.constant 1 : i32
        %get3A_363 = arith.index_cast %get3A_362 : i32 to index
        %get3A_364 = arith.constant 16 : index
        %get3A_365 = tpu.vector_load %arg6[%get3A_363, %get3A_364] {strides = array<i32>} : memref<6x128xi32, #tpu.memory_space<vmem>>, vector<1x16xi32>,
        %get3A_366 = vector.shape_cast %get3A_365 : vector<1x16xi32> to vector<16xi32>
        %mul3A_367 = arith.constant 256 : i32
        %mul3A_368 = vector.broadcast %mul3A_367 : i32 to vector<16xi32>
        %mul3A_369 = arith.muli %get3A_366, %mul3A_368 : vector<16xi32>
        %get3A_370 = arith.constant 1 : i32
        %get3A_371 = arith.index_cast %get3A_370 : i32 to index
        %get3A_372 = arith.constant 16 : index
        %get3A_373 = tpu.vector_load %arg7[%get3A_371, %get3A_372] {strides = array<i32>} : memref<6x128xi32, #tpu.memory_space<vmem>>, vector<1x16xi32>,
        %get3A_374 = vector.shape_cast %get3A_373 : vector<1x16xi32> to vector<16xi32>
        %add3A_375 = arith.addi %mul3A_369, %get3A_374 : vector<16xi32>
        %swap3A_376 = arith.constant 1 : i32
        %swap3A_377 = arith.index_cast %swap3A_376 : i32 to index
        %swap3A_378 = arith.constant 16 : index
        %swap3A_379 = tpu.vector_load %arg8[%swap3A_377, %swap3A_378] {strides = array<i32>} : memref<6x128xi32, #tpu.memory_space<vmem>>, vector<1x16xi32>,
        %swap3A_380 = vector.shape_cast %swap3A_379 : vector<1x16xi32> to vector<16xi32>
        %swap3A_381 = vector.shape_cast %add3A_375 : vector<16xi32> to vector<1x16xi32>
        tpu.vector_store %arg8[%swap3A_377, %swap3A_378], %swap3A_381 {strides = array<i32>} : memref<6x128xi32, #tpu.memory_space<vmem>>, vector<1x16xi32>,
        %get3A_382 = arith.constant 1 : i32
        %get3A_383 = arith.index_cast %get3A_382 : i32 to index
        %get3A_384 = arith.constant 32 : index
        %get3A_385 = tpu.vector_load %arg6[%get3A_383, %get3A_384] {strides = array<i32>} : memref<6x128xi32, #tpu.memory_space<vmem>>, vector<1x16xi32>,
        %get3A_386 = vector.shape_cast %get3A_385 : vector<1x16xi32> to vector<16xi32>
        %mul3A_387 = arith.constant 256 : i32
        %mul3A_388 = vector.broadcast %mul3A_387 : i32 to vector<16xi32>
        %mul3A_389 = arith.muli %get3A_386, %mul3A_388 : vector<16xi32>
        %get3A_390 = arith.constant 1 : i32
        %get3A_391 = arith.index_cast %get3A_390 : i32 to index
        %get3A_392 = arith.constant 32 : index
        %get3A_393 = tpu.vector_load %arg7[%get3A_391, %get3A_392] {strides = array<i32>} : memref<6x128xi32, #tpu.memory_space<vmem>>, vector<1x16xi32>,
        %get3A_394 = vector.shape_cast %get3A_393 : vector<1x16xi32> to vector<16xi32>
        %add3A_395 = arith.addi %mul3A_389, %get3A_394 : vector<16xi32>
        %swap3A_396 = arith.constant 1 : i32
        %swap3A_397 = arith.index_cast %swap3A_396 : i32 to index
        %swap3A_398 = arith.constant 32 : index
        %swap3A_399 = tpu.vector_load %arg8[%swap3A_397, %swap3A_398] {strides = array<i32>} : memref<6x128xi32, #tpu.memory_space<vmem>>, vector<1x16xi32>,
        %swap3A_400 = vector.shape_cast %swap3A_399 : vector<1x16xi32> to vector<16xi32>
        %swap3A_401 = vector.shape_cast %add3A_395 : vector<16xi32> to vector<1x16xi32>
        tpu.vector_store %arg8[%swap3A_397, %swap3A_398], %swap3A_401 {strides = array<i32>} : memref<6x128xi32, #tpu.memory_space<vmem>>, vector<1x16xi32>,
        %get3A_402 = arith.constant 1 : i32
        %get3A_403 = arith.index_cast %get3A_402 : i32 to index
        %get3A_404 = arith.constant 48 : index
        %get3A_405 = tpu.vector_load %arg6[%get3A_403, %get3A_404] {strides = array<i32>} : memref<6x128xi32, #tpu.memory_space<vmem>>, vector<1x16xi32>,
        %get3A_406 = vector.shape_cast %get3A_405 : vector<1x16xi32> to vector<16xi32>
        %mul3A_407 = arith.constant 256 : i32
        %mul3A_408 = vector.broadcast %mul3A_407 : i32 to vector<16xi32>
        %mul3A_409 = arith.muli %get3A_406, %mul3A_408 : vector<16xi32>
        %get3A_410 = arith.constant 1 : i32
        %get3A_411 = arith.index_cast %get3A_410 : i32 to index
        %get3A_412 = arith.constant 48 : index
        %get3A_413 = tpu.vector_load %arg7[%get3A_411, %get3A_412] {strides = array<i32>} : memref<6x128xi32, #tpu.memory_space<vmem>>, vector<1x16xi32>,
        %get3A_414 = vector.shape_cast %get3A_413 : vector<1x16xi32> to vector<16xi32>
        %add3A_415 = arith.addi %mul3A_409, %get3A_414 : vector<16xi32>
        %swap3A_416 = arith.constant 1 : i32
        %swap3A_417 = arith.index_cast %swap3A_416 : i32 to index
        %swap3A_418 = arith.constant 48 : index
        %swap3A_419 = tpu.vector_load %arg8[%swap3A_417, %swap3A_418] {strides = array<i32>} : memref<6x128xi32, #tpu.memory_space<vmem>>, vector<1x16xi32>,
        %swap3A_420 = vector.shape_cast %swap3A_419 : vector<1x16xi32> to vector<16xi32>
        %swap3A_421 = vector.shape_cast %add3A_415 : vector<16xi32> to vector<1x16xi32>
        tpu.vector_store %arg8[%swap3A_417, %swap3A_418], %swap3A_421 {strides = array<i32>} : memref<6x128xi32, #tpu.memory_space<vmem>>, vector<1x16xi32>,
        %get3A_422 = arith.constant 1 : i32
        %get3A_423 = arith.index_cast %get3A_422 : i32 to index
        %get3A_424 = arith.constant 64 : index
        %get3A_425 = tpu.vector_load %arg6[%get3A_423, %get3A_424] {strides = array<i32>} : memref<6x128xi32, #tpu.memory_space<vmem>>, vector<1x16xi32>,
        %get3A_426 = vector.shape_cast %get3A_425 : vector<1x16xi32> to vector<16xi32>
        %mul3A_427 = arith.constant 256 : i32
        %mul3A_428 = vector.broadcast %mul3A_427 : i32 to vector<16xi32>
        %mul3A_429 = arith.muli %get3A_426, %mul3A_428 : vector<16xi32>
        %get3A_430 = arith.constant 1 : i32
        %get3A_431 = arith.index_cast %get3A_430 : i32 to index
        %get3A_432 = arith.constant 64 : index
        %get3A_433 = tpu.vector_load %arg7[%get3A_431, %get3A_432] {strides = array<i32>} : memref<6x128xi32, #tpu.memory_space<vmem>>, vector<1x16xi32>,
        %get3A_434 = vector.shape_cast %get3A_433 : vector<1x16xi32> to vector<16xi32>
        %add3A_435 = arith.addi %mul3A_429, %get3A_434 : vector<16xi32>
        %swap3A_436 = arith.constant 1 : i32
        %swap3A_437 = arith.index_cast %swap3A_436 : i32 to index
        %swap3A_438 = arith.constant 64 : index
        %swap3A_439 = tpu.vector_load %arg8[%swap3A_437, %swap3A_438] {strides = array<i32>} : memref<6x128xi32, #tpu.memory_space<vmem>>, vector<1x16xi32>,
        %swap3A_440 = vector.shape_cast %swap3A_439 : vector<1x16xi32> to vector<16xi32>
        %swap3A_441 = vector.shape_cast %add3A_435 : vector<16xi32> to vector<1x16xi32>
        tpu.vector_store %arg8[%swap3A_437, %swap3A_438], %swap3A_441 {strides = array<i32>} : memref<6x128xi32, #tpu.memory_space<vmem>>, vector<1x16xi32>,
        %get3A_442 = arith.constant 1 : i32
        %get3A_443 = arith.index_cast %get3A_442 : i32 to index
        %get3A_444 = arith.constant 80 : index
        %get3A_445 = tpu.vector_load %arg6[%get3A_443, %get3A_444] {strides = array<i32>} : memref<6x128xi32, #tpu.memory_space<vmem>>, vector<1x16xi32>,
        %get3A_446 = vector.shape_cast %get3A_445 : vector<1x16xi32> to vector<16xi32>
        %mul3A_447 = arith.constant 256 : i32
        %mul3A_448 = vector.broadcast %mul3A_447 : i32 to vector<16xi32>
        %mul3A_449 = arith.muli %get3A_446, %mul3A_448 : vector<16xi32>
        %get3A_450 = arith.constant 1 : i32
        %get3A_451 = arith.index_cast %get3A_450 : i32 to index
        %get3A_452 = arith.constant 80 : index
        %get3A_453 = tpu.vector_load %arg7[%get3A_451, %get3A_452] {strides = array<i32>} : memref<6x128xi32, #tpu.memory_space<vmem>>, vector<1x16xi32>,
        %get3A_454 = vector.shape_cast %get3A_453 : vector<1x16xi32> to vector<16xi32>
        %add3A_455 = arith.addi %mul3A_449, %get3A_454 : vector<16xi32>
        %swap3A_456 = arith.constant 1 : i32
        %swap3A_457 = arith.index_cast %swap3A_456 : i32 to index
        %swap3A_458 = arith.constant 80 : index
        %swap3A_459 = tpu.vector_load %arg8[%swap3A_457, %swap3A_458] {strides = array<i32>} : memref<6x128xi32, #tpu.memory_space<vmem>>, vector<1x16xi32>,
        %swap3A_460 = vector.shape_cast %swap3A_459 : vector<1x16xi32> to vector<16xi32>
        %swap3A_461 = vector.shape_cast %add3A_455 : vector<16xi32> to vector<1x16xi32>
        tpu.vector_store %arg8[%swap3A_457, %swap3A_458], %swap3A_461 {strides = array<i32>} : memref<6x128xi32, #tpu.memory_space<vmem>>, vector<1x16xi32>,
        %get3A_462 = arith.constant 1 : i32
        %get3A_463 = arith.index_cast %get3A_462 : i32 to index
        %get3A_464 = arith.constant 96 : index
        %get3A_465 = tpu.vector_load %arg6[%get3A_463, %get3A_464] {strides = array<i32>} : memref<6x128xi32, #tpu.memory_space<vmem>>, vector<1x16xi32>,
        %get3A_466 = vector.shape_cast %get3A_465 : vector<1x16xi32> to vector<16xi32>
        %mul3A_467 = arith.constant 256 : i32
        %mul3A_468 = vector.broadcast %mul3A_467 : i32 to vector<16xi32>
        %mul3A_469 = arith.muli %get3A_466, %mul3A_468 : vector<16xi32>
        %get3A_470 = arith.constant 1 : i32
        %get3A_471 = arith.index_cast %get3A_470 : i32 to index
        %get3A_472 = arith.constant 96 : index
        %get3A_473 = tpu.vector_load %arg7[%get3A_471, %get3A_472] {strides = array<i32>} : memref<6x128xi32, #tpu.memory_space<vmem>>, vector<1x16xi32>,
        %get3A_474 = vector.shape_cast %get3A_473 : vector<1x16xi32> to vector<16xi32>
        %add3A_475 = arith.addi %mul3A_469, %get3A_474 : vector<16xi32>
        %swap3A_476 = arith.constant 1 : i32
        %swap3A_477 = arith.index_cast %swap3A_476 : i32 to index
        %swap3A_478 = arith.constant 96 : index
        %swap3A_479 = tpu.vector_load %arg8[%swap3A_477, %swap3A_478] {strides = array<i32>} : memref<6x128xi32, #tpu.memory_space<vmem>>, vector<1x16xi32>,
        %swap3A_480 = vector.shape_cast %swap3A_479 : vector<1x16xi32> to vector<16xi32>
        %swap3A_481 = vector.shape_cast %add3A_475 : vector<16xi32> to vector<1x16xi32>
        tpu.vector_store %arg8[%swap3A_477, %swap3A_478], %swap3A_481 {strides = array<i32>} : memref<6x128xi32, #tpu.memory_space<vmem>>, vector<1x16xi32>,
        %get3A_482 = arith.constant 1 : i32
        %get3A_483 = arith.index_cast %get3A_482 : i32 to index
        %get3A_484 = arith.constant 112 : index
        %get3A_485 = tpu.vector_load %arg6[%get3A_483, %get3A_484] {strides = array<i32>} : memref<6x128xi32, #tpu.memory_space<vmem>>, vector<1x16xi32>,
        %get3A_486 = vector.shape_cast %get3A_485 : vector<1x16xi32> to vector<16xi32>
        %mul3A_487 = arith.constant 256 : i32
        %mul3A_488 = vector.broadcast %mul3A_487 : i32 to vector<16xi32>
        %mul3A_489 = arith.muli %get3A_486, %mul3A_488 : vector<16xi32>
        %get3A_490 = arith.constant 1 : i32
        %get3A_491 = arith.index_cast %get3A_490 : i32 to index
        %get3A_492 = arith.constant 112 : index
        %get3A_493 = tpu.vector_load %arg7[%get3A_491, %get3A_492] {strides = array<i32>} : memref<6x128xi32, #tpu.memory_space<vmem>>, vector<1x16xi32>,
        %get3A_494 = vector.shape_cast %get3A_493 : vector<1x16xi32> to vector<16xi32>
        %add3A_495 = arith.addi %mul3A_489, %get3A_494 : vector<16xi32>
        %swap3A_496 = arith.constant 1 : i32
        %swap3A_497 = arith.index_cast %swap3A_496 : i32 to index
        %swap3A_498 = arith.constant 112 : index
        %swap3A_499 = tpu.vector_load %arg8[%swap3A_497, %swap3A_498] {strides = array<i32>} : memref<6x128xi32, #tpu.memory_space<vmem>>, vector<1x16xi32>,
        %swap3A_500 = vector.shape_cast %swap3A_499 : vector<1x16xi32> to vector<16xi32>
        %swap3A_501 = vector.shape_cast %add3A_495 : vector<16xi32> to vector<1x16xi32>
        tpu.vector_store %arg8[%swap3A_497, %swap3A_498], %swap3A_501 {strides = array<i32>} : memref<6x128xi32, #tpu.memory_space<vmem>>, vector<1x16xi32>,
        %dma_start3A = arith.constant 1 : i32
        %dma_start3A_502 = arith.constant 1 : i32
        %dma_start3A_503 = arith.constant 0 : i32
        %dma_start3A_504 = arith.constant 0 : i32
        %dma_start3A_505 = tpu.memref_slice %arg9[%dma_start3A_502, %dma_start3A_503, %dma_start3A_504] : memref<6x128x128xf32, #tpu.memory_space<vmem>> -> memref<1x128x128xf32, #tpu.memory_space<vmem>>
        %dma_start3A_506 = tpu.memref_squeeze %dma_start3A_505 : memref<1x128x128xf32, #tpu.memory_space<vmem>> -> memref<128x128xf32, #tpu.memory_space<vmem>>
        %dma_start3A_507 = arith.constant 0 : i32
        %dma_start3A_508 = tpu.memref_slice %arg8[%dma_start3A, %dma_start3A_507] : memref<6x128xi32, #tpu.memory_space<vmem>> -> memref<1x128xi32, #tpu.memory_space<vmem>>
        %dma_start3A_509 = tpu.memref_squeeze %dma_start3A_508 : memref<1x128xi32, #tpu.memory_space<vmem>> -> memref<128xi32, #tpu.memory_space<vmem>>
        %dma_start3A_510 = arith.constant 0 : i32
        %dma_start3A_511 = arith.constant 0 : i32
        %dma_start3A_512 = tpu.memref_slice %arg4[%dma_start3A_510, %dma_start3A_511] : memref<65536x128xf32, #tpu.memory_space<hbm>> -> memref<65536x128xf32, #tpu.memory_space<hbm>>
        tpu.enqueue_indirect_dma source(%dma_start3A_512 : memref<65536x128xf32, #tpu.memory_space<hbm>>) target(%dma_start3A_506 : memref<128x128xf32, #tpu.memory_space<vmem>>) offsets(%dma_start3A_509 : memref<128xi32, #tpu.memory_space<vmem>>) semaphore(%arg17 : memref<!tpu.dma_semaphore, #tpu.memory_space<semaphore_mem>>)
      } else {
      }
      %sub3A_236 = arith.constant 2 : i32
      %sub3A_237 = arith.subi %add3A_212, %sub3A_236 : i32
      %sub3A_238 = arith.constant 2 : i32
      %sub3A_239 = arith.subi %sub3A_237, %sub3A_238 : i32
      %ge3A_240 = arith.constant 0 : i32
      %ge3A_241 = arith.cmpi sge, %sub3A_239, %ge3A_240 : i32
      %lt3A_242 = arith.constant 200 : i32
      %lt3A_243 = arith.cmpi slt, %sub3A_239, %lt3A_242 : i32
      %and3A_244 = arith.andi %ge3A_241, %lt3A_243 : i1
      %convert_element_type3A_245 = arith.extui %and3A_244 : i1 to i32
      %cond3A_246 = arith.constant 0 : i32
      %cond3A_247 = arith.cmpi ne, %convert_element_type3A_245, %cond3A_246 : i32
      scf.if %cond3A_247 {
        %dma_wait3A_326 = arith.constant 5 : i32
        %dma_wait3A_327 = arith.constant 5 : i32
        %dma_wait3A_328 = arith.constant 0 : i32
        %dma_wait3A_329 = arith.constant 0 : i32
        %dma_wait3A_330 = tpu.memref_slice %arg9[%dma_wait3A_327, %dma_wait3A_328, %dma_wait3A_329] : memref<6x128x128xf32, #tpu.memory_space<vmem>> -> memref<1x128x128xf32, #tpu.memory_space<vmem>>
        %dma_wait3A_331 = tpu.memref_squeeze %dma_wait3A_330 : memref<1x128x128xf32, #tpu.memory_space<vmem>> -> memref<128x128xf32, #tpu.memory_space<vmem>>
        %dma_wait3A_332 = arith.constant 0 : i32
        %dma_wait3A_333 = tpu.memref_slice %arg8[%dma_wait3A_326, %dma_wait3A_332] : memref<6x128xi32, #tpu.memory_space<vmem>> -> memref<1x128xi32, #tpu.memory_space<vmem>>
        %dma_wait3A_334 = tpu.memref_squeeze %dma_wait3A_333 : memref<1x128xi32, #tpu.memory_space<vmem>> -> memref<128xi32, #tpu.memory_space<vmem>>
        %dma_wait3A_335 = arith.constant 0 : i32
        %dma_wait3A_336 = arith.constant 0 : i32
        %dma_wait3A_337 = tpu.memref_slice %arg4[%dma_wait3A_335, %dma_wait3A_336] : memref<65536x128xf32, #tpu.memory_space<hbm>> -> memref<65536x128xf32, #tpu.memory_space<hbm>>
        tpu.wait_indirect_dma semaphore(%arg21 : memref<!tpu.dma_semaphore, #tpu.memory_space<semaphore_mem>>) src(%dma_wait3A_337 : memref<65536x128xf32, #tpu.memory_space<hbm>>) dst(%dma_wait3A_331 : memref<128x128xf32, #tpu.memory_space<vmem>>)
        %mul3A_338 = arith.constant 128 : i32
        %mul3A_339 = arith.muli %sub3A_239, %mul3A_338 : i32
        %add3A_340 = arith.addi %mul3A_2, %mul3A_339 : i32
        %dma_start3A = arith.constant 5 : i32
        %dma_start3A_341 = arith.constant 0 : i32
        %dma_start3A_342 = arith.constant 0 : i32
        %dma_start3A_343 = tpu.memref_slice %arg9[%dma_start3A, %dma_start3A_341, %dma_start3A_342] : memref<6x128x128xf32, #tpu.memory_space<vmem>> -> memref<1x128x128xf32, #tpu.memory_space<vmem>>
        %dma_start3A_344 = tpu.memref_squeeze %dma_start3A_343 : memref<1x128x128xf32, #tpu.memory_space<vmem>> -> memref<128x128xf32, #tpu.memory_space<vmem>>
        %dma_start3A_345 = arith.constant 0 : i32
        %dma_start3A_346 = tpu.memref_slice %arg5[%add3A_340, %dma_start3A_345] : memref<819200x128xf32, #tpu.memory_space<hbm>> -> memref<128x128xf32, #tpu.memory_space<hbm>>
        %dma_start3A_347 = arith.constant 0 : i32
        %dma_start3A_348 = tpu.memref_slice %arg5[%add3A_340, %dma_start3A_347] : memref<819200x128xf32, #tpu.memory_space<hbm>> -> memref<128x128xf32, #tpu.memory_space<hbm>>
        %dma_start3A_349 = arith.constant 0 : i32
        %dma_start3A_350 = arith.constant 0 : i32
        %dma_start3A_351 = tpu.memref_slice %arg9[%dma_start3A, %dma_start3A_349, %dma_start3A_350] : memref<6x128x128xf32, #tpu.memory_space<vmem>> -> memref<1x128x128xf32, #tpu.memory_space<vmem>>
        %dma_start3A_352 = tpu.memref_squeeze %dma_start3A_351 : memref<1x128x128xf32, #tpu.memory_space<vmem>> -> memref<128x128xf32, #tpu.memory_space<vmem>>
        tpu.enqueue_dma source(%dma_start3A_352 : memref<128x128xf32, #tpu.memory_space<vmem>>) target(%dma_start3A_348 : memref<128x128xf32, #tpu.memory_space<hbm>>) target_semaphore(%arg27 : memref<!tpu.dma_semaphore, #tpu.memory_space<semaphore_mem>>)
      } else {
      }
      %mul3A_248 = arith.constant 6 : i32
      %mul3A_249 = arith.muli %scan3A_97, %mul3A_248 : i32
      %add3A_250 = arith.constant 4 : i32
      %add3A_251 = arith.addi %mul3A_249, %add3A_250 : i32
      %ge3A_252 = arith.constant 6 : i32
      %ge3A_253 = arith.cmpi sge, %add3A_251, %ge3A_252 : i32
      %lt3A_254 = arith.constant 200 : i32
      %lt3A_255 = arith.cmpi slt, %add3A_251, %lt3A_254 : i32
      %and3A_256 = arith.andi %ge3A_253, %lt3A_255 : i1
      %convert_element_type3A_257 = arith.extui %and3A_256 : i1 to i32
      %cond3A_258 = arith.constant 0 : i32
      %cond3A_259 = arith.cmpi ne, %convert_element_type3A_257, %cond3A_258 : i32
      scf.if %cond3A_259 {
        %sub3A_326 = arith.constant 6 : i32
        %sub3A_327 = arith.subi %add3A_251, %sub3A_326 : i32
        %mul3A_328 = arith.constant 128 : i32
        %mul3A_329 = arith.muli %sub3A_327, %mul3A_328 : i32
        %add3A_330 = arith.addi %mul3A_2, %mul3A_329 : i32
        %dma_wait3A_331 = arith.constant 4 : i32
        %dma_wait3A_332 = arith.constant 0 : i32
        %dma_wait3A_333 = arith.constant 0 : i32
        %dma_wait3A_334 = tpu.memref_slice %arg9[%dma_wait3A_331, %dma_wait3A_332, %dma_wait3A_333] : memref<6x128x128xf32, #tpu.memory_space<vmem>> -> memref<1x128x128xf32, #tpu.memory_space<vmem>>
        %dma_wait3A_335 = tpu.memref_squeeze %dma_wait3A_334 : memref<1x128x128xf32, #tpu.memory_space<vmem>> -> memref<128x128xf32, #tpu.memory_space<vmem>>
        %dma_wait3A_336 = arith.constant 0 : i32
        %dma_wait3A_337 = tpu.memref_slice %arg5[%add3A_330, %dma_wait3A_336] : memref<819200x128xf32, #tpu.memory_space<hbm>> -> memref<128x128xf32, #tpu.memory_space<hbm>>
        %dma_wait3A_338 = arith.constant 0 : i32
        %dma_wait3A_339 = tpu.memref_slice %arg5[%add3A_330, %dma_wait3A_338] : memref<819200x128xf32, #tpu.memory_space<hbm>> -> memref<128x128xf32, #tpu.memory_space<hbm>>
        %dma_wait3A_340 = arith.constant 0 : i32
        %dma_wait3A_341 = arith.constant 0 : i32
        %dma_wait3A_342 = tpu.memref_slice %arg9[%dma_wait3A_331, %dma_wait3A_340, %dma_wait3A_341] : memref<6x128x128xf32, #tpu.memory_space<vmem>> -> memref<1x128x128xf32, #tpu.memory_space<vmem>>
        %dma_wait3A_343 = tpu.memref_squeeze %dma_wait3A_342 : memref<1x128x128xf32, #tpu.memory_space<vmem>> -> memref<128x128xf32, #tpu.memory_space<vmem>>
        tpu.wait_dma2 semaphore(%arg26 : memref<!tpu.dma_semaphore, #tpu.memory_space<semaphore_mem>>) src(%dma_wait3A_343 : memref<128x128xf32, #tpu.memory_space<vmem>>) dst(%dma_wait3A_339 : memref<128x128xf32, #tpu.memory_space<hbm>>)
      } else {
      }
      %lt3A_260 = arith.constant 200 : i32
      %lt3A_261 = arith.cmpi slt, %add3A_251, %lt3A_260 : i32
      %convert_element_type3A_262 = arith.extui %lt3A_261 : i1 to i32
      %cond3A_263 = arith.constant 0 : i32
      %cond3A_264 = arith.cmpi ne, %convert_element_type3A_262, %cond3A_263 : i32
      scf.if %cond3A_264 {
        %mul3A_326 = arith.constant 128 : i32
        %mul3A_327 = arith.muli %add3A_251, %mul3A_326 : i32
        %add3A_328 = arith.addi %mul3A_2, %mul3A_327 : i32
        %dma_start3A = arith.constant 4 : i32
        %dma_start3A_329 = arith.constant 0 : i32
        %dma_start3A_330 = tpu.memref_slice %arg6[%dma_start3A, %dma_start3A_329] : memref<6x128xi32, #tpu.memory_space<vmem>> -> memref<1x128xi32, #tpu.memory_space<vmem>>
        %dma_start3A_331 = tpu.memref_squeeze %dma_start3A_330 : memref<1x128xi32, #tpu.memory_space<vmem>> -> memref<128xi32, #tpu.memory_space<vmem>>
        %dma_start3A_332 = tpu.memref_slice %arg2[%add3A_328] : memref<819200xi32, #tpu.memory_space<hbm>> -> memref<128xi32, #tpu.memory_space<hbm>>
        %dma_start3A_333 = arith.constant 0 : i32
        %dma_start3A_334 = tpu.memref_slice %arg6[%dma_start3A, %dma_start3A_333] : memref<6x128xi32, #tpu.memory_space<vmem>> -> memref<1x128xi32, #tpu.memory_space<vmem>>
        %dma_start3A_335 = tpu.memref_squeeze %dma_start3A_334 : memref<1x128xi32, #tpu.memory_space<vmem>> -> memref<128xi32, #tpu.memory_space<vmem>>
        %dma_start3A_336 = tpu.memref_slice %arg2[%add3A_328] : memref<819200xi32, #tpu.memory_space<hbm>> -> memref<128xi32, #tpu.memory_space<hbm>>
        tpu.enqueue_dma source(%dma_start3A_336 : memref<128xi32, #tpu.memory_space<hbm>>) target(%dma_start3A_335 : memref<128xi32, #tpu.memory_space<vmem>>) target_semaphore(%arg14 : memref<!tpu.dma_semaphore, #tpu.memory_space<semaphore_mem>>)
        %mul3A_337 = arith.constant 128 : i32
        %mul3A_338 = arith.muli %add3A_251, %mul3A_337 : i32
        %add3A_339 = arith.addi %mul3A_2, %mul3A_338 : i32
        %dma_start3A_340 = arith.constant 4 : i32
        %dma_start3A_341 = arith.constant 0 : i32
        %dma_start3A_342 = tpu.memref_slice %arg7[%dma_start3A_340, %dma_start3A_341] : memref<6x128xi32, #tpu.memory_space<vmem>> -> memref<1x128xi32, #tpu.memory_space<vmem>>
        %dma_start3A_343 = tpu.memref_squeeze %dma_start3A_342 : memref<1x128xi32, #tpu.memory_space<vmem>> -> memref<128xi32, #tpu.memory_space<vmem>>
        %dma_start3A_344 = tpu.memref_slice %arg3[%add3A_339] : memref<819200xi32, #tpu.memory_space<hbm>> -> memref<128xi32, #tpu.memory_space<hbm>>
        %dma_start3A_345 = arith.constant 0 : i32
        %dma_start3A_346 = tpu.memref_slice %arg7[%dma_start3A_340, %dma_start3A_345] : memref<6x128xi32, #tpu.memory_space<vmem>> -> memref<1x128xi32, #tpu.memory_space<vmem>>
        %dma_start3A_347 = tpu.memref_squeeze %dma_start3A_346 : memref<1x128xi32, #tpu.memory_space<vmem>> -> memref<128xi32, #tpu.memory_space<vmem>>
        %dma_start3A_348 = tpu.memref_slice %arg3[%add3A_339] : memref<819200xi32, #tpu.memory_space<hbm>> -> memref<128xi32, #tpu.memory_space<hbm>>
        tpu.enqueue_dma source(%dma_start3A_348 : memref<128xi32, #tpu.memory_space<hbm>>) target(%dma_start3A_347 : memref<128xi32, #tpu.memory_space<vmem>>) target_semaphore(%arg14 : memref<!tpu.dma_semaphore, #tpu.memory_space<semaphore_mem>>)
      } else {
      }
      %sub3A_265 = arith.constant 2 : i32
      %sub3A_266 = arith.subi %add3A_251, %sub3A_265 : i32
      %ge3A_267 = arith.constant 0 : i32
      %ge3A_268 = arith.cmpi sge, %sub3A_266, %ge3A_267 : i32
      %lt3A_269 = arith.constant 200 : i32
      %lt3A_270 = arith.cmpi slt, %sub3A_266, %lt3A_269 : i32
      %and3A_271 = arith.andi %ge3A_268, %lt3A_270 : i1
      %convert_element_type3A_272 = arith.extui %and3A_271 : i1 to i32
      %cond3A_273 = arith.constant 0 : i32
      %cond3A_274 = arith.cmpi ne, %convert_element_type3A_272, %cond3A_273 : i32
      scf.if %cond3A_274 {
        %dma_wait3A_326 = arith.constant 2 : i32
        %dma_wait3A_327 = arith.constant 0 : i32
        %dma_wait3A_328 = tpu.memref_slice %arg6[%dma_wait3A_326, %dma_wait3A_327] : memref<6x128xi32, #tpu.memory_space<vmem>> -> memref<1x128xi32, #tpu.memory_space<vmem>>
        %dma_wait3A_329 = tpu.memref_squeeze %dma_wait3A_328 : memref<1x128xi32, #tpu.memory_space<vmem>> -> memref<128xi32, #tpu.memory_space<vmem>>
        %dma_wait3A_330 = tpu.memref_slice %arg2[%mul3A_2] : memref<819200xi32, #tpu.memory_space<hbm>> -> memref<128xi32, #tpu.memory_space<hbm>>
        %dma_wait3A_331 = arith.constant 0 : i32
        %dma_wait3A_332 = tpu.memref_slice %arg6[%dma_wait3A_326, %dma_wait3A_331] : memref<6x128xi32, #tpu.memory_space<vmem>> -> memref<1x128xi32, #tpu.memory_space<vmem>>
        %dma_wait3A_333 = tpu.memref_squeeze %dma_wait3A_332 : memref<1x128xi32, #tpu.memory_space<vmem>> -> memref<128xi32, #tpu.memory_space<vmem>>
        %dma_wait3A_334 = tpu.memref_slice %arg2[%mul3A_2] : memref<819200xi32, #tpu.memory_space<hbm>> -> memref<128xi32, #tpu.memory_space<hbm>>
        tpu.wait_dma2 semaphore(%arg12 : memref<!tpu.dma_semaphore, #tpu.memory_space<semaphore_mem>>) src(%dma_wait3A_334 : memref<128xi32, #tpu.memory_space<hbm>>) dst(%dma_wait3A_333 : memref<128xi32, #tpu.memory_space<vmem>>)
        %dma_wait3A_335 = arith.constant 2 : i32
        %dma_wait3A_336 = arith.constant 0 : i32
        %dma_wait3A_337 = tpu.memref_slice %arg7[%dma_wait3A_335, %dma_wait3A_336] : memref<6x128xi32, #tpu.memory_space<vmem>> -> memref<1x128xi32, #tpu.memory_space<vmem>>
        %dma_wait3A_338 = tpu.memref_squeeze %dma_wait3A_337 : memref<1x128xi32, #tpu.memory_space<vmem>> -> memref<128xi32, #tpu.memory_space<vmem>>
        %dma_wait3A_339 = tpu.memref_slice %arg3[%mul3A_2] : memref<819200xi32, #tpu.memory_space<hbm>> -> memref<128xi32, #tpu.memory_space<hbm>>
        %dma_wait3A_340 = arith.constant 0 : i32
        %dma_wait3A_341 = tpu.memref_slice %arg7[%dma_wait3A_335, %dma_wait3A_340] : memref<6x128xi32, #tpu.memory_space<vmem>> -> memref<1x128xi32, #tpu.memory_space<vmem>>
        %dma_wait3A_342 = tpu.memref_squeeze %dma_wait3A_341 : memref<1x128xi32, #tpu.memory_space<vmem>> -> memref<128xi32, #tpu.memory_space<vmem>>
        %dma_wait3A_343 = tpu.memref_slice %arg3[%mul3A_2] : memref<819200xi32, #tpu.memory_space<hbm>> -> memref<128xi32, #tpu.memory_space<hbm>>
        tpu.wait_dma2 semaphore(%arg12 : memref<!tpu.dma_semaphore, #tpu.memory_space<semaphore_mem>>) src(%dma_wait3A_343 : memref<128xi32, #tpu.memory_space<hbm>>) dst(%dma_wait3A_342 : memref<128xi32, #tpu.memory_space<vmem>>)
        %get3A = arith.constant 2 : i32
        %get3A_344 = arith.index_cast %get3A : i32 to index
        %get3A_345 = arith.constant 0 : index
        %get3A_346 = tpu.vector_load %arg6[%get3A_344, %get3A_345] {strides = array<i32>} : memref<6x128xi32, #tpu.memory_space<vmem>>, vector<1x16xi32>,
        %get3A_347 = vector.shape_cast %get3A_346 : vector<1x16xi32> to vector<16xi32>
        %mul3A_348 = arith.constant 256 : i32
        %mul3A_349 = vector.broadcast %mul3A_348 : i32 to vector<16xi32>
        %mul3A_350 = arith.muli %get3A_347, %mul3A_349 : vector<16xi32>
        %get3A_351 = arith.constant 2 : i32
        %get3A_352 = arith.index_cast %get3A_351 : i32 to index
        %get3A_353 = arith.constant 0 : index
        %get3A_354 = tpu.vector_load %arg7[%get3A_352, %get3A_353] {strides = array<i32>} : memref<6x128xi32, #tpu.memory_space<vmem>>, vector<1x16xi32>,
        %get3A_355 = vector.shape_cast %get3A_354 : vector<1x16xi32> to vector<16xi32>
        %add3A_356 = arith.addi %mul3A_350, %get3A_355 : vector<16xi32>
        %swap3A = arith.constant 2 : i32
        %swap3A_357 = arith.index_cast %swap3A : i32 to index
        %swap3A_358 = arith.constant 0 : index
        %swap3A_359 = tpu.vector_load %arg8[%swap3A_357, %swap3A_358] {strides = array<i32>} : memref<6x128xi32, #tpu.memory_space<vmem>>, vector<1x16xi32>,
        %swap3A_360 = vector.shape_cast %swap3A_359 : vector<1x16xi32> to vector<16xi32>
        %swap3A_361 = vector.shape_cast %add3A_356 : vector<16xi32> to vector<1x16xi32>
        tpu.vector_store %arg8[%swap3A_357, %swap3A_358], %swap3A_361 {strides = array<i32>} : memref<6x128xi32, #tpu.memory_space<vmem>>, vector<1x16xi32>,
        %get3A_362 = arith.constant 2 : i32
        %get3A_363 = arith.index_cast %get3A_362 : i32 to index
        %get3A_364 = arith.constant 16 : index
        %get3A_365 = tpu.vector_load %arg6[%get3A_363, %get3A_364] {strides = array<i32>} : memref<6x128xi32, #tpu.memory_space<vmem>>, vector<1x16xi32>,
        %get3A_366 = vector.shape_cast %get3A_365 : vector<1x16xi32> to vector<16xi32>
        %mul3A_367 = arith.constant 256 : i32
        %mul3A_368 = vector.broadcast %mul3A_367 : i32 to vector<16xi32>
        %mul3A_369 = arith.muli %get3A_366, %mul3A_368 : vector<16xi32>
        %get3A_370 = arith.constant 2 : i32
        %get3A_371 = arith.index_cast %get3A_370 : i32 to index
        %get3A_372 = arith.constant 16 : index
        %get3A_373 = tpu.vector_load %arg7[%get3A_371, %get3A_372] {strides = array<i32>} : memref<6x128xi32, #tpu.memory_space<vmem>>, vector<1x16xi32>,
        %get3A_374 = vector.shape_cast %get3A_373 : vector<1x16xi32> to vector<16xi32>
        %add3A_375 = arith.addi %mul3A_369, %get3A_374 : vector<16xi32>
        %swap3A_376 = arith.constant 2 : i32
        %swap3A_377 = arith.index_cast %swap3A_376 : i32 to index
        %swap3A_378 = arith.constant 16 : index
        %swap3A_379 = tpu.vector_load %arg8[%swap3A_377, %swap3A_378] {strides = array<i32>} : memref<6x128xi32, #tpu.memory_space<vmem>>, vector<1x16xi32>,
        %swap3A_380 = vector.shape_cast %swap3A_379 : vector<1x16xi32> to vector<16xi32>
        %swap3A_381 = vector.shape_cast %add3A_375 : vector<16xi32> to vector<1x16xi32>
        tpu.vector_store %arg8[%swap3A_377, %swap3A_378], %swap3A_381 {strides = array<i32>} : memref<6x128xi32, #tpu.memory_space<vmem>>, vector<1x16xi32>,
        %get3A_382 = arith.constant 2 : i32
        %get3A_383 = arith.index_cast %get3A_382 : i32 to index
        %get3A_384 = arith.constant 32 : index
        %get3A_385 = tpu.vector_load %arg6[%get3A_383, %get3A_384] {strides = array<i32>} : memref<6x128xi32, #tpu.memory_space<vmem>>, vector<1x16xi32>,
        %get3A_386 = vector.shape_cast %get3A_385 : vector<1x16xi32> to vector<16xi32>
        %mul3A_387 = arith.constant 256 : i32
        %mul3A_388 = vector.broadcast %mul3A_387 : i32 to vector<16xi32>
        %mul3A_389 = arith.muli %get3A_386, %mul3A_388 : vector<16xi32>
        %get3A_390 = arith.constant 2 : i32
        %get3A_391 = arith.index_cast %get3A_390 : i32 to index
        %get3A_392 = arith.constant 32 : index
        %get3A_393 = tpu.vector_load %arg7[%get3A_391, %get3A_392] {strides = array<i32>} : memref<6x128xi32, #tpu.memory_space<vmem>>, vector<1x16xi32>,
        %get3A_394 = vector.shape_cast %get3A_393 : vector<1x16xi32> to vector<16xi32>
        %add3A_395 = arith.addi %mul3A_389, %get3A_394 : vector<16xi32>
        %swap3A_396 = arith.constant 2 : i32
        %swap3A_397 = arith.index_cast %swap3A_396 : i32 to index
        %swap3A_398 = arith.constant 32 : index
        %swap3A_399 = tpu.vector_load %arg8[%swap3A_397, %swap3A_398] {strides = array<i32>} : memref<6x128xi32, #tpu.memory_space<vmem>>, vector<1x16xi32>,
        %swap3A_400 = vector.shape_cast %swap3A_399 : vector<1x16xi32> to vector<16xi32>
        %swap3A_401 = vector.shape_cast %add3A_395 : vector<16xi32> to vector<1x16xi32>
        tpu.vector_store %arg8[%swap3A_397, %swap3A_398], %swap3A_401 {strides = array<i32>} : memref<6x128xi32, #tpu.memory_space<vmem>>, vector<1x16xi32>,
        %get3A_402 = arith.constant 2 : i32
        %get3A_403 = arith.index_cast %get3A_402 : i32 to index
        %get3A_404 = arith.constant 48 : index
        %get3A_405 = tpu.vector_load %arg6[%get3A_403, %get3A_404] {strides = array<i32>} : memref<6x128xi32, #tpu.memory_space<vmem>>, vector<1x16xi32>,
        %get3A_406 = vector.shape_cast %get3A_405 : vector<1x16xi32> to vector<16xi32>
        %mul3A_407 = arith.constant 256 : i32
        %mul3A_408 = vector.broadcast %mul3A_407 : i32 to vector<16xi32>
        %mul3A_409 = arith.muli %get3A_406, %mul3A_408 : vector<16xi32>
        %get3A_410 = arith.constant 2 : i32
        %get3A_411 = arith.index_cast %get3A_410 : i32 to index
        %get3A_412 = arith.constant 48 : index
        %get3A_413 = tpu.vector_load %arg7[%get3A_411, %get3A_412] {strides = array<i32>} : memref<6x128xi32, #tpu.memory_space<vmem>>, vector<1x16xi32>,
        %get3A_414 = vector.shape_cast %get3A_413 : vector<1x16xi32> to vector<16xi32>
        %add3A_415 = arith.addi %mul3A_409, %get3A_414 : vector<16xi32>
        %swap3A_416 = arith.constant 2 : i32
        %swap3A_417 = arith.index_cast %swap3A_416 : i32 to index
        %swap3A_418 = arith.constant 48 : index
        %swap3A_419 = tpu.vector_load %arg8[%swap3A_417, %swap3A_418] {strides = array<i32>} : memref<6x128xi32, #tpu.memory_space<vmem>>, vector<1x16xi32>,
        %swap3A_420 = vector.shape_cast %swap3A_419 : vector<1x16xi32> to vector<16xi32>
        %swap3A_421 = vector.shape_cast %add3A_415 : vector<16xi32> to vector<1x16xi32>
        tpu.vector_store %arg8[%swap3A_417, %swap3A_418], %swap3A_421 {strides = array<i32>} : memref<6x128xi32, #tpu.memory_space<vmem>>, vector<1x16xi32>,
        %get3A_422 = arith.constant 2 : i32
        %get3A_423 = arith.index_cast %get3A_422 : i32 to index
        %get3A_424 = arith.constant 64 : index
        %get3A_425 = tpu.vector_load %arg6[%get3A_423, %get3A_424] {strides = array<i32>} : memref<6x128xi32, #tpu.memory_space<vmem>>, vector<1x16xi32>,
        %get3A_426 = vector.shape_cast %get3A_425 : vector<1x16xi32> to vector<16xi32>
        %mul3A_427 = arith.constant 256 : i32
        %mul3A_428 = vector.broadcast %mul3A_427 : i32 to vector<16xi32>
        %mul3A_429 = arith.muli %get3A_426, %mul3A_428 : vector<16xi32>
        %get3A_430 = arith.constant 2 : i32
        %get3A_431 = arith.index_cast %get3A_430 : i32 to index
        %get3A_432 = arith.constant 64 : index
        %get3A_433 = tpu.vector_load %arg7[%get3A_431, %get3A_432] {strides = array<i32>} : memref<6x128xi32, #tpu.memory_space<vmem>>, vector<1x16xi32>,
        %get3A_434 = vector.shape_cast %get3A_433 : vector<1x16xi32> to vector<16xi32>
        %add3A_435 = arith.addi %mul3A_429, %get3A_434 : vector<16xi32>
        %swap3A_436 = arith.constant 2 : i32
        %swap3A_437 = arith.index_cast %swap3A_436 : i32 to index
        %swap3A_438 = arith.constant 64 : index
        %swap3A_439 = tpu.vector_load %arg8[%swap3A_437, %swap3A_438] {strides = array<i32>} : memref<6x128xi32, #tpu.memory_space<vmem>>, vector<1x16xi32>,
        %swap3A_440 = vector.shape_cast %swap3A_439 : vector<1x16xi32> to vector<16xi32>
        %swap3A_441 = vector.shape_cast %add3A_435 : vector<16xi32> to vector<1x16xi32>
        tpu.vector_store %arg8[%swap3A_437, %swap3A_438], %swap3A_441 {strides = array<i32>} : memref<6x128xi32, #tpu.memory_space<vmem>>, vector<1x16xi32>,
        %get3A_442 = arith.constant 2 : i32
        %get3A_443 = arith.index_cast %get3A_442 : i32 to index
        %get3A_444 = arith.constant 80 : index
        %get3A_445 = tpu.vector_load %arg6[%get3A_443, %get3A_444] {strides = array<i32>} : memref<6x128xi32, #tpu.memory_space<vmem>>, vector<1x16xi32>,
        %get3A_446 = vector.shape_cast %get3A_445 : vector<1x16xi32> to vector<16xi32>
        %mul3A_447 = arith.constant 256 : i32
        %mul3A_448 = vector.broadcast %mul3A_447 : i32 to vector<16xi32>
        %mul3A_449 = arith.muli %get3A_446, %mul3A_448 : vector<16xi32>
        %get3A_450 = arith.constant 2 : i32
        %get3A_451 = arith.index_cast %get3A_450 : i32 to index
        %get3A_452 = arith.constant 80 : index
        %get3A_453 = tpu.vector_load %arg7[%get3A_451, %get3A_452] {strides = array<i32>} : memref<6x128xi32, #tpu.memory_space<vmem>>, vector<1x16xi32>,
        %get3A_454 = vector.shape_cast %get3A_453 : vector<1x16xi32> to vector<16xi32>
        %add3A_455 = arith.addi %mul3A_449, %get3A_454 : vector<16xi32>
        %swap3A_456 = arith.constant 2 : i32
        %swap3A_457 = arith.index_cast %swap3A_456 : i32 to index
        %swap3A_458 = arith.constant 80 : index
        %swap3A_459 = tpu.vector_load %arg8[%swap3A_457, %swap3A_458] {strides = array<i32>} : memref<6x128xi32, #tpu.memory_space<vmem>>, vector<1x16xi32>,
        %swap3A_460 = vector.shape_cast %swap3A_459 : vector<1x16xi32> to vector<16xi32>
        %swap3A_461 = vector.shape_cast %add3A_455 : vector<16xi32> to vector<1x16xi32>
        tpu.vector_store %arg8[%swap3A_457, %swap3A_458], %swap3A_461 {strides = array<i32>} : memref<6x128xi32, #tpu.memory_space<vmem>>, vector<1x16xi32>,
        %get3A_462 = arith.constant 2 : i32
        %get3A_463 = arith.index_cast %get3A_462 : i32 to index
        %get3A_464 = arith.constant 96 : index
        %get3A_465 = tpu.vector_load %arg6[%get3A_463, %get3A_464] {strides = array<i32>} : memref<6x128xi32, #tpu.memory_space<vmem>>, vector<1x16xi32>,
        %get3A_466 = vector.shape_cast %get3A_465 : vector<1x16xi32> to vector<16xi32>
        %mul3A_467 = arith.constant 256 : i32
        %mul3A_468 = vector.broadcast %mul3A_467 : i32 to vector<16xi32>
        %mul3A_469 = arith.muli %get3A_466, %mul3A_468 : vector<16xi32>
        %get3A_470 = arith.constant 2 : i32
        %get3A_471 = arith.index_cast %get3A_470 : i32 to index
        %get3A_472 = arith.constant 96 : index
        %get3A_473 = tpu.vector_load %arg7[%get3A_471, %get3A_472] {strides = array<i32>} : memref<6x128xi32, #tpu.memory_space<vmem>>, vector<1x16xi32>,
        %get3A_474 = vector.shape_cast %get3A_473 : vector<1x16xi32> to vector<16xi32>
        %add3A_475 = arith.addi %mul3A_469, %get3A_474 : vector<16xi32>
        %swap3A_476 = arith.constant 2 : i32
        %swap3A_477 = arith.index_cast %swap3A_476 : i32 to index
        %swap3A_478 = arith.constant 96 : index
        %swap3A_479 = tpu.vector_load %arg8[%swap3A_477, %swap3A_478] {strides = array<i32>} : memref<6x128xi32, #tpu.memory_space<vmem>>, vector<1x16xi32>,
        %swap3A_480 = vector.shape_cast %swap3A_479 : vector<1x16xi32> to vector<16xi32>
        %swap3A_481 = vector.shape_cast %add3A_475 : vector<16xi32> to vector<1x16xi32>
        tpu.vector_store %arg8[%swap3A_477, %swap3A_478], %swap3A_481 {strides = array<i32>} : memref<6x128xi32, #tpu.memory_space<vmem>>, vector<1x16xi32>,
        %get3A_482 = arith.constant 2 : i32
        %get3A_483 = arith.index_cast %get3A_482 : i32 to index
        %get3A_484 = arith.constant 112 : index
        %get3A_485 = tpu.vector_load %arg6[%get3A_483, %get3A_484] {strides = array<i32>} : memref<6x128xi32, #tpu.memory_space<vmem>>, vector<1x16xi32>,
        %get3A_486 = vector.shape_cast %get3A_485 : vector<1x16xi32> to vector<16xi32>
        %mul3A_487 = arith.constant 256 : i32
        %mul3A_488 = vector.broadcast %mul3A_487 : i32 to vector<16xi32>
        %mul3A_489 = arith.muli %get3A_486, %mul3A_488 : vector<16xi32>
        %get3A_490 = arith.constant 2 : i32
        %get3A_491 = arith.index_cast %get3A_490 : i32 to index
        %get3A_492 = arith.constant 112 : index
        %get3A_493 = tpu.vector_load %arg7[%get3A_491, %get3A_492] {strides = array<i32>} : memref<6x128xi32, #tpu.memory_space<vmem>>, vector<1x16xi32>,
        %get3A_494 = vector.shape_cast %get3A_493 : vector<1x16xi32> to vector<16xi32>
        %add3A_495 = arith.addi %mul3A_489, %get3A_494 : vector<16xi32>
        %swap3A_496 = arith.constant 2 : i32
        %swap3A_497 = arith.index_cast %swap3A_496 : i32 to index
        %swap3A_498 = arith.constant 112 : index
        %swap3A_499 = tpu.vector_load %arg8[%swap3A_497, %swap3A_498] {strides = array<i32>} : memref<6x128xi32, #tpu.memory_space<vmem>>, vector<1x16xi32>,
        %swap3A_500 = vector.shape_cast %swap3A_499 : vector<1x16xi32> to vector<16xi32>
        %swap3A_501 = vector.shape_cast %add3A_495 : vector<16xi32> to vector<1x16xi32>
        tpu.vector_store %arg8[%swap3A_497, %swap3A_498], %swap3A_501 {strides = array<i32>} : memref<6x128xi32, #tpu.memory_space<vmem>>, vector<1x16xi32>,
        %dma_start3A = arith.constant 2 : i32
        %dma_start3A_502 = arith.constant 2 : i32
        %dma_start3A_503 = arith.constant 0 : i32
        %dma_start3A_504 = arith.constant 0 : i32
        %dma_start3A_505 = tpu.memref_slice %arg9[%dma_start3A_502, %dma_start3A_503, %dma_start3A_504] : memref<6x128x128xf32, #tpu.memory_space<vmem>> -> memref<1x128x128xf32, #tpu.memory_space<vmem>>
        %dma_start3A_506 = tpu.memref_squeeze %dma_start3A_505 : memref<1x128x128xf32, #tpu.memory_space<vmem>> -> memref<128x128xf32, #tpu.memory_space<vmem>>
        %dma_start3A_507 = arith.constant 0 : i32
        %dma_start3A_508 = tpu.memref_slice %arg8[%dma_start3A, %dma_start3A_507] : memref<6x128xi32, #tpu.memory_space<vmem>> -> memref<1x128xi32, #tpu.memory_space<vmem>>
        %dma_start3A_509 = tpu.memref_squeeze %dma_start3A_508 : memref<1x128xi32, #tpu.memory_space<vmem>> -> memref<128xi32, #tpu.memory_space<vmem>>
        %dma_start3A_510 = arith.constant 0 : i32
        %dma_start3A_511 = arith.constant 0 : i32
        %dma_start3A_512 = tpu.memref_slice %arg4[%dma_start3A_510, %dma_start3A_511] : memref<65536x128xf32, #tpu.memory_space<hbm>> -> memref<65536x128xf32, #tpu.memory_space<hbm>>
        tpu.enqueue_indirect_dma source(%dma_start3A_512 : memref<65536x128xf32, #tpu.memory_space<hbm>>) target(%dma_start3A_506 : memref<128x128xf32, #tpu.memory_space<vmem>>) offsets(%dma_start3A_509 : memref<128xi32, #tpu.memory_space<vmem>>) semaphore(%arg18 : memref<!tpu.dma_semaphore, #tpu.memory_space<semaphore_mem>>)
      } else {
      }
      %sub3A_275 = arith.constant 2 : i32
      %sub3A_276 = arith.subi %add3A_251, %sub3A_275 : i32
      %sub3A_277 = arith.constant 2 : i32
      %sub3A_278 = arith.subi %sub3A_276, %sub3A_277 : i32
      %ge3A_279 = arith.constant 0 : i32
      %ge3A_280 = arith.cmpi sge, %sub3A_278, %ge3A_279 : i32
      %lt3A_281 = arith.constant 200 : i32
      %lt3A_282 = arith.cmpi slt, %sub3A_278, %lt3A_281 : i32
      %and3A_283 = arith.andi %ge3A_280, %lt3A_282 : i1
      %convert_element_type3A_284 = arith.extui %and3A_283 : i1 to i32
      %cond3A_285 = arith.constant 0 : i32
      %cond3A_286 = arith.cmpi ne, %convert_element_type3A_284, %cond3A_285 : i32
      scf.if %cond3A_286 {
        %dma_wait3A_326 = arith.constant 0 : i32
        %dma_wait3A_327 = arith.constant 0 : i32
        %dma_wait3A_328 = arith.constant 0 : i32
        %dma_wait3A_329 = arith.constant 0 : i32
        %dma_wait3A_330 = tpu.memref_slice %arg9[%dma_wait3A_327, %dma_wait3A_328, %dma_wait3A_329] : memref<6x128x128xf32, #tpu.memory_space<vmem>> -> memref<1x128x128xf32, #tpu.memory_space<vmem>>
        %dma_wait3A_331 = tpu.memref_squeeze %dma_wait3A_330 : memref<1x128x128xf32, #tpu.memory_space<vmem>> -> memref<128x128xf32, #tpu.memory_space<vmem>>
        %dma_wait3A_332 = arith.constant 0 : i32
        %dma_wait3A_333 = tpu.memref_slice %arg8[%dma_wait3A_326, %dma_wait3A_332] : memref<6x128xi32, #tpu.memory_space<vmem>> -> memref<1x128xi32, #tpu.memory_space<vmem>>
        %dma_wait3A_334 = tpu.memref_squeeze %dma_wait3A_333 : memref<1x128xi32, #tpu.memory_space<vmem>> -> memref<128xi32, #tpu.memory_space<vmem>>
        %dma_wait3A_335 = arith.constant 0 : i32
        %dma_wait3A_336 = arith.constant 0 : i32
        %dma_wait3A_337 = tpu.memref_slice %arg4[%dma_wait3A_335, %dma_wait3A_336] : memref<65536x128xf32, #tpu.memory_space<hbm>> -> memref<65536x128xf32, #tpu.memory_space<hbm>>
        tpu.wait_indirect_dma semaphore(%arg16 : memref<!tpu.dma_semaphore, #tpu.memory_space<semaphore_mem>>) src(%dma_wait3A_337 : memref<65536x128xf32, #tpu.memory_space<hbm>>) dst(%dma_wait3A_331 : memref<128x128xf32, #tpu.memory_space<vmem>>)
        %mul3A_338 = arith.constant 128 : i32
        %mul3A_339 = arith.muli %sub3A_278, %mul3A_338 : i32
        %add3A_340 = arith.addi %mul3A_2, %mul3A_339 : i32
        %dma_start3A = arith.constant 0 : i32
        %dma_start3A_341 = arith.constant 0 : i32
        %dma_start3A_342 = arith.constant 0 : i32
        %dma_start3A_343 = tpu.memref_slice %arg9[%dma_start3A, %dma_start3A_341, %dma_start3A_342] : memref<6x128x128xf32, #tpu.memory_space<vmem>> -> memref<1x128x128xf32, #tpu.memory_space<vmem>>
        %dma_start3A_344 = tpu.memref_squeeze %dma_start3A_343 : memref<1x128x128xf32, #tpu.memory_space<vmem>> -> memref<128x128xf32, #tpu.memory_space<vmem>>
        %dma_start3A_345 = arith.constant 0 : i32
        %dma_start3A_346 = tpu.memref_slice %arg5[%add3A_340, %dma_start3A_345] : memref<819200x128xf32, #tpu.memory_space<hbm>> -> memref<128x128xf32, #tpu.memory_space<hbm>>
        %dma_start3A_347 = arith.constant 0 : i32
        %dma_start3A_348 = tpu.memref_slice %arg5[%add3A_340, %dma_start3A_347] : memref<819200x128xf32, #tpu.memory_space<hbm>> -> memref<128x128xf32, #tpu.memory_space<hbm>>
        %dma_start3A_349 = arith.constant 0 : i32
        %dma_start3A_350 = arith.constant 0 : i32
        %dma_start3A_351 = tpu.memref_slice %arg9[%dma_start3A, %dma_start3A_349, %dma_start3A_350] : memref<6x128x128xf32, #tpu.memory_space<vmem>> -> memref<1x128x128xf32, #tpu.memory_space<vmem>>
        %dma_start3A_352 = tpu.memref_squeeze %dma_start3A_351 : memref<1x128x128xf32, #tpu.memory_space<vmem>> -> memref<128x128xf32, #tpu.memory_space<vmem>>
        tpu.enqueue_dma source(%dma_start3A_352 : memref<128x128xf32, #tpu.memory_space<vmem>>) target(%dma_start3A_348 : memref<128x128xf32, #tpu.memory_space<hbm>>) target_semaphore(%arg22 : memref<!tpu.dma_semaphore, #tpu.memory_space<semaphore_mem>>)
      } else {
      }
      %mul3A_287 = arith.constant 6 : i32
      %mul3A_288 = arith.muli %scan3A_97, %mul3A_287 : i32
      %add3A_289 = arith.constant 5 : i32
      %add3A_290 = arith.addi %mul3A_288, %add3A_289 : i32
      %ge3A_291 = arith.constant 6 : i32
      %ge3A_292 = arith.cmpi sge, %add3A_290, %ge3A_291 : i32
      %lt3A_293 = arith.constant 200 : i32
      %lt3A_294 = arith.cmpi slt, %add3A_290, %lt3A_293 : i32
      %and3A_295 = arith.andi %ge3A_292, %lt3A_294 : i1
      %convert_element_type3A_296 = arith.extui %and3A_295 : i1 to i32
      %cond3A_297 = arith.constant 0 : i32
      %cond3A_298 = arith.cmpi ne, %convert_element_type3A_296, %cond3A_297 : i32
      scf.if %cond3A_298 {
        %sub3A_326 = arith.constant 6 : i32
        %sub3A_327 = arith.subi %add3A_290, %sub3A_326 : i32
        %mul3A_328 = arith.constant 128 : i32
        %mul3A_329 = arith.muli %sub3A_327, %mul3A_328 : i32
        %add3A_330 = arith.addi %mul3A_2, %mul3A_329 : i32
        %dma_wait3A_331 = arith.constant 5 : i32
        %dma_wait3A_332 = arith.constant 0 : i32
        %dma_wait3A_333 = arith.constant 0 : i32
        %dma_wait3A_334 = tpu.memref_slice %arg9[%dma_wait3A_331, %dma_wait3A_332, %dma_wait3A_333] : memref<6x128x128xf32, #tpu.memory_space<vmem>> -> memref<1x128x128xf32, #tpu.memory_space<vmem>>
        %dma_wait3A_335 = tpu.memref_squeeze %dma_wait3A_334 : memref<1x128x128xf32, #tpu.memory_space<vmem>> -> memref<128x128xf32, #tpu.memory_space<vmem>>
        %dma_wait3A_336 = arith.constant 0 : i32
        %dma_wait3A_337 = tpu.memref_slice %arg5[%add3A_330, %dma_wait3A_336] : memref<819200x128xf32, #tpu.memory_space<hbm>> -> memref<128x128xf32, #tpu.memory_space<hbm>>
        %dma_wait3A_338 = arith.constant 0 : i32
        %dma_wait3A_339 = tpu.memref_slice %arg5[%add3A_330, %dma_wait3A_338] : memref<819200x128xf32, #tpu.memory_space<hbm>> -> memref<128x128xf32, #tpu.memory_space<hbm>>
        %dma_wait3A_340 = arith.constant 0 : i32
        %dma_wait3A_341 = arith.constant 0 : i32
        %dma_wait3A_342 = tpu.memref_slice %arg9[%dma_wait3A_331, %dma_wait3A_340, %dma_wait3A_341] : memref<6x128x128xf32, #tpu.memory_space<vmem>> -> memref<1x128x128xf32, #tpu.memory_space<vmem>>
        %dma_wait3A_343 = tpu.memref_squeeze %dma_wait3A_342 : memref<1x128x128xf32, #tpu.memory_space<vmem>> -> memref<128x128xf32, #tpu.memory_space<vmem>>
        tpu.wait_dma2 semaphore(%arg27 : memref<!tpu.dma_semaphore, #tpu.memory_space<semaphore_mem>>) src(%dma_wait3A_343 : memref<128x128xf32, #tpu.memory_space<vmem>>) dst(%dma_wait3A_339 : memref<128x128xf32, #tpu.memory_space<hbm>>)
      } else {
      }
      %lt3A_299 = arith.constant 200 : i32
      %lt3A_300 = arith.cmpi slt, %add3A_290, %lt3A_299 : i32
      %convert_element_type3A_301 = arith.extui %lt3A_300 : i1 to i32
      %cond3A_302 = arith.constant 0 : i32
      %cond3A_303 = arith.cmpi ne, %convert_element_type3A_301, %cond3A_302 : i32
      scf.if %cond3A_303 {
        %mul3A_326 = arith.constant 128 : i32
        %mul3A_327 = arith.muli %add3A_290, %mul3A_326 : i32
        %add3A_328 = arith.addi %mul3A_2, %mul3A_327 : i32
        %dma_start3A = arith.constant 5 : i32
        %dma_start3A_329 = arith.constant 0 : i32
        %dma_start3A_330 = tpu.memref_slice %arg6[%dma_start3A, %dma_start3A_329] : memref<6x128xi32, #tpu.memory_space<vmem>> -> memref<1x128xi32, #tpu.memory_space<vmem>>
        %dma_start3A_331 = tpu.memref_squeeze %dma_start3A_330 : memref<1x128xi32, #tpu.memory_space<vmem>> -> memref<128xi32, #tpu.memory_space<vmem>>
        %dma_start3A_332 = tpu.memref_slice %arg2[%add3A_328] : memref<819200xi32, #tpu.memory_space<hbm>> -> memref<128xi32, #tpu.memory_space<hbm>>
        %dma_start3A_333 = arith.constant 0 : i32
        %dma_start3A_334 = tpu.memref_slice %arg6[%dma_start3A, %dma_start3A_333] : memref<6x128xi32, #tpu.memory_space<vmem>> -> memref<1x128xi32, #tpu.memory_space<vmem>>
        %dma_start3A_335 = tpu.memref_squeeze %dma_start3A_334 : memref<1x128xi32, #tpu.memory_space<vmem>> -> memref<128xi32, #tpu.memory_space<vmem>>
        %dma_start3A_336 = tpu.memref_slice %arg2[%add3A_328] : memref<819200xi32, #tpu.memory_space<hbm>> -> memref<128xi32, #tpu.memory_space<hbm>>
        tpu.enqueue_dma source(%dma_start3A_336 : memref<128xi32, #tpu.memory_space<hbm>>) target(%dma_start3A_335 : memref<128xi32, #tpu.memory_space<vmem>>) target_semaphore(%arg15 : memref<!tpu.dma_semaphore, #tpu.memory_space<semaphore_mem>>)
        %mul3A_337 = arith.constant 128 : i32
        %mul3A_338 = arith.muli %add3A_290, %mul3A_337 : i32
        %add3A_339 = arith.addi %mul3A_2, %mul3A_338 : i32
        %dma_start3A_340 = arith.constant 5 : i32
        %dma_start3A_341 = arith.constant 0 : i32
        %dma_start3A_342 = tpu.memref_slice %arg7[%dma_start3A_340, %dma_start3A_341] : memref<6x128xi32, #tpu.memory_space<vmem>> -> memref<1x128xi32, #tpu.memory_space<vmem>>
        %dma_start3A_343 = tpu.memref_squeeze %dma_start3A_342 : memref<1x128xi32, #tpu.memory_space<vmem>> -> memref<128xi32, #tpu.memory_space<vmem>>
        %dma_start3A_344 = tpu.memref_slice %arg3[%add3A_339] : memref<819200xi32, #tpu.memory_space<hbm>> -> memref<128xi32, #tpu.memory_space<hbm>>
        %dma_start3A_345 = arith.constant 0 : i32
        %dma_start3A_346 = tpu.memref_slice %arg7[%dma_start3A_340, %dma_start3A_345] : memref<6x128xi32, #tpu.memory_space<vmem>> -> memref<1x128xi32, #tpu.memory_space<vmem>>
        %dma_start3A_347 = tpu.memref_squeeze %dma_start3A_346 : memref<1x128xi32, #tpu.memory_space<vmem>> -> memref<128xi32, #tpu.memory_space<vmem>>
        %dma_start3A_348 = tpu.memref_slice %arg3[%add3A_339] : memref<819200xi32, #tpu.memory_space<hbm>> -> memref<128xi32, #tpu.memory_space<hbm>>
        tpu.enqueue_dma source(%dma_start3A_348 : memref<128xi32, #tpu.memory_space<hbm>>) target(%dma_start3A_347 : memref<128xi32, #tpu.memory_space<vmem>>) target_semaphore(%arg15 : memref<!tpu.dma_semaphore, #tpu.memory_space<semaphore_mem>>)
      } else {
      }
      %sub3A_304 = arith.constant 2 : i32
      %sub3A_305 = arith.subi %add3A_290, %sub3A_304 : i32
      %ge3A_306 = arith.constant 0 : i32
      %ge3A_307 = arith.cmpi sge, %sub3A_305, %ge3A_306 : i32
      %lt3A_308 = arith.constant 200 : i32
      %lt3A_309 = arith.cmpi slt, %sub3A_305, %lt3A_308 : i32
      %and3A_310 = arith.andi %ge3A_307, %lt3A_309 : i1
      %convert_element_type3A_311 = arith.extui %and3A_310 : i1 to i32
      %cond3A_312 = arith.constant 0 : i32
      %cond3A_313 = arith.cmpi ne, %convert_element_type3A_311, %cond3A_312 : i32
      scf.if %cond3A_313 {
        %dma_wait3A_326 = arith.constant 3 : i32
        %dma_wait3A_327 = arith.constant 0 : i32
        %dma_wait3A_328 = tpu.memref_slice %arg6[%dma_wait3A_326, %dma_wait3A_327] : memref<6x128xi32, #tpu.memory_space<vmem>> -> memref<1x128xi32, #tpu.memory_space<vmem>>
        %dma_wait3A_329 = tpu.memref_squeeze %dma_wait3A_328 : memref<1x128xi32, #tpu.memory_space<vmem>> -> memref<128xi32, #tpu.memory_space<vmem>>
        %dma_wait3A_330 = tpu.memref_slice %arg2[%mul3A_2] : memref<819200xi32, #tpu.memory_space<hbm>> -> memref<128xi32, #tpu.memory_space<hbm>>
        %dma_wait3A_331 = arith.constant 0 : i32
        %dma_wait3A_332 = tpu.memref_slice %arg6[%dma_wait3A_326, %dma_wait3A_331] : memref<6x128xi32, #tpu.memory_space<vmem>> -> memref<1x128xi32, #tpu.memory_space<vmem>>
        %dma_wait3A_333 = tpu.memref_squeeze %dma_wait3A_332 : memref<1x128xi32, #tpu.memory_space<vmem>> -> memref<128xi32, #tpu.memory_space<vmem>>
        %dma_wait3A_334 = tpu.memref_slice %arg2[%mul3A_2] : memref<819200xi32, #tpu.memory_space<hbm>> -> memref<128xi32, #tpu.memory_space<hbm>>
        tpu.wait_dma2 semaphore(%arg13 : memref<!tpu.dma_semaphore, #tpu.memory_space<semaphore_mem>>) src(%dma_wait3A_334 : memref<128xi32, #tpu.memory_space<hbm>>) dst(%dma_wait3A_333 : memref<128xi32, #tpu.memory_space<vmem>>)
        %dma_wait3A_335 = arith.constant 3 : i32
        %dma_wait3A_336 = arith.constant 0 : i32
        %dma_wait3A_337 = tpu.memref_slice %arg7[%dma_wait3A_335, %dma_wait3A_336] : memref<6x128xi32, #tpu.memory_space<vmem>> -> memref<1x128xi32, #tpu.memory_space<vmem>>
        %dma_wait3A_338 = tpu.memref_squeeze %dma_wait3A_337 : memref<1x128xi32, #tpu.memory_space<vmem>> -> memref<128xi32, #tpu.memory_space<vmem>>
        %dma_wait3A_339 = tpu.memref_slice %arg3[%mul3A_2] : memref<819200xi32, #tpu.memory_space<hbm>> -> memref<128xi32, #tpu.memory_space<hbm>>
        %dma_wait3A_340 = arith.constant 0 : i32
        %dma_wait3A_341 = tpu.memref_slice %arg7[%dma_wait3A_335, %dma_wait3A_340] : memref<6x128xi32, #tpu.memory_space<vmem>> -> memref<1x128xi32, #tpu.memory_space<vmem>>
        %dma_wait3A_342 = tpu.memref_squeeze %dma_wait3A_341 : memref<1x128xi32, #tpu.memory_space<vmem>> -> memref<128xi32, #tpu.memory_space<vmem>>
        %dma_wait3A_343 = tpu.memref_slice %arg3[%mul3A_2] : memref<819200xi32, #tpu.memory_space<hbm>> -> memref<128xi32, #tpu.memory_space<hbm>>
        tpu.wait_dma2 semaphore(%arg13 : memref<!tpu.dma_semaphore, #tpu.memory_space<semaphore_mem>>) src(%dma_wait3A_343 : memref<128xi32, #tpu.memory_space<hbm>>) dst(%dma_wait3A_342 : memref<128xi32, #tpu.memory_space<vmem>>)
        %get3A = arith.constant 3 : i32
        %get3A_344 = arith.index_cast %get3A : i32 to index
        %get3A_345 = arith.constant 0 : index
        %get3A_346 = tpu.vector_load %arg6[%get3A_344, %get3A_345] {strides = array<i32>} : memref<6x128xi32, #tpu.memory_space<vmem>>, vector<1x16xi32>,
        %get3A_347 = vector.shape_cast %get3A_346 : vector<1x16xi32> to vector<16xi32>
        %mul3A_348 = arith.constant 256 : i32
        %mul3A_349 = vector.broadcast %mul3A_348 : i32 to vector<16xi32>
        %mul3A_350 = arith.muli %get3A_347, %mul3A_349 : vector<16xi32>
        %get3A_351 = arith.constant 3 : i32
        %get3A_352 = arith.index_cast %get3A_351 : i32 to index
        %get3A_353 = arith.constant 0 : index
        %get3A_354 = tpu.vector_load %arg7[%get3A_352, %get3A_353] {strides = array<i32>} : memref<6x128xi32, #tpu.memory_space<vmem>>, vector<1x16xi32>,
        %get3A_355 = vector.shape_cast %get3A_354 : vector<1x16xi32> to vector<16xi32>
        %add3A_356 = arith.addi %mul3A_350, %get3A_355 : vector<16xi32>
        %swap3A = arith.constant 3 : i32
        %swap3A_357 = arith.index_cast %swap3A : i32 to index
        %swap3A_358 = arith.constant 0 : index
        %swap3A_359 = tpu.vector_load %arg8[%swap3A_357, %swap3A_358] {strides = array<i32>} : memref<6x128xi32, #tpu.memory_space<vmem>>, vector<1x16xi32>,
        %swap3A_360 = vector.shape_cast %swap3A_359 : vector<1x16xi32> to vector<16xi32>
        %swap3A_361 = vector.shape_cast %add3A_356 : vector<16xi32> to vector<1x16xi32>
        tpu.vector_store %arg8[%swap3A_357, %swap3A_358], %swap3A_361 {strides = array<i32>} : memref<6x128xi32, #tpu.memory_space<vmem>>, vector<1x16xi32>,
        %get3A_362 = arith.constant 3 : i32
        %get3A_363 = arith.index_cast %get3A_362 : i32 to index
        %get3A_364 = arith.constant 16 : index
        %get3A_365 = tpu.vector_load %arg6[%get3A_363, %get3A_364] {strides = array<i32>} : memref<6x128xi32, #tpu.memory_space<vmem>>, vector<1x16xi32>,
        %get3A_366 = vector.shape_cast %get3A_365 : vector<1x16xi32> to vector<16xi32>
        %mul3A_367 = arith.constant 256 : i32
        %mul3A_368 = vector.broadcast %mul3A_367 : i32 to vector<16xi32>
        %mul3A_369 = arith.muli %get3A_366, %mul3A_368 : vector<16xi32>
        %get3A_370 = arith.constant 3 : i32
        %get3A_371 = arith.index_cast %get3A_370 : i32 to index
        %get3A_372 = arith.constant 16 : index
        %get3A_373 = tpu.vector_load %arg7[%get3A_371, %get3A_372] {strides = array<i32>} : memref<6x128xi32, #tpu.memory_space<vmem>>, vector<1x16xi32>,
        %get3A_374 = vector.shape_cast %get3A_373 : vector<1x16xi32> to vector<16xi32>
        %add3A_375 = arith.addi %mul3A_369, %get3A_374 : vector<16xi32>
        %swap3A_376 = arith.constant 3 : i32
        %swap3A_377 = arith.index_cast %swap3A_376 : i32 to index
        %swap3A_378 = arith.constant 16 : index
        %swap3A_379 = tpu.vector_load %arg8[%swap3A_377, %swap3A_378] {strides = array<i32>} : memref<6x128xi32, #tpu.memory_space<vmem>>, vector<1x16xi32>,
        %swap3A_380 = vector.shape_cast %swap3A_379 : vector<1x16xi32> to vector<16xi32>
        %swap3A_381 = vector.shape_cast %add3A_375 : vector<16xi32> to vector<1x16xi32>
        tpu.vector_store %arg8[%swap3A_377, %swap3A_378], %swap3A_381 {strides = array<i32>} : memref<6x128xi32, #tpu.memory_space<vmem>>, vector<1x16xi32>,
        %get3A_382 = arith.constant 3 : i32
        %get3A_383 = arith.index_cast %get3A_382 : i32 to index
        %get3A_384 = arith.constant 32 : index
        %get3A_385 = tpu.vector_load %arg6[%get3A_383, %get3A_384] {strides = array<i32>} : memref<6x128xi32, #tpu.memory_space<vmem>>, vector<1x16xi32>,
        %get3A_386 = vector.shape_cast %get3A_385 : vector<1x16xi32> to vector<16xi32>
        %mul3A_387 = arith.constant 256 : i32
        %mul3A_388 = vector.broadcast %mul3A_387 : i32 to vector<16xi32>
        %mul3A_389 = arith.muli %get3A_386, %mul3A_388 : vector<16xi32>
        %get3A_390 = arith.constant 3 : i32
        %get3A_391 = arith.index_cast %get3A_390 : i32 to index
        %get3A_392 = arith.constant 32 : index
        %get3A_393 = tpu.vector_load %arg7[%get3A_391, %get3A_392] {strides = array<i32>} : memref<6x128xi32, #tpu.memory_space<vmem>>, vector<1x16xi32>,
        %get3A_394 = vector.shape_cast %get3A_393 : vector<1x16xi32> to vector<16xi32>
        %add3A_395 = arith.addi %mul3A_389, %get3A_394 : vector<16xi32>
        %swap3A_396 = arith.constant 3 : i32
        %swap3A_397 = arith.index_cast %swap3A_396 : i32 to index
        %swap3A_398 = arith.constant 32 : index
        %swap3A_399 = tpu.vector_load %arg8[%swap3A_397, %swap3A_398] {strides = array<i32>} : memref<6x128xi32, #tpu.memory_space<vmem>>, vector<1x16xi32>,
        %swap3A_400 = vector.shape_cast %swap3A_399 : vector<1x16xi32> to vector<16xi32>
        %swap3A_401 = vector.shape_cast %add3A_395 : vector<16xi32> to vector<1x16xi32>
        tpu.vector_store %arg8[%swap3A_397, %swap3A_398], %swap3A_401 {strides = array<i32>} : memref<6x128xi32, #tpu.memory_space<vmem>>, vector<1x16xi32>,
        %get3A_402 = arith.constant 3 : i32
        %get3A_403 = arith.index_cast %get3A_402 : i32 to index
        %get3A_404 = arith.constant 48 : index
        %get3A_405 = tpu.vector_load %arg6[%get3A_403, %get3A_404] {strides = array<i32>} : memref<6x128xi32, #tpu.memory_space<vmem>>, vector<1x16xi32>,
        %get3A_406 = vector.shape_cast %get3A_405 : vector<1x16xi32> to vector<16xi32>
        %mul3A_407 = arith.constant 256 : i32
        %mul3A_408 = vector.broadcast %mul3A_407 : i32 to vector<16xi32>
        %mul3A_409 = arith.muli %get3A_406, %mul3A_408 : vector<16xi32>
        %get3A_410 = arith.constant 3 : i32
        %get3A_411 = arith.index_cast %get3A_410 : i32 to index
        %get3A_412 = arith.constant 48 : index
        %get3A_413 = tpu.vector_load %arg7[%get3A_411, %get3A_412] {strides = array<i32>} : memref<6x128xi32, #tpu.memory_space<vmem>>, vector<1x16xi32>,
        %get3A_414 = vector.shape_cast %get3A_413 : vector<1x16xi32> to vector<16xi32>
        %add3A_415 = arith.addi %mul3A_409, %get3A_414 : vector<16xi32>
        %swap3A_416 = arith.constant 3 : i32
        %swap3A_417 = arith.index_cast %swap3A_416 : i32 to index
        %swap3A_418 = arith.constant 48 : index
        %swap3A_419 = tpu.vector_load %arg8[%swap3A_417, %swap3A_418] {strides = array<i32>} : memref<6x128xi32, #tpu.memory_space<vmem>>, vector<1x16xi32>,
        %swap3A_420 = vector.shape_cast %swap3A_419 : vector<1x16xi32> to vector<16xi32>
        %swap3A_421 = vector.shape_cast %add3A_415 : vector<16xi32> to vector<1x16xi32>
        tpu.vector_store %arg8[%swap3A_417, %swap3A_418], %swap3A_421 {strides = array<i32>} : memref<6x128xi32, #tpu.memory_space<vmem>>, vector<1x16xi32>,
        %get3A_422 = arith.constant 3 : i32
        %get3A_423 = arith.index_cast %get3A_422 : i32 to index
        %get3A_424 = arith.constant 64 : index
        %get3A_425 = tpu.vector_load %arg6[%get3A_423, %get3A_424] {strides = array<i32>} : memref<6x128xi32, #tpu.memory_space<vmem>>, vector<1x16xi32>,
        %get3A_426 = vector.shape_cast %get3A_425 : vector<1x16xi32> to vector<16xi32>
        %mul3A_427 = arith.constant 256 : i32
        %mul3A_428 = vector.broadcast %mul3A_427 : i32 to vector<16xi32>
        %mul3A_429 = arith.muli %get3A_426, %mul3A_428 : vector<16xi32>
        %get3A_430 = arith.constant 3 : i32
        %get3A_431 = arith.index_cast %get3A_430 : i32 to index
        %get3A_432 = arith.constant 64 : index
        %get3A_433 = tpu.vector_load %arg7[%get3A_431, %get3A_432] {strides = array<i32>} : memref<6x128xi32, #tpu.memory_space<vmem>>, vector<1x16xi32>,
        %get3A_434 = vector.shape_cast %get3A_433 : vector<1x16xi32> to vector<16xi32>
        %add3A_435 = arith.addi %mul3A_429, %get3A_434 : vector<16xi32>
        %swap3A_436 = arith.constant 3 : i32
        %swap3A_437 = arith.index_cast %swap3A_436 : i32 to index
        %swap3A_438 = arith.constant 64 : index
        %swap3A_439 = tpu.vector_load %arg8[%swap3A_437, %swap3A_438] {strides = array<i32>} : memref<6x128xi32, #tpu.memory_space<vmem>>, vector<1x16xi32>,
        %swap3A_440 = vector.shape_cast %swap3A_439 : vector<1x16xi32> to vector<16xi32>
        %swap3A_441 = vector.shape_cast %add3A_435 : vector<16xi32> to vector<1x16xi32>
        tpu.vector_store %arg8[%swap3A_437, %swap3A_438], %swap3A_441 {strides = array<i32>} : memref<6x128xi32, #tpu.memory_space<vmem>>, vector<1x16xi32>,
        %get3A_442 = arith.constant 3 : i32
        %get3A_443 = arith.index_cast %get3A_442 : i32 to index
        %get3A_444 = arith.constant 80 : index
        %get3A_445 = tpu.vector_load %arg6[%get3A_443, %get3A_444] {strides = array<i32>} : memref<6x128xi32, #tpu.memory_space<vmem>>, vector<1x16xi32>,
        %get3A_446 = vector.shape_cast %get3A_445 : vector<1x16xi32> to vector<16xi32>
        %mul3A_447 = arith.constant 256 : i32
        %mul3A_448 = vector.broadcast %mul3A_447 : i32 to vector<16xi32>
        %mul3A_449 = arith.muli %get3A_446, %mul3A_448 : vector<16xi32>
        %get3A_450 = arith.constant 3 : i32
        %get3A_451 = arith.index_cast %get3A_450 : i32 to index
        %get3A_452 = arith.constant 80 : index
        %get3A_453 = tpu.vector_load %arg7[%get3A_451, %get3A_452] {strides = array<i32>} : memref<6x128xi32, #tpu.memory_space<vmem>>, vector<1x16xi32>,
        %get3A_454 = vector.shape_cast %get3A_453 : vector<1x16xi32> to vector<16xi32>
        %add3A_455 = arith.addi %mul3A_449, %get3A_454 : vector<16xi32>
        %swap3A_456 = arith.constant 3 : i32
        %swap3A_457 = arith.index_cast %swap3A_456 : i32 to index
        %swap3A_458 = arith.constant 80 : index
        %swap3A_459 = tpu.vector_load %arg8[%swap3A_457, %swap3A_458] {strides = array<i32>} : memref<6x128xi32, #tpu.memory_space<vmem>>, vector<1x16xi32>,
        %swap3A_460 = vector.shape_cast %swap3A_459 : vector<1x16xi32> to vector<16xi32>
        %swap3A_461 = vector.shape_cast %add3A_455 : vector<16xi32> to vector<1x16xi32>
        tpu.vector_store %arg8[%swap3A_457, %swap3A_458], %swap3A_461 {strides = array<i32>} : memref<6x128xi32, #tpu.memory_space<vmem>>, vector<1x16xi32>,
        %get3A_462 = arith.constant 3 : i32
        %get3A_463 = arith.index_cast %get3A_462 : i32 to index
        %get3A_464 = arith.constant 96 : index
        %get3A_465 = tpu.vector_load %arg6[%get3A_463, %get3A_464] {strides = array<i32>} : memref<6x128xi32, #tpu.memory_space<vmem>>, vector<1x16xi32>,
        %get3A_466 = vector.shape_cast %get3A_465 : vector<1x16xi32> to vector<16xi32>
        %mul3A_467 = arith.constant 256 : i32
        %mul3A_468 = vector.broadcast %mul3A_467 : i32 to vector<16xi32>
        %mul3A_469 = arith.muli %get3A_466, %mul3A_468 : vector<16xi32>
        %get3A_470 = arith.constant 3 : i32
        %get3A_471 = arith.index_cast %get3A_470 : i32 to index
        %get3A_472 = arith.constant 96 : index
        %get3A_473 = tpu.vector_load %arg7[%get3A_471, %get3A_472] {strides = array<i32>} : memref<6x128xi32, #tpu.memory_space<vmem>>, vector<1x16xi32>,
        %get3A_474 = vector.shape_cast %get3A_473 : vector<1x16xi32> to vector<16xi32>
        %add3A_475 = arith.addi %mul3A_469, %get3A_474 : vector<16xi32>
        %swap3A_476 = arith.constant 3 : i32
        %swap3A_477 = arith.index_cast %swap3A_476 : i32 to index
        %swap3A_478 = arith.constant 96 : index
        %swap3A_479 = tpu.vector_load %arg8[%swap3A_477, %swap3A_478] {strides = array<i32>} : memref<6x128xi32, #tpu.memory_space<vmem>>, vector<1x16xi32>,
        %swap3A_480 = vector.shape_cast %swap3A_479 : vector<1x16xi32> to vector<16xi32>
        %swap3A_481 = vector.shape_cast %add3A_475 : vector<16xi32> to vector<1x16xi32>
        tpu.vector_store %arg8[%swap3A_477, %swap3A_478], %swap3A_481 {strides = array<i32>} : memref<6x128xi32, #tpu.memory_space<vmem>>, vector<1x16xi32>,
        %get3A_482 = arith.constant 3 : i32
        %get3A_483 = arith.index_cast %get3A_482 : i32 to index
        %get3A_484 = arith.constant 112 : index
        %get3A_485 = tpu.vector_load %arg6[%get3A_483, %get3A_484] {strides = array<i32>} : memref<6x128xi32, #tpu.memory_space<vmem>>, vector<1x16xi32>,
        %get3A_486 = vector.shape_cast %get3A_485 : vector<1x16xi32> to vector<16xi32>
        %mul3A_487 = arith.constant 256 : i32
        %mul3A_488 = vector.broadcast %mul3A_487 : i32 to vector<16xi32>
        %mul3A_489 = arith.muli %get3A_486, %mul3A_488 : vector<16xi32>
        %get3A_490 = arith.constant 3 : i32
        %get3A_491 = arith.index_cast %get3A_490 : i32 to index
        %get3A_492 = arith.constant 112 : index
        %get3A_493 = tpu.vector_load %arg7[%get3A_491, %get3A_492] {strides = array<i32>} : memref<6x128xi32, #tpu.memory_space<vmem>>, vector<1x16xi32>,
        %get3A_494 = vector.shape_cast %get3A_493 : vector<1x16xi32> to vector<16xi32>
        %add3A_495 = arith.addi %mul3A_489, %get3A_494 : vector<16xi32>
        %swap3A_496 = arith.constant 3 : i32
        %swap3A_497 = arith.index_cast %swap3A_496 : i32 to index
        %swap3A_498 = arith.constant 112 : index
        %swap3A_499 = tpu.vector_load %arg8[%swap3A_497, %swap3A_498] {strides = array<i32>} : memref<6x128xi32, #tpu.memory_space<vmem>>, vector<1x16xi32>,
        %swap3A_500 = vector.shape_cast %swap3A_499 : vector<1x16xi32> to vector<16xi32>
        %swap3A_501 = vector.shape_cast %add3A_495 : vector<16xi32> to vector<1x16xi32>
        tpu.vector_store %arg8[%swap3A_497, %swap3A_498], %swap3A_501 {strides = array<i32>} : memref<6x128xi32, #tpu.memory_space<vmem>>, vector<1x16xi32>,
        %dma_start3A = arith.constant 3 : i32
        %dma_start3A_502 = arith.constant 3 : i32
        %dma_start3A_503 = arith.constant 0 : i32
        %dma_start3A_504 = arith.constant 0 : i32
        %dma_start3A_505 = tpu.memref_slice %arg9[%dma_start3A_502, %dma_start3A_503, %dma_start3A_504] : memref<6x128x128xf32, #tpu.memory_space<vmem>> -> memref<1x128x128xf32, #tpu.memory_space<vmem>>
        %dma_start3A_506 = tpu.memref_squeeze %dma_start3A_505 : memref<1x128x128xf32, #tpu.memory_space<vmem>> -> memref<128x128xf32, #tpu.memory_space<vmem>>
        %dma_start3A_507 = arith.constant 0 : i32
        %dma_start3A_508 = tpu.memref_slice %arg8[%dma_start3A, %dma_start3A_507] : memref<6x128xi32, #tpu.memory_space<vmem>> -> memref<1x128xi32, #tpu.memory_space<vmem>>
        %dma_start3A_509 = tpu.memref_squeeze %dma_start3A_508 : memref<1x128xi32, #tpu.memory_space<vmem>> -> memref<128xi32, #tpu.memory_space<vmem>>
        %dma_start3A_510 = arith.constant 0 : i32
        %dma_start3A_511 = arith.constant 0 : i32
        %dma_start3A_512 = tpu.memref_slice %arg4[%dma_start3A_510, %dma_start3A_511] : memref<65536x128xf32, #tpu.memory_space<hbm>> -> memref<65536x128xf32, #tpu.memory_space<hbm>>
        tpu.enqueue_indirect_dma source(%dma_start3A_512 : memref<65536x128xf32, #tpu.memory_space<hbm>>) target(%dma_start3A_506 : memref<128x128xf32, #tpu.memory_space<vmem>>) offsets(%dma_start3A_509 : memref<128xi32, #tpu.memory_space<vmem>>) semaphore(%arg19 : memref<!tpu.dma_semaphore, #tpu.memory_space<semaphore_mem>>)
      } else {
      }
      %sub3A_314 = arith.constant 2 : i32
      %sub3A_315 = arith.subi %add3A_290, %sub3A_314 : i32
      %sub3A_316 = arith.constant 2 : i32
      %sub3A_317 = arith.subi %sub3A_315, %sub3A_316 : i32
      %ge3A_318 = arith.constant 0 : i32
      %ge3A_319 = arith.cmpi sge, %sub3A_317, %ge3A_318 : i32
      %lt3A_320 = arith.constant 200 : i32
      %lt3A_321 = arith.cmpi slt, %sub3A_317, %lt3A_320 : i32
      %and3A_322 = arith.andi %ge3A_319, %lt3A_321 : i1
      %convert_element_type3A_323 = arith.extui %and3A_322 : i1 to i32
      %cond3A_324 = arith.constant 0 : i32
      %cond3A_325 = arith.cmpi ne, %convert_element_type3A_323, %cond3A_324 : i32
      scf.if %cond3A_325 {
        %dma_wait3A_326 = arith.constant 1 : i32
        %dma_wait3A_327 = arith.constant 1 : i32
        %dma_wait3A_328 = arith.constant 0 : i32
        %dma_wait3A_329 = arith.constant 0 : i32
        %dma_wait3A_330 = tpu.memref_slice %arg9[%dma_wait3A_327, %dma_wait3A_328, %dma_wait3A_329] : memref<6x128x128xf32, #tpu.memory_space<vmem>> -> memref<1x128x128xf32, #tpu.memory_space<vmem>>
        %dma_wait3A_331 = tpu.memref_squeeze %dma_wait3A_330 : memref<1x128x128xf32, #tpu.memory_space<vmem>> -> memref<128x128xf32, #tpu.memory_space<vmem>>
        %dma_wait3A_332 = arith.constant 0 : i32
        %dma_wait3A_333 = tpu.memref_slice %arg8[%dma_wait3A_326, %dma_wait3A_332] : memref<6x128xi32, #tpu.memory_space<vmem>> -> memref<1x128xi32, #tpu.memory_space<vmem>>
        %dma_wait3A_334 = tpu.memref_squeeze %dma_wait3A_333 : memref<1x128xi32, #tpu.memory_space<vmem>> -> memref<128xi32, #tpu.memory_space<vmem>>
        %dma_wait3A_335 = arith.constant 0 : i32
        %dma_wait3A_336 = arith.constant 0 : i32
        %dma_wait3A_337 = tpu.memref_slice %arg4[%dma_wait3A_335, %dma_wait3A_336] : memref<65536x128xf32, #tpu.memory_space<hbm>> -> memref<65536x128xf32, #tpu.memory_space<hbm>>
        tpu.wait_indirect_dma semaphore(%arg17 : memref<!tpu.dma_semaphore, #tpu.memory_space<semaphore_mem>>) src(%dma_wait3A_337 : memref<65536x128xf32, #tpu.memory_space<hbm>>) dst(%dma_wait3A_331 : memref<128x128xf32, #tpu.memory_space<vmem>>)
        %mul3A_338 = arith.constant 128 : i32
        %mul3A_339 = arith.muli %sub3A_317, %mul3A_338 : i32
        %add3A_340 = arith.addi %mul3A_2, %mul3A_339 : i32
        %dma_start3A = arith.constant 1 : i32
        %dma_start3A_341 = arith.constant 0 : i32
        %dma_start3A_342 = arith.constant 0 : i32
        %dma_start3A_343 = tpu.memref_slice %arg9[%dma_start3A, %dma_start3A_341, %dma_start3A_342] : memref<6x128x128xf32, #tpu.memory_space<vmem>> -> memref<1x128x128xf32, #tpu.memory_space<vmem>>
        %dma_start3A_344 = tpu.memref_squeeze %dma_start3A_343 : memref<1x128x128xf32, #tpu.memory_space<vmem>> -> memref<128x128xf32, #tpu.memory_space<vmem>>
        %dma_start3A_345 = arith.constant 0 : i32
        %dma_start3A_346 = tpu.memref_slice %arg5[%add3A_340, %dma_start3A_345] : memref<819200x128xf32, #tpu.memory_space<hbm>> -> memref<128x128xf32, #tpu.memory_space<hbm>>
        %dma_start3A_347 = arith.constant 0 : i32
        %dma_start3A_348 = tpu.memref_slice %arg5[%add3A_340, %dma_start3A_347] : memref<819200x128xf32, #tpu.memory_space<hbm>> -> memref<128x128xf32, #tpu.memory_space<hbm>>
        %dma_start3A_349 = arith.constant 0 : i32
        %dma_start3A_350 = arith.constant 0 : i32
        %dma_start3A_351 = tpu.memref_slice %arg9[%dma_start3A, %dma_start3A_349, %dma_start3A_350] : memref<6x128x128xf32, #tpu.memory_space<vmem>> -> memref<1x128x128xf32, #tpu.memory_space<vmem>>
        %dma_start3A_352 = tpu.memref_squeeze %dma_start3A_351 : memref<1x128x128xf32, #tpu.memory_space<vmem>> -> memref<128x128xf32, #tpu.memory_space<vmem>>
        tpu.enqueue_dma source(%dma_start3A_352 : memref<128x128xf32, #tpu.memory_space<vmem>>) target(%dma_start3A_348 : memref<128x128xf32, #tpu.memory_space<hbm>>) target_semaphore(%arg23 : memref<!tpu.dma_semaphore, #tpu.memory_space<semaphore_mem>>)
      } else {
      }
    }
    %scan3A_7 = arith.constant 34 : i32
    %add3A_8 = arith.constant 24832 : i32
    %add3A_9 = arith.addi %mul3A_2, %add3A_8 : i32
    %dma_wait3A = arith.constant 2 : i32
    %dma_wait3A_10 = arith.constant 0 : i32
    %dma_wait3A_11 = arith.constant 0 : i32
    %dma_wait3A_12 = tpu.memref_slice %arg9[%dma_wait3A, %dma_wait3A_10, %dma_wait3A_11] : memref<6x128x128xf32, #tpu.memory_space<vmem>> -> memref<1x128x128xf32, #tpu.memory_space<vmem>>
    %dma_wait3A_13 = tpu.memref_squeeze %dma_wait3A_12 : memref<1x128x128xf32, #tpu.memory_space<vmem>> -> memref<128x128xf32, #tpu.memory_space<vmem>>
    %dma_wait3A_14 = arith.constant 0 : i32
    %dma_wait3A_15 = tpu.memref_slice %arg5[%add3A_9, %dma_wait3A_14] : memref<819200x128xf32, #tpu.memory_space<hbm>> -> memref<128x128xf32, #tpu.memory_space<hbm>>
    %dma_wait3A_16 = arith.constant 0 : i32
    %dma_wait3A_17 = tpu.memref_slice %arg5[%add3A_9, %dma_wait3A_16] : memref<819200x128xf32, #tpu.memory_space<hbm>> -> memref<128x128xf32, #tpu.memory_space<hbm>>
    %dma_wait3A_18 = arith.constant 0 : i32
    %dma_wait3A_19 = arith.constant 0 : i32
    %dma_wait3A_20 = tpu.memref_slice %arg9[%dma_wait3A, %dma_wait3A_18, %dma_wait3A_19] : memref<6x128x128xf32, #tpu.memory_space<vmem>> -> memref<1x128x128xf32, #tpu.memory_space<vmem>>
    %dma_wait3A_21 = tpu.memref_squeeze %dma_wait3A_20 : memref<1x128x128xf32, #tpu.memory_space<vmem>> -> memref<128x128xf32, #tpu.memory_space<vmem>>
    tpu.wait_dma2 semaphore(%arg24 : memref<!tpu.dma_semaphore, #tpu.memory_space<semaphore_mem>>) src(%dma_wait3A_21 : memref<128x128xf32, #tpu.memory_space<vmem>>) dst(%dma_wait3A_17 : memref<128x128xf32, #tpu.memory_space<hbm>>)
    %add3A_22 = arith.constant 24960 : i32
    %add3A_23 = arith.addi %mul3A_2, %add3A_22 : i32
    %dma_wait3A_24 = arith.constant 3 : i32
    %dma_wait3A_25 = arith.constant 0 : i32
    %dma_wait3A_26 = arith.constant 0 : i32
    %dma_wait3A_27 = tpu.memref_slice %arg9[%dma_wait3A_24, %dma_wait3A_25, %dma_wait3A_26] : memref<6x128x128xf32, #tpu.memory_space<vmem>> -> memref<1x128x128xf32, #tpu.memory_space<vmem>>
    %dma_wait3A_28 = tpu.memref_squeeze %dma_wait3A_27 : memref<1x128x128xf32, #tpu.memory_space<vmem>> -> memref<128x128xf32, #tpu.memory_space<vmem>>
    %dma_wait3A_29 = arith.constant 0 : i32
    %dma_wait3A_30 = tpu.memref_slice %arg5[%add3A_23, %dma_wait3A_29] : memref<819200x128xf32, #tpu.memory_space<hbm>> -> memref<128x128xf32, #tpu.memory_space<hbm>>
    %dma_wait3A_31 = arith.constant 0 : i32
    %dma_wait3A_32 = tpu.memref_slice %arg5[%add3A_23, %dma_wait3A_31] : memref<819200x128xf32, #tpu.memory_space<hbm>> -> memref<128x128xf32, #tpu.memory_space<hbm>>
    %dma_wait3A_33 = arith.constant 0 : i32
    %dma_wait3A_34 = arith.constant 0 : i32
    %dma_wait3A_35 = tpu.memref_slice %arg9[%dma_wait3A_24, %dma_wait3A_33, %dma_wait3A_34] : memref<6x128x128xf32, #tpu.memory_space<vmem>> -> memref<1x128x128xf32, #tpu.memory_space<vmem>>
    %dma_wait3A_36 = tpu.memref_squeeze %dma_wait3A_35 : memref<1x128x128xf32, #tpu.memory_space<vmem>> -> memref<128x128xf32, #tpu.memory_space<vmem>>
    tpu.wait_dma2 semaphore(%arg25 : memref<!tpu.dma_semaphore, #tpu.memory_space<semaphore_mem>>) src(%dma_wait3A_36 : memref<128x128xf32, #tpu.memory_space<vmem>>) dst(%dma_wait3A_32 : memref<128x128xf32, #tpu.memory_space<hbm>>)
    %add3A_37 = arith.constant 25088 : i32
    %add3A_38 = arith.addi %mul3A_2, %add3A_37 : i32
    %dma_wait3A_39 = arith.constant 4 : i32
    %dma_wait3A_40 = arith.constant 0 : i32
    %dma_wait3A_41 = arith.constant 0 : i32
    %dma_wait3A_42 = tpu.memref_slice %arg9[%dma_wait3A_39, %dma_wait3A_40, %dma_wait3A_41] : memref<6x128x128xf32, #tpu.memory_space<vmem>> -> memref<1x128x128xf32, #tpu.memory_space<vmem>>
    %dma_wait3A_43 = tpu.memref_squeeze %dma_wait3A_42 : memref<1x128x128xf32, #tpu.memory_space<vmem>> -> memref<128x128xf32, #tpu.memory_space<vmem>>
    %dma_wait3A_44 = arith.constant 0 : i32
    %dma_wait3A_45 = tpu.memref_slice %arg5[%add3A_38, %dma_wait3A_44] : memref<819200x128xf32, #tpu.memory_space<hbm>> -> memref<128x128xf32, #tpu.memory_space<hbm>>
    %dma_wait3A_46 = arith.constant 0 : i32
    %dma_wait3A_47 = tpu.memref_slice %arg5[%add3A_38, %dma_wait3A_46] : memref<819200x128xf32, #tpu.memory_space<hbm>> -> memref<128x128xf32, #tpu.memory_space<hbm>>
    %dma_wait3A_48 = arith.constant 0 : i32
    %dma_wait3A_49 = arith.constant 0 : i32
    %dma_wait3A_50 = tpu.memref_slice %arg9[%dma_wait3A_39, %dma_wait3A_48, %dma_wait3A_49] : memref<6x128x128xf32, #tpu.memory_space<vmem>> -> memref<1x128x128xf32, #tpu.memory_space<vmem>>
    %dma_wait3A_51 = tpu.memref_squeeze %dma_wait3A_50 : memref<1x128x128xf32, #tpu.memory_space<vmem>> -> memref<128x128xf32, #tpu.memory_space<vmem>>
    tpu.wait_dma2 semaphore(%arg26 : memref<!tpu.dma_semaphore, #tpu.memory_space<semaphore_mem>>) src(%dma_wait3A_51 : memref<128x128xf32, #tpu.memory_space<vmem>>) dst(%dma_wait3A_47 : memref<128x128xf32, #tpu.memory_space<hbm>>)
    %add3A_52 = arith.constant 25216 : i32
    %add3A_53 = arith.addi %mul3A_2, %add3A_52 : i32
    %dma_wait3A_54 = arith.constant 5 : i32
    %dma_wait3A_55 = arith.constant 0 : i32
    %dma_wait3A_56 = arith.constant 0 : i32
    %dma_wait3A_57 = tpu.memref_slice %arg9[%dma_wait3A_54, %dma_wait3A_55, %dma_wait3A_56] : memref<6x128x128xf32, #tpu.memory_space<vmem>> -> memref<1x128x128xf32, #tpu.memory_space<vmem>>
    %dma_wait3A_58 = tpu.memref_squeeze %dma_wait3A_57 : memref<1x128x128xf32, #tpu.memory_space<vmem>> -> memref<128x128xf32, #tpu.memory_space<vmem>>
    %dma_wait3A_59 = arith.constant 0 : i32
    %dma_wait3A_60 = tpu.memref_slice %arg5[%add3A_53, %dma_wait3A_59] : memref<819200x128xf32, #tpu.memory_space<hbm>> -> memref<128x128xf32, #tpu.memory_space<hbm>>
    %dma_wait3A_61 = arith.constant 0 : i32
    %dma_wait3A_62 = tpu.memref_slice %arg5[%add3A_53, %dma_wait3A_61] : memref<819200x128xf32, #tpu.memory_space<hbm>> -> memref<128x128xf32, #tpu.memory_space<hbm>>
    %dma_wait3A_63 = arith.constant 0 : i32
    %dma_wait3A_64 = arith.constant 0 : i32
    %dma_wait3A_65 = tpu.memref_slice %arg9[%dma_wait3A_54, %dma_wait3A_63, %dma_wait3A_64] : memref<6x128x128xf32, #tpu.memory_space<vmem>> -> memref<1x128x128xf32, #tpu.memory_space<vmem>>
    %dma_wait3A_66 = tpu.memref_squeeze %dma_wait3A_65 : memref<1x128x128xf32, #tpu.memory_space<vmem>> -> memref<128x128xf32, #tpu.memory_space<vmem>>
    tpu.wait_dma2 semaphore(%arg27 : memref<!tpu.dma_semaphore, #tpu.memory_space<semaphore_mem>>) src(%dma_wait3A_66 : memref<128x128xf32, #tpu.memory_space<vmem>>) dst(%dma_wait3A_62 : memref<128x128xf32, #tpu.memory_space<hbm>>)
    %add3A_67 = arith.constant 25344 : i32
    %add3A_68 = arith.addi %mul3A_2, %add3A_67 : i32
    %dma_wait3A_69 = arith.constant 0 : i32
    %dma_wait3A_70 = arith.constant 0 : i32
    %dma_wait3A_71 = arith.constant 0 : i32
    %dma_wait3A_72 = tpu.memref_slice %arg9[%dma_wait3A_69, %dma_wait3A_70, %dma_wait3A_71] : memref<6x128x128xf32, #tpu.memory_space<vmem>> -> memref<1x128x128xf32, #tpu.memory_space<vmem>>
    %dma_wait3A_73 = tpu.memref_squeeze %dma_wait3A_72 : memref<1x128x128xf32, #tpu.memory_space<vmem>> -> memref<128x128xf32, #tpu.memory_space<vmem>>
    %dma_wait3A_74 = arith.constant 0 : i32
    %dma_wait3A_75 = tpu.memref_slice %arg5[%add3A_68, %dma_wait3A_74] : memref<819200x128xf32, #tpu.memory_space<hbm>> -> memref<128x128xf32, #tpu.memory_space<hbm>>
    %dma_wait3A_76 = arith.constant 0 : i32
    %dma_wait3A_77 = tpu.memref_slice %arg5[%add3A_68, %dma_wait3A_76] : memref<819200x128xf32, #tpu.memory_space<hbm>> -> memref<128x128xf32, #tpu.memory_space<hbm>>
    %dma_wait3A_78 = arith.constant 0 : i32
    %dma_wait3A_79 = arith.constant 0 : i32
    %dma_wait3A_80 = tpu.memref_slice %arg9[%dma_wait3A_69, %dma_wait3A_78, %dma_wait3A_79] : memref<6x128x128xf32, #tpu.memory_space<vmem>> -> memref<1x128x128xf32, #tpu.memory_space<vmem>>
    %dma_wait3A_81 = tpu.memref_squeeze %dma_wait3A_80 : memref<1x128x128xf32, #tpu.memory_space<vmem>> -> memref<128x128xf32, #tpu.memory_space<vmem>>
    tpu.wait_dma2 semaphore(%arg22 : memref<!tpu.dma_semaphore, #tpu.memory_space<semaphore_mem>>) src(%dma_wait3A_81 : memref<128x128xf32, #tpu.memory_space<vmem>>) dst(%dma_wait3A_77 : memref<128x128xf32, #tpu.memory_space<hbm>>)
    %add3A_82 = arith.constant 25472 : i32
    %add3A_83 = arith.addi %mul3A_2, %add3A_82 : i32
    %dma_wait3A_84 = arith.constant 1 : i32
    %dma_wait3A_85 = arith.constant 0 : i32
    %dma_wait3A_86 = arith.constant 0 : i32
    %dma_wait3A_87 = tpu.memref_slice %arg9[%dma_wait3A_84, %dma_wait3A_85, %dma_wait3A_86] : memref<6x128x128xf32, #tpu.memory_space<vmem>> -> memref<1x128x128xf32, #tpu.memory_space<vmem>>
    %dma_wait3A_88 = tpu.memref_squeeze %dma_wait3A_87 : memref<1x128x128xf32, #tpu.memory_space<vmem>> -> memref<128x128xf32, #tpu.memory_space<vmem>>
    %dma_wait3A_89 = arith.constant 0 : i32
    %dma_wait3A_90 = tpu.memref_slice %arg5[%add3A_83, %dma_wait3A_89] : memref<819200x128xf32, #tpu.memory_space<hbm>> -> memref<128x128xf32, #tpu.memory_space<hbm>>
    %dma_wait3A_91 = arith.constant 0 : i32
    %dma_wait3A_92 = tpu.memref_slice %arg5[%add3A_83, %dma_wait3A_91] : memref<819200x128xf32, #tpu.memory_space<hbm>> -> memref<128x128xf32, #tpu.memory_space<hbm>>
    %dma_wait3A_93 = arith.constant 0 : i32
    %dma_wait3A_94 = arith.constant 0 : i32
    %dma_wait3A_95 = tpu.memref_slice %arg9[%dma_wait3A_84, %dma_wait3A_93, %dma_wait3A_94] : memref<6x128x128xf32, #tpu.memory_space<vmem>> -> memref<1x128x128xf32, #tpu.memory_space<vmem>>
    %dma_wait3A_96 = tpu.memref_squeeze %dma_wait3A_95 : memref<1x128x128xf32, #tpu.memory_space<vmem>> -> memref<128x128xf32, #tpu.memory_space<vmem>>
    tpu.wait_dma2 semaphore(%arg23 : memref<!tpu.dma_semaphore, #tpu.memory_space<semaphore_mem>>) src(%dma_wait3A_96 : memref<128x128xf32, #tpu.memory_space<vmem>>) dst(%dma_wait3A_92 : memref<128x128xf32, #tpu.memory_space<hbm>>)
    return
  }
}

</mosaic_0001>

<sc_bundles>
// kernel: kernel.3.cloned.1.call-start
scs
__scs_entry_jumppad:
0x0: {  	(pc) =	sbr.rel $0x88, $3  }
0x1: {  	(tag) =	ssettag $0x0;
	lr =	simm.s32 $0x1  }
0x2: {  	[smem:$0x3F9E] =	sst lr;
	_ =	strace $0xD0000000  }
0x3: {  	_ = 	snop  }
0x4: {  	_ = 	snop  }
0x5: {  	_ = 	snop  }
0x6: {  	_ = 	snop  }
0x7: {  	_ = 	snop  }
__scs_overlays_trampoline_lowered:
0x8: {  	[smem:$0x3FAD] =	sst s0  }
0x9: {  	[smem:$0x3FAE] =	sst s1  }
0xa: {  	[smem:$0x3FAF] =	sst s2  }
0xb: {  	[smem:$0x3FB0] =	sst s3  }
0xc: {  	[smem:$0x3FB1] =	sst s4  }
0xd: {  	[smem:$0x3FB2] =	sst s5  }
0xe: {  	[smem:$0x3FB3] =	sst s6  }
0xf: {  	[smem:$0x3FB4] =	sst s7  }
0x10: {  	[smem:$0x3FB5] =	sst s8  }
0x11: {  	[smem:$0x3FB6] =	sst s9;
	s0 =	simm.s32 @!p0 $0x0  }
0x12: {  	s1 =	sld [smem:$0x3F9C];
	s0 =	simm.s32 @p0 $0x1  }
0x13: {  	[smem:$0x3FB7] =	sst s0;
	s0 =	simm.s32 @!p1 $0x0  }
0x14: {  	s2 =	sld [smem:$0x3F9B];
	s0 =	simm.s32 @p1 $0x1  }
0x15: {  	[smem:$0x3FB8] =	sst s0;
	s0 =	simm.s32 @!p2 $0x0  }
0x16: {  	s3 =	sld [smem:$0x3FDB];
	s0 =	simm.s32 @p2 $0x1  }
0x17: {  	s4 =	simm.s32 $0x1BF5;
	[smem:$0x3FBA] =	sst s0  }
0x18: {  	s0 =	sld [smem:$0x3F9D];
	_ =	swait.ge [sflag:s4], $0x0  }
0x19: {  	s7 =	sld [smem:$0x3F9E]  }
0x1a: {  	s8 =	sadd.s32 $0xFFFFE003, lr  }
0x1b: {  	s9 =	sadd.s32 $0xFFFFFEF7, lr;
	s5 =	simm.s32 $0xFFFFFFFF;
	p2 =	slt.u32 s8, $0xFFFFF086  }
0x1c: {  	p1 =	slt.u32 s9, $0xF7A;
	s5 =	simm.s32 @!p2 $0x0  }
0x1d: {  	s5 =	simm.s32 @p1 $0x1;
	p0 =	seq.s32 s7, s2  }
0x1e: {  	s7 =	smul.u32 @!p0 $0xF7A, s2;
	p2 =	seq.s32 @!p0 s5, $0x0  }
0x1f: {  	s9 =	smul.u32 $0xF7A, s1;
	s8 =	simm.s32 @!p0 $0x1BF5;
	p2 =	por !p2, p0  }
0x20: {  	[sflag:s8] =	ssyncset.s32 @!p0 $0xFFFFF086;
	s6 =	sadd.s32 @!p0 s3, s7;
	s7 =	simm.s32 @!p0 $0x108  }
0x21: {  	s3 =	sadd.s32 s3, s9;
	s6 =	sadd.s32 @!p0 $0x88, s6;
	s7 =	simm.s32 @p2 $0x1082  }
0x22: {  	[simem:s7], [sflag:s8] =	dma.local @!p0 [hbm:s6], $0xF7A  }
0x23: {  	s9 =	sor.u32 $0xD0000000, s2;
	s6 =	simm.s32 $0x108;
	_ =	swait.ge @!p0 [sflag:s8], $0x0  }
0x24: {  	s3 =	sadd.s32 $0x88, s3;
	s6 =	simm.s32 @!p1 $0x1082;
	[sflag:s4] =	ssyncset.s32 $0xFFFFF086  }
0x25: {  	[simem:s6], [sflag:s4] =	dma.local [hbm:s3], $0xF7A  }
0x26: {  	[smem:$0x3F9E] =	sst s1;
	(tag) =	ssettag s2;
	_ =	strace s9  }
0x27: {  	s1 =	sld [smem:$0x3FAE]  }
0x28: {  	s2 =	sld [smem:$0x3FAF]  }
0x29: {  	s4 =	sld [smem:$0x3FB1]  }
0x2a: {  	p0 =	seq.s32 s5, $0x0;
	s5 =	sld [smem:$0x3FB2]  }
0x2b: {  	s6 =	sld [smem:$0x3FB3]  }
0x2c: {  	s7 =	sld [smem:$0x3FB4]  }
0x2d: {  	s3 =	simm.s32 $0x108;
	s8 =	sld [smem:$0x3FB5]  }
0x2e: {  	s3 =	simm.s32 @!p0 $0x1082;
	s9 =	sld [smem:$0x3FB6]  }
0x2f: {  	lr =	sadd.s32 s0, s3;
	s0 =	sld [smem:$0x3FAD]  }
0x30: {  	s3 =	sld [smem:$0x3FB0]  }
0x31: {  	[smem:$0x3FB9] =	sst s10  }
0x32: {  	s10 =	sld [smem:$0x3FB7];
	_ =	sdelay $0x3  }
0x33: {  	p0 =	seq.s32 s10, $0x1;
	s10 =	sld [smem:$0x3FB9];
	_ =	sdelay $0x3  }
0x34: {  	[smem:$0x3FB9] =	sst s10  }
0x35: {  	s10 =	sld [smem:$0x3FB8];
	_ =	sdelay $0x3  }
0x36: {  	p1 =	seq.s32 s10, $0x1;
	s10 =	sld [smem:$0x3FB9];
	_ =	sdelay $0x3  }
0x37: {  	[smem:$0x3FB9] =	sst s10  }
0x38: {  	s10 =	sld [smem:$0x3FBA]  }
0x39: {  	_ = 	snop;
	(pc) =	sbr.ind lr, $3  }
0x3a: {  	_ = 	snop  }
0x3b: {  	_ = 	snop  }
0x3c: {  	p2 =	seq.s32 s10, $0x1;
	s10 =	sld [smem:$0x3FB9]  }
0x3d: {  	_ =	shalt  }
0x3e: {  	_ =	shalt  }
0x3f: {  	_ =	shalt  }
0x40: {  	_ =	shalt  }
0x41: {  	_ =	shalt  }
0x42: {  	_ =	shalt  }
0x43: {  	_ =	shalt  }
0x44: {  	_ =	shalt  }
0x45: {  	_ =	shalt  }
0x46: {  	_ =	shalt  }
0x47: {  	_ =	shalt  }
0x48: {  	_ =	shalt  }
0x49: {  	_ =	shalt  }
0x4a: {  	_ =	shalt  }
0x4b: {  	_ =	shalt  }
0x4c: {  	_ =	shalt  }
0x4d: {  	_ =	shalt  }
0x4e: {  	_ =	shalt  }
0x4f: {  	_ =	shalt  }
0x50: {  	_ =	shalt  }
0x51: {  	_ =	shalt  }
0x52: {  	_ =	shalt  }
0x53: {  	_ =	shalt  }
0x54: {  	_ =	shalt  }
0x55: {  	_ =	shalt  }
0x56: {  	_ =	shalt  }
0x57: {  	_ =	shalt  }
0x58: {  	_ =	shalt  }
0x59: {  	_ =	shalt  }
0x5a: {  	_ =	shalt  }
0x5b: {  	_ =	shalt  }
0x5c: {  	_ =	shalt  }
0x5d: {  	_ =	shalt  }
0x5e: {  	_ =	shalt  }
0x5f: {  	_ =	shalt  }
0x60: {  	_ =	shalt  }
0x61: {  	_ =	shalt  }
0x62: {  	_ =	shalt  }
0x63: {  	_ =	shalt  }
0x64: {  	_ =	shalt  }
0x65: {  	_ =	shalt  }
0x66: {  	_ =	shalt  }
0x67: {  	_ =	shalt  }
0x68: {  	_ =	shalt  }
0x69: {  	_ =	shalt  }
0x6a: {  	_ =	shalt  }
0x6b: {  	_ =	shalt  }
0x6c: {  	_ =	shalt  }
0x6d: {  	_ =	shalt  }
0x6e: {  	_ =	shalt  }
0x6f: {  	_ =	shalt  }
0x70: {  	_ =	shalt  }
0x71: {  	_ =	shalt  }
0x72: {  	_ =	shalt  }
0x73: {  	_ =	shalt  }
0x74: {  	_ =	shalt  }
0x75: {  	_ =	shalt  }
0x76: {  	_ =	shalt  }
0x77: {  	_ =	shalt  }
0x78: {  	_ =	shalt  }
0x79: {  	_ =	shalt  }
0x7a: {  	_ =	shalt  }
0x7b: {  	_ =	shalt  }
0x7c: {  	_ =	shalt  }
0x7d: {  	_ =	shalt  }
0x7e: {  	_ =	shalt  }
0x7f: {  	_ =	shalt  }
0x80: {  	_ =	shalt  }
0x81: {  	_ =	shalt  }
0x82: {  	_ =	shalt  }
0x83: {  	_ =	shalt  }
0x84: {  	_ =	shalt  }
0x85: {  	_ =	shalt  }
0x86: {  	_ =	shalt  }
0x87: {  	_ =	shalt  }
.Lfunc_end0:
.L_simem_size_0:
called_computation_lowered:
.L_overlay_start_0:
0x88: {  	s2 =	sld [smem:$0x3FD9]  }
0x89: {  	s3 =	sld [smem:$0x3FFE];
	_ =	sdelay $0x1  }
0x8a: {  	s1 =	srdreg.scid  }
0x8b: {  	s0 =	sand.u32 $0x1, s1  }
0x8c: {  	s17 =	sshll.u32 s0, $0xA;
	s2 =	sadd.s32 s3, s2  }
0x8d: {  	s2 =	sadd.s32 s2, s17  }
0x8e: {  	[smem:$0x3FC5] =	sst s2  }
0x8f: {  	_ = 	snop  }
0x90: {  	s2 =	sld [smem:$0x3FC7]  }
0x91: {  	s18 =	sld [smem:$0x3FD0];
	(tm) =	ssettm $0x1  }
0x92: {  	s4 =	sld [smem:$0x3FFB];
	_ =	sdelay $0x3  }
0x93: {  	_ =	strace s4  }
0x94: {  	s4 =	sld [smem:$0x3FFC];
	_ =	sdelay $0x3  }
0x95: {  	_ =	strace s4  }
0x96: {  	s4 =	sld [smem:$0x3FFD];
	_ =	sdelay $0x3  }
0x97: {  	_ =	strace s4  }
0x98: {  	_ =	strace $0x8FFFFFFF  }
0x99: {  	s19 =	sld [smem:$0x3FDB];
	_ =	sdelay $0x1  }
0x9a: {  	s5 =	simm.s32 $_scs_section_size  }
0x9b: {  	s6 =	simm.s32 $_size__tile_overlayer_lowered;
	s7 =	simm.s32 $_tile_overlayer_lowered  }
0x9c: {  	s22 =	simm.s32 $0x1BFF;
	s21 =	sshll.u32 s7, $0x1;
	s4 =	sadd.s32 s5, s19  }
0x9d: {  	s8 =	simm.s32 $0x0;
	s20 =	sshll.u32 s6, $0x1;
	s6 =	sadd.s32 s21, s4  }
0x9e: {  	[timem:s8], [sflag:s22] =	dma.local [hbm:s6], s20  }
0x9f: {  	_ =	swait.ge [sflag:s22], s20  }
0xa0: {  	s5 =	ssub.s32 $0x0, s20;
	[sflag:s22] =	ssyncset.done $0x0  }
0xa1: {  	[sflag:s22] =	ssyncadd.s32 s5;
	_ =	sdelay $0x1  }
0xa2: {  	s23 =	simm.s32 $0x1B8B  }
0xa3: {  	_ =	swait.ge [sflag:s23], $0x1  }
0xa4: {  	[sflag:s23] =	ssyncset.done $0x0  }
0xa5: {  	s25 =	simm.s32 $0x1B8E;
	s24 =	sld [smem:$0x3FFE];
	[sflag:s23] =	ssyncadd.s32 $0xFFFFFFFF  }
0xa6: {  	s26 =	simm.s32 $execute0_lowered;
	[smem:$0x3FD2] =	sst s25  }
0xa7: {  	s6 =	sshll.u32 s26, $0x1;
	_ =	strace $0x80000046;
	[dreg:$0x1] =	wrdreg $0xFFFFFFFF  }
0xa8: {  	s28 =	simm.s32 $_size_execute0_lowered;
	s4 =	sadd.s32 s4, s6;
	[dreg:$0x0] =	wrdreg $0x0  }
0xa9: {  	s6 =	sshll.u32 s28, $0x1;
	[dreg:$0x2] =	wrdreg s4  }
0xaa: {  	[dreg:$0x3] =	wrdreg s6  }
0xab: {  	[dreg:$0x4] =	wrdreg $0xC0  }
0xac: {  	_ =	task [dreg:s8], $0x5FFFF  }
0xad: {  	[dreg:$0x1] =	wrdreg $0xFFFFFFFF  }
0xae: {  	[dreg:$0x0] =	wrdreg $0x60  }
0xaf: {  	[dreg:$0x2] =	wrdreg s24  }
0xb0: {  	[dreg:$0x3] =	wrdreg s2  }
0xb1: {  	[dreg:$0x4] =	wrdreg s18  }
0xb2: {  	[dreg:$0x5] =	wrdreg $0x9  }
0xb3: {  	_ =	task.clear_ibuf [dreg:s8], $0x6FFFF;
	_ =	strace $0x90000046  }
0xb4: {  	s29 =	simm.s32 $0x9;
	_ =	strace $0x80000048  }
0xb5: {  	_ =	swait.ge [sflag:s29], $0x1  }
0xb6: {  	[sflag:s29] =	ssyncadd.s32 $0xFFFFFFFF  }
0xb7: {  	_ =	strace $0x90000048  }
0xb8: {  	_ =	sfence  }
0xb9: {  	s30 =	sld [smem:$0x0];
	_ =	sdelay $0x2  }
0xba: {  	s31 =	sshll.u32 s1, $0xD;
	s1 =	sshrl.u32 s1, $0x2  }
0xbb: {  	s3 =	sand.u32 $0x4000, s31;
	s1 =	sadd.s32 s1, s30  }
0xbc: {  	s0 =	sor.u32 s3, s0;
	s1 =	sshll.u32 s1, $0x11  }
0xbd: {  	s0 =	sor.u32 s1, s0  }
0xbe: {  	s0 =	sadd.s32 $0x8F2B, s0  }
0xbf: {  	[sflag:s0] =	ssyncadd.remote.s32 $0x1  }
0xc0: {  	_ =	sfence.sel $0xFFFF  }
0xc1: {  	[dreg:$0x0] =	wrdreg $0xFFFFFFFF;
	(pc) =	sbr.abs _section_cstart, $3  }
0xc2: {  	[dreg:$0x1] =	wrdreg $0xFFFFFFFF  }
0xc3: {  	_ =	task.clear_ibuf [dreg:s8], $0x2FFFF;
	_ =	strace $0x9FFFFFFF  }
0xc4: {  	(tm) =	ssettm $0x7FFFFFFF  }
0xc5: {  	_ =	shalt  }
tec
execute0_lowered:
.L_overlay_start_1:
0x0: {  	(tag) =	ssettag $0x1  }
0x1: {  	s0 =	rddreg [dreg:$0x0]  }
0x2: {  	s2 =	rddreg [dreg:$0x1]  }
0x3: {  	s3 =	rddreg [dreg:$0x2];
	s1 =	srdreg.scid  }
0x4: {  	s10 =	stileid.u32;
	s4 =	simm.s32 $0x0;
	s28 =	simm.s32 $0x1  }
0x5: {  	s30 =	simm.s32 $0xC00;
	s1 =	sand.u32 $0x1, s1;
	s5 =	smul.u32 $0xC800, s10  }
0x6: {  	s31 =	simm.s32 $0x2;
	[smem:$0x7FF] =	sst s4;
	s6 =	smul.u32 $0x6400, s1  }
0x7: {  	s14 =	sadd.s32 $0x600, s0;
	s0 =	sadd.s32 $0x19600, s0;
	s7 =	ssub.s32 $0x2, s1  }
0x8: {  	_ =	strace $0x80000047;
	s8 =	sshrl.u32 s7, $0x1;
	s5 =	sadd.s32 s6, s5  }
0x9: {  	s15 =	ssub.s32 s7, s8;
	s16 =	sor.u32 $0x280, s5;
	s17 =	sor.u32 $0x200, s5  }
0xa: {  	s6 =	smax.u32 s15, $0x1;
	s21 =	sor.u32 $0x180, s5;
	s15 =	smul.u32 $0xC8000, s10  }
0xb: {  	s11 =	sor.u32 $0x100, s5;
	s23 =	sshrl.u32 s5, $0x3;
	s5 =	sor.u32 $0x80, s5  }
0xc: {  	[dreg:$0x4] =	wrdreg s6;
	s18 =	sshrl.u32 s16, $0x3;
	s16 =	smul.u32 $0x640000, s10  }
0xd: {  	s9 =	sshrl.u32 s17, $0x3;
	s13 =	sshrl.u32 s11, $0x3;
	s17 =	smul.u32 $0x320000, s1  }
0xe: {  	s1 =	smul.u32 $0x64000, s1;
	s26 =	sshrl.u32 s5, $0x3;
	s5 =	simm.s32 $0x7  }
0xf: {  	s7 =	sadd.s32 s18, s0;
	s6 =	sadd.s32 s18, s14;
	s19 =	sadd.s32 s9, s0  }
0x10: {  	s20 =	sadd.s32 s9, s14;
	s12 =	sadd.s32 s13, s0;
	[dreg:$0x5] =	wrdreg s7  }
0x11: {  	s13 =	sadd.s32 s13, s14;
	s22 =	sadd.s32 s15, s3;
	[dreg:$0x6] =	wrdreg s6  }
0x12: {  	s15 =	sadd.s32 s23, s0;
	s18 =	sadd.s32 s26, s0;
	[dreg:$0x7] =	wrdreg s19  }
0x13: {  	[dreg:$0x8] =	wrdreg s20;
	s6 =	sshrl.u32 s21, $0x3;
	s17 =	sadd.s32 s17, s16  }
0x14: {  	s1 =	sadd.s32 s1, s22;
	s16 =	sadd.s32 s23, s14;
	s19 =	sadd.s32 s26, s14  }
.Ltmp0:
0x15: {  	s22 =	simm.s32 $0x5;
	s23 =	simm.s32 $0x80;
	(pc) =	sbr.rel .LBB2_1-.Ltmp0, $4  }
0x16: {  	s10 =	sadd.s32 s6, s0;
	s11 =	sadd.s32 s6, s14;
	s24 =	sor.u32 $0x4000, s17  }
0x17: {  	[dreg:$0x9] =	wrdreg s1;
	s29 =	sadd.s32 $0xFFFF0000, s17;
	s6 =	sshrl.u32 s24, $0x3  }
0x18: {  	s7 =	simm.s32 $0x0;
	[dreg:$0xb] =	wrdreg s29;
	s25 =	sadd.s32 s6, s3  }
0x19: {  	s1 =	simm.s32 $0x4C00;
	s14 =	simm.s32 $0x8;
	[dreg:$0xa] =	wrdreg s25  }
.LBB2_5:
0x1a: {  	s0 =	simm.s32 $0xF  }
0x1b: {  	_ =	swait.ge [sflag:s0], $0x4000  }
0x1c: {  	[sflag:s0] =	ssyncset.done $0x0  }
0x1d: {  	s21 =	simm.s32 $0x10;
	[sflag:s0] =	ssyncadd.s32 $0xFFFFC000  }
0x1e: {  	_ =	swait.ge [sflag:s21], $0x4000  }
0x1f: {  	[sflag:s21] =	ssyncset.done $0x0  }
0x20: {  	s24 =	simm.s32 $0x11;
	[sflag:s21] =	ssyncadd.s32 $0xFFFFC000  }
0x21: {  	_ =	swait.ge [sflag:s24], $0x4000  }
0x22: {  	[sflag:s24] =	ssyncset.done $0x0  }
0x23: {  	s25 =	simm.s32 $0x12;
	[sflag:s24] =	ssyncadd.s32 $0xFFFFC000  }
0x24: {  	_ =	swait.ge [sflag:s25], $0x4000  }
0x25: {  	[sflag:s25] =	ssyncset.done $0x0  }
0x26: {  	s26 =	simm.s32 $0xD;
	[sflag:s25] =	ssyncadd.s32 $0xFFFFC000  }
0x27: {  	_ =	swait.ge [sflag:s26], $0x4000  }
0x28: {  	[sflag:s26] =	ssyncset.done $0x0  }
0x29: {  	s6 =	simm.s32 $0xE;
	[sflag:s26] =	ssyncadd.s32 $0xFFFFC000  }
0x2a: {  	_ =	swait.ge [sflag:s6], $0x4000  }
0x2b: {  	s7 =	rddreg [dreg:$0xc]  }
0x2c: {  	s29 =	rddreg [dreg:$0x4];
	s7 =	sadd.s32 $0x1, s7  }
0x2d: {  	p0 =	sne.s32 s7, s29  }
.Ltmp1:
0x2e: {  	_ = 	snop;
	(pc) =	sbr.rel @!p0 .LBB2_6-.Ltmp1, $3  }
0x2f: {  	_ =	sdelay $0x1  }
0x30: {  	[sflag:s6] =	ssyncset.done $0x0  }
0x31: {  	[sflag:s6] =	ssyncadd.s32 $0xFFFFC000  }
.LBB2_1:
.Ltmp2:
0x32: {  	(pc) =	sbr.rel .LBB2_2-.Ltmp2, $4  }
0x33: {  	[dreg:$0xc] =	wrdreg s7  }
0x34: {  	s17 =	rddreg [dreg:$0xb]  }
0x35: {  	s20 =	simm.s32 $0xFFFFFFFA;
	s24 =	rddreg [dreg:$0xa]  }
0x36: {  	s25 =	rddreg [dreg:$0x9];
	s21 =	simm.s32 $0x0;
	s26 =	simm.s32 $0x0  }
.LBB2_4:
0x37: {  	p0 =	seq.s32 s21, $0x0  }
0x38: {  	s0 =	simm.s32 @!p0 $0xE  }
0x39: {  	_ =	swait.ge @!p0 [sflag:s0], $0x4000  }
0x3a: {  	s7 =	sadd.s32 $0x5, s20;
	[sflag:s0] =	ssyncset.done @!p0 $0x0  }
0x3b: {  	s8 =	sadd.s32 s21, s19;
	p2 =	sgt.u32 s7, $0xC7;
	[sflag:s0] =	ssyncadd.s32 @!p0 $0xFFFFC000  }
0x3c: {  	[tilespmem:s23], [sflag:$0x2] =	stream.linear.gather [hbm4b:s8+s4], $0x80, $0x38;
	[tilespmem:$0x18C00] =	vst v63  }
0x3d: {  	s9 =	sadd.s32 s21, s18;
	s6 =	simm.s32 $0x480;
	s0 =	simm.s32 @!p2 $0x6  }
0x3e: {  	[tilespmem:s6], [sflag:$0x2] =	stream.linear.gather [hbm4b:s9+s4], $0x80, $0x38;
	[tilespmem:$0x18C00] =	vst v63  }
0x3f: {  	_ =	swait.ge @!p2 [sflag:s0], $0x80  }
0x40: {  	[sflag:s0] =	ssyncset.done @!p2 $0x0  }
0x41: {  	[sflag:s0] =	ssyncadd.s32 @!p2 $0xFFFFFF80  }
0x42: {  	_ =	swait.ge @!p2 [sflag:s0], $0x80  }
0x43: {  	[sflag:s0] =	ssyncset.done @!p2 $0x0  }
0x44: {  	[sflag:s0] =	ssyncadd.s32 @!p2 $0xFFFFFF80  }
0x45: {  	v0 =	vld @!p2 [tilespmem:$0x280]  }
0x46: {  	v1 =	vld @!p2 [tilespmem:$0x680]  }
0x47: {  	v2 =	vld @!p2 [tilespmem:$0x290]  }
0x48: {  	v3 =	vld @!p2 [tilespmem:$0x690]  }
0x49: {  	v4 =	vld @!p2 [tilespmem:$0x2A0]  }
0x4a: {  	v5 =	vld @!p2 [tilespmem:$0x6A0]  }
0x4b: {  	v6 =	vld @!p2 [tilespmem:$0x2B0]  }
0x4c: {  	v7 =	vld @!p2 [tilespmem:$0x6B0]  }
0x4d: {  	v8 =	vld @!p2 [tilespmem:$0x2C0]  }
0x4e: {  	v9 =	vld @!p2 [tilespmem:$0x6C0]  }
0x4f: {  	v10 =	vld @!p2 [tilespmem:$0x2D0]  }
0x50: {  	v11 =	vld @!p2 [tilespmem:$0x6D0]  }
0x51: {  	v12 =	vld @!p2 [tilespmem:$0x2E0];
	v0 =	vshll.u32 @!p2 v0, $0x8  }
0x52: {  	v0 =	vadd.s32 @!p2 v1, v0;
	v1 =	vshll.u32 @!p2 v2, $0x8;
	v2 =	vld @!p2 [tilespmem:$0x6E0]  }
0x53: {  	[tilespmem:$0xA80] =	vst @!p2 v0;
	v0 =	vadd.s32 @!p2 v3, v1;
	v1 =	vshll.u32 @!p2 v4, $0x8;
	v3 =	vld @!p2 [tilespmem:$0x2F0]  }
0x54: {  	v4 =	vld @!p2 [tilespmem:$0x6F0];
	[tilespmem:$0xA90] =	vst @!p2 v0;
	v0 =	vadd.s32 @!p2 v5, v1;
	v1 =	vshll.u32 @!p2 v6, $0x8  }
0x55: {  	[tilespmem:$0xAA0] =	vst @!p2 v0;
	v0 =	vadd.s32 @!p2 v7, v1;
	v1 =	vshll.u32 @!p2 v8, $0x8  }
0x56: {  	[tilespmem:$0xAB0] =	vst @!p2 v0;
	v0 =	vadd.s32 @!p2 v9, v1;
	v1 =	vshll.u32 @!p2 v10, $0x8  }
0x57: {  	[tilespmem:$0xAC0] =	vst @!p2 v0;
	v0 =	vadd.s32 @!p2 v11, v1;
	v1 =	vshll.u32 @!p2 v12, $0x8  }
0x58: {  	[tilespmem:$0xAD0] =	vst @!p2 v0;
	v0 =	vadd.s32 @!p2 v2, v1;
	v1 =	vshll.u32 @!p2 v3, $0x8  }
0x59: {  	[tilespmem:$0xAE0] =	vst @!p2 v0;
	v0 =	vadd.s32 @!p2 v4, v1  }
0x5a: {  	s7 =	simm.s32 @!p2 $0xA80;
	s6 =	simm.s32 @!p2 $0x14C00;
	s0 =	simm.s32 @!p2 $0x80;
	[tilespmem:$0xAF0] =	vst @!p2 v0  }
0x5b: {  	[tilespmem:s6], [sflag:$0xC] =	stream.indirect.gather @!p2 [hbm4b:s2+s0], $0x80, s7, s0, $0xb8;
	[tilespmem:$0x18C00] =	vst v63  }
0x5c: {  	s0 =	sadd.s32 @!p2 $0x3, s20  }
0x5d: {  	p0 =	sgt.u32 @!p2 s0, $0xC7  }
0x5e: {  	p0 =	por p0, p2  }
0x5f: {  	s0 =	simm.s32 @!p0 $0xA  }
0x60: {  	_ =	swait.ge @!p0 [sflag:s0], $0x4000  }
0x61: {  	s7 =	sadd.s32 @!p0 $0x4000, s17;
	[sflag:s0] =	ssyncset.done @!p0 $0x0  }
0x62: {  	[sflag:s0] =	ssyncadd.s32 @!p0 $0xFFFFC000;
	s0 =	sshrl.u32 @!p0 s7, $0x3  }
0x63: {  	s8 =	simm.s32 @!p0 $0xCC00;
	s7 =	simm.s32 @!p0 $0x0;
	s0 =	sadd.s32 @!p0 s3, s0  }
0x64: {  	[hbm4b:s0+s7] =	stream.linear.scatter @!p0 [tilespmem:s8], [sflag:$0x10], $0x4000, $0x38;
	[tilespmem:$0x18C00] =	vst v63  }
0x65: {  	s0 =	simm.s32 @p3 $0xF  }
0x66: {  	p0 =	seq.s32 s21, $0xC60;
	_ =	swait.ge @p3 [sflag:s0], $0x4000  }
0x67: {  	s7 =	sadd.s32 @!p0 s21, s13;
	[sflag:s0] =	ssyncset.done @p3 $0x0  }
0x68: {  	s8 =	simm.s32 @!p0 $0x100;
	[sflag:s0] =	ssyncadd.s32 @p3 $0xFFFFC000;
	s0 =	simm.s32 @!p0 $0x0  }
0x69: {  	[tilespmem:s8], [sflag:$0x3] =	stream.linear.gather @!p0 [hbm4b:s7+s0], $0x80, $0x38;
	[tilespmem:$0x18C00] =	vst v63  }
0x6a: {  	s7 =	sadd.s32 @!p0 s21, s12;
	s8 =	simm.s32 @!p0 $0x500  }
0x6b: {  	[tilespmem:s8], [sflag:$0x3] =	stream.linear.gather @!p0 [hbm4b:s7+s0], $0x80, $0x38;
	[tilespmem:$0x18C00] =	vst v63  }
0x6c: {  	_ =	swait.ge [sflag:s28], $0x80  }
0x6d: {  	[sflag:s28] =	ssyncset.done $0x0  }
0x6e: {  	[sflag:s28] =	ssyncadd.s32 $0xFFFFFF80  }
0x6f: {  	_ =	swait.ge [sflag:s28], $0x80  }
0x70: {  	[sflag:s28] =	ssyncset.done $0x0  }
0x71: {  	[sflag:s28] =	ssyncadd.s32 $0xFFFFFF80  }
0x72: {  	v52 =	vld [tilespmem:$0x0]  }
0x73: {  	v53 =	vld [tilespmem:$0x400]  }
0x74: {  	v54 =	vld [tilespmem:$0x10]  }
0x75: {  	v55 =	vld [tilespmem:$0x410]  }
0x76: {  	v56 =	vld [tilespmem:$0x20]  }
0x77: {  	v57 =	vld [tilespmem:$0x420]  }
0x78: {  	v58 =	vld [tilespmem:$0x30]  }
0x79: {  	v59 =	vld [tilespmem:$0x430]  }
0x7a: {  	v60 =	vld [tilespmem:$0x40]  }
0x7b: {  	v61 =	vld [tilespmem:$0x440]  }
0x7c: {  	v62 =	vld [tilespmem:$0x50]  }
0x7d: {  	v63 =	vld [tilespmem:$0x450]  }
0x7e: {  	v16 =	vld [tilespmem:$0x60];
	v0 =	vshll.u32 v52, $0x8  }
0x7f: {  	v18 =	vld [tilespmem:$0x460];
	v17 =	vshll.u32 v54, $0x8;
	v0 =	vadd.s32 v53, v0  }
0x80: {  	v21 =	vld [tilespmem:$0x70];
	v20 =	vshll.u32 v56, $0x8;
	v19 =	vadd.s32 v55, v17;
	[tilespmem:$0x800] =	vst v0  }
0x81: {  	v24 =	vld [tilespmem:$0x470];
	v23 =	vshll.u32 v58, $0x8;
	v22 =	vadd.s32 v57, v20;
	[tilespmem:$0x810] =	vst v19  }
0x82: {  	v26 =	vshll.u32 v60, $0x8;
	v25 =	vadd.s32 v59, v23;
	[tilespmem:$0x820] =	vst v22  }
0x83: {  	v28 =	vshll.u32 v62, $0x8;
	v27 =	vadd.s32 v61, v26;
	[tilespmem:$0x830] =	vst v25  }
0x84: {  	v30 =	vshll.u32 v16, $0x8;
	v29 =	vadd.s32 v63, v28;
	[tilespmem:$0x840] =	vst v27  }
0x85: {  	v32 =	vshll.u32 v21, $0x8;
	v31 =	vadd.s32 v18, v30;
	[tilespmem:$0x850] =	vst v29  }
0x86: {  	v33 =	vadd.s32 v24, v32;
	[tilespmem:$0x860] =	vst v31  }
0x87: {  	s8 =	simm.s32 $0x800;
	s7 =	simm.s32 @!p1 $0xB;
	[tilespmem:$0x870] =	vst v33  }
0x88: {  	[tilespmem:s30], [sflag:$0x7] =	stream.indirect.gather [hbm4b:s2+s23], $0x80, s8, s23, $0xb8;
	[tilespmem:$0x18C00] =	vst v63  }
0x89: {  	_ =	swait.ge @!p1 [sflag:s7], $0x4000  }
0x8a: {  	s8 =	sadd.s32 @!p1 $0x8000, s17;
	[sflag:s7] =	ssyncset.done @!p1 $0x0  }
0x8b: {  	[sflag:s7] =	ssyncadd.s32 @!p1 $0xFFFFC000;
	s7 =	sshrl.u32 @!p1 s8, $0x3  }
0x8c: {  	s9 =	simm.s32 @!p1 $0x10C00;
	s8 =	simm.s32 @!p1 $0x0;
	s7 =	sadd.s32 @!p1 s3, s7  }
0x8d: {  	[hbm4b:s7+s8] =	stream.linear.scatter @!p1 [tilespmem:s9], [sflag:$0x11], $0x4000, $0x38;
	[tilespmem:$0x18C00] =	vst v63  }
0x8e: {  	s7 =	simm.s32 @p3 $0x10  }
0x8f: {  	_ =	swait.ge @p3 [sflag:s7], $0x4000  }
0x90: {  	[sflag:s7] =	ssyncset.done @p3 $0x0  }
0x91: {  	s8 =	simm.s32 @!p0 $0x180;
	[sflag:s7] =	ssyncadd.s32 @p3 $0xFFFFC000;
	s7 =	sadd.s32 @!p0 s21, s11  }
0x92: {  	[tilespmem:s8], [sflag:$0x4] =	stream.linear.gather @!p0 [hbm4b:s7+s0], $0x80, $0x38;
	[tilespmem:$0x18C00] =	vst v63  }
0x93: {  	s7 =	sadd.s32 @!p0 s21, s10;
	s8 =	simm.s32 @!p0 $0x580  }
0x94: {  	[tilespmem:s8], [sflag:$0x4] =	stream.linear.gather @!p0 [hbm4b:s7+s0], $0x80, $0x38;
	[tilespmem:$0x18C00] =	vst v63  }
0x95: {  	_ =	swait.ge [sflag:s31], $0x80  }
0x96: {  	[sflag:s31] =	ssyncset.done $0x0  }
0x97: {  	[sflag:s31] =	ssyncadd.s32 $0xFFFFFF80  }
0x98: {  	_ =	swait.ge [sflag:s31], $0x80  }
0x99: {  	[sflag:s31] =	ssyncset.done $0x0  }
0x9a: {  	[sflag:s31] =	ssyncadd.s32 $0xFFFFFF80  }
0x9b: {  	v34 =	vld [tilespmem:$0x80]  }
0x9c: {  	v35 =	vld [tilespmem:$0x480]  }
0x9d: {  	v36 =	vld [tilespmem:$0x90]  }
0x9e: {  	v37 =	vld [tilespmem:$0x490]  }
0x9f: {  	v38 =	vld [tilespmem:$0xA0]  }
0xa0: {  	v39 =	vld [tilespmem:$0x4A0]  }
0xa1: {  	v40 =	vld [tilespmem:$0xB0]  }
0xa2: {  	v41 =	vld [tilespmem:$0x4B0]  }
0xa3: {  	v42 =	vld [tilespmem:$0xC0]  }
0xa4: {  	v43 =	vld [tilespmem:$0x4C0]  }
0xa5: {  	v44 =	vld [tilespmem:$0xD0]  }
0xa6: {  	v45 =	vld [tilespmem:$0x4D0]  }
0xa7: {  	v46 =	vld [tilespmem:$0xE0];
	v0 =	vshll.u32 v34, $0x8  }
0xa8: {  	v48 =	vld [tilespmem:$0x4E0];
	v47 =	vshll.u32 v36, $0x8;
	v0 =	vadd.s32 v35, v0  }
0xa9: {  	v51 =	vld [tilespmem:$0xF0];
	v50 =	vshll.u32 v38, $0x8;
	v49 =	vadd.s32 v37, v47;
	[tilespmem:$0x880] =	vst v0  }
0xaa: {  	v54 =	vld [tilespmem:$0x4F0];
	v53 =	vshll.u32 v40, $0x8;
	v52 =	vadd.s32 v39, v50;
	[tilespmem:$0x890] =	vst v49  }
0xab: {  	v56 =	vshll.u32 v42, $0x8;
	v55 =	vadd.s32 v41, v53;
	[tilespmem:$0x8A0] =	vst v52  }
0xac: {  	v58 =	vshll.u32 v44, $0x8;
	v57 =	vadd.s32 v43, v56;
	[tilespmem:$0x8B0] =	vst v55  }
0xad: {  	v60 =	vshll.u32 v46, $0x8;
	v59 =	vadd.s32 v45, v58;
	[tilespmem:$0x8C0] =	vst v57  }
0xae: {  	v62 =	vshll.u32 v51, $0x8;
	v61 =	vadd.s32 v48, v60;
	[tilespmem:$0x8D0] =	vst v59  }
0xaf: {  	v63 =	vadd.s32 v54, v62;
	[tilespmem:$0x8E0] =	vst v61  }
0xb0: {  	s9 =	simm.s32 $0x880;
	s7 =	simm.s32 @!p2 $0xC;
	[tilespmem:$0x8F0] =	vst v63  }
0xb1: {  	[tilespmem:s1], [sflag:$0x8] =	stream.indirect.gather [hbm4b:s2+s23], $0x80, s9, s23, $0xb8;
	[tilespmem:$0x18C00] =	vst v63  }
0xb2: {  	s8 =	sadd.s32 @!p2 $0xC000, s17;
	_ =	swait.ge @!p2 [sflag:s7], $0x4000  }
0xb3: {  	p1 =	sgt.u32 s29, $0xC1;
	s8 =	sshrl.u32 @!p2 s8, $0x3;
	[sflag:s7] =	ssyncset.done @!p2 $0x0  }
0xb4: {  	[sflag:s7] =	ssyncadd.s32 @!p2 $0xFFFFC000;
	s7 =	sadd.s32 @!p2 s3, s8;
	s8 =	simm.s32 @!p2 $0x0  }
0xb5: {  	[hbm4b:s7+s8] =	stream.linear.scatter @!p2 [tilespmem:s6], [sflag:$0x12], $0x4000, $0x38;
	[tilespmem:$0x18C00] =	vst v63  }
0xb6: {  	s6 =	simm.s32 @!p1 $0x11  }
0xb7: {  	_ =	swait.ge @!p1 [sflag:s6], $0x4000  }
0xb8: {  	[sflag:s6] =	ssyncset.done @!p1 $0x0  }
0xb9: {  	[sflag:s6] =	ssyncadd.s32 @!p1 $0xFFFFC000;
	s6 =	rddreg [dreg:$0x8]  }
0xba: {  	s7 =	simm.s32 @!p0 $0x200;
	s6 =	sadd.s32 @!p0 s21, s6  }
0xbb: {  	[tilespmem:s7], [sflag:$0x5] =	stream.linear.gather @!p0 [hbm4b:s6+s0], $0x80, $0x38;
	[tilespmem:$0x18C00] =	vst v63  }
0xbc: {  	s6 =	rddreg [dreg:$0x7]  }
0xbd: {  	s7 =	simm.s32 @!p0 $0x600;
	s6 =	sadd.s32 @!p0 s21, s6  }
0xbe: {  	[tilespmem:s7], [sflag:$0x5] =	stream.linear.gather @!p0 [hbm4b:s6+s0], $0x80, $0x38;
	[tilespmem:$0x18C00] =	vst v63  }
0xbf: {  	s6 =	simm.s32 @!p0 $0x3  }
0xc0: {  	_ =	swait.ge @!p0 [sflag:s6], $0x80  }
0xc1: {  	[sflag:s6] =	ssyncset.done @!p0 $0x0  }
0xc2: {  	[sflag:s6] =	ssyncadd.s32 @!p0 $0xFFFFFF80  }
0xc3: {  	_ =	swait.ge @!p0 [sflag:s6], $0x80  }
0xc4: {  	[sflag:s6] =	ssyncset.done @!p0 $0x0  }
0xc5: {  	[sflag:s6] =	ssyncadd.s32 @!p0 $0xFFFFFF80  }
0xc6: {  	v0 =	vld @!p0 [tilespmem:$0x100]  }
0xc7: {  	v1 =	vld @!p0 [tilespmem:$0x500]  }
0xc8: {  	v2 =	vld @!p0 [tilespmem:$0x110]  }
0xc9: {  	v3 =	vld @!p0 [tilespmem:$0x510]  }
0xca: {  	v4 =	vld @!p0 [tilespmem:$0x120]  }
0xcb: {  	v5 =	vld @!p0 [tilespmem:$0x520]  }
0xcc: {  	v6 =	vld @!p0 [tilespmem:$0x130]  }
0xcd: {  	v7 =	vld @!p0 [tilespmem:$0x530]  }
0xce: {  	v8 =	vld @!p0 [tilespmem:$0x140]  }
0xcf: {  	v9 =	vld @!p0 [tilespmem:$0x540]  }
0xd0: {  	v10 =	vld @!p0 [tilespmem:$0x150]  }
0xd1: {  	v11 =	vld @!p0 [tilespmem:$0x550]  }
0xd2: {  	v12 =	vld @!p0 [tilespmem:$0x160];
	v0 =	vshll.u32 @!p0 v0, $0x8  }
0xd3: {  	v0 =	vadd.s32 @!p0 v1, v0;
	v1 =	vshll.u32 @!p0 v2, $0x8;
	v2 =	vld @!p0 [tilespmem:$0x560]  }
0xd4: {  	[tilespmem:$0x900] =	vst @!p0 v0;
	v0 =	vadd.s32 @!p0 v3, v1;
	v1 =	vshll.u32 @!p0 v4, $0x8;
	v3 =	vld @!p0 [tilespmem:$0x170]  }
0xd5: {  	v4 =	vld @!p0 [tilespmem:$0x570];
	[tilespmem:$0x910] =	vst @!p0 v0;
	v0 =	vadd.s32 @!p0 v5, v1;
	v1 =	vshll.u32 @!p0 v6, $0x8  }
0xd6: {  	[tilespmem:$0x920] =	vst @!p0 v0;
	v0 =	vadd.s32 @!p0 v7, v1;
	v1 =	vshll.u32 @!p0 v8, $0x8  }
0xd7: {  	[tilespmem:$0x930] =	vst @!p0 v0;
	v0 =	vadd.s32 @!p0 v9, v1;
	v1 =	vshll.u32 @!p0 v10, $0x8  }
0xd8: {  	[tilespmem:$0x940] =	vst @!p0 v0;
	v0 =	vadd.s32 @!p0 v11, v1;
	v1 =	vshll.u32 @!p0 v12, $0x8  }
0xd9: {  	[tilespmem:$0x950] =	vst @!p0 v0;
	v0 =	vadd.s32 @!p0 v2, v1;
	v1 =	vshll.u32 @!p0 v3, $0x8  }
0xda: {  	[tilespmem:$0x960] =	vst @!p0 v0;
	v0 =	vadd.s32 @!p0 v4, v1  }
0xdb: {  	s8 =	simm.s32 @!p0 $0x8C00;
	s7 =	simm.s32 @!p0 $0x900;
	s6 =	simm.s32 @!p0 $0x80;
	[tilespmem:$0x970] =	vst @!p0 v0  }
0xdc: {  	[tilespmem:s8], [sflag:$0x9] =	stream.indirect.gather @!p0 [hbm4b:s2+s6], $0x80, s7, s6, $0xb8;
	[tilespmem:$0x18C00] =	vst v63  }
0xdd: {  	_ =	swait.ge [sflag:s5], $0x4000  }
0xde: {  	[sflag:s5] =	ssyncset.done $0x0  }
0xdf: {  	s7 =	simm.s32 @!p1 $0x12;
	[sflag:s5] =	ssyncadd.s32 $0xFFFFC000  }
0xe0: {  	[hbm4b:s25+s4] =	stream.linear.scatter [tilespmem:s30], [sflag:$0xD], $0x4000, $0x38;
	[tilespmem:$0x18C00] =	vst v63  }
0xe1: {  	_ =	swait.ge @!p1 [sflag:s7], $0x4000  }
0xe2: {  	[sflag:s7] =	ssyncset.done @!p1 $0x0  }
0xe3: {  	[sflag:s7] =	ssyncadd.s32 @!p1 $0xFFFFC000;
	s7 =	rddreg [dreg:$0x6]  }
0xe4: {  	s8 =	simm.s32 @!p0 $0x280;
	s7 =	sadd.s32 @!p0 s21, s7  }
0xe5: {  	[tilespmem:s8], [sflag:$0x6] =	stream.linear.gather @!p0 [hbm4b:s7+s0], $0x80, $0x38;
	[tilespmem:$0x18C00] =	vst v63  }
0xe6: {  	s7 =	rddreg [dreg:$0x5]  }
0xe7: {  	s8 =	simm.s32 @!p0 $0x680;
	s7 =	sadd.s32 @!p0 s21, s7  }
0xe8: {  	[tilespmem:s8], [sflag:$0x6] =	stream.linear.gather @!p0 [hbm4b:s7+s0], $0x80, $0x38;
	[tilespmem:$0x18C00] =	vst v63  }
0xe9: {  	s0 =	simm.s32 @!p0 $0x4  }
0xea: {  	_ =	swait.ge @!p0 [sflag:s0], $0x80  }
0xeb: {  	[sflag:s0] =	ssyncset.done @!p0 $0x0  }
0xec: {  	[sflag:s0] =	ssyncadd.s32 @!p0 $0xFFFFFF80  }
0xed: {  	_ =	swait.ge @!p0 [sflag:s0], $0x80  }
0xee: {  	[sflag:s0] =	ssyncset.done @!p0 $0x0  }
0xef: {  	[sflag:s0] =	ssyncadd.s32 @!p0 $0xFFFFFF80  }
0xf0: {  	v0 =	vld @!p0 [tilespmem:$0x180]  }
0xf1: {  	v1 =	vld @!p0 [tilespmem:$0x580]  }
0xf2: {  	v2 =	vld @!p0 [tilespmem:$0x190]  }
0xf3: {  	v3 =	vld @!p0 [tilespmem:$0x590]  }
0xf4: {  	v4 =	vld @!p0 [tilespmem:$0x1A0]  }
0xf5: {  	v5 =	vld @!p0 [tilespmem:$0x5A0]  }
0xf6: {  	v6 =	vld @!p0 [tilespmem:$0x1B0]  }
0xf7: {  	v7 =	vld @!p0 [tilespmem:$0x5B0]  }
0xf8: {  	v8 =	vld @!p0 [tilespmem:$0x1C0]  }
0xf9: {  	v9 =	vld @!p0 [tilespmem:$0x5C0]  }
0xfa: {  	v10 =	vld @!p0 [tilespmem:$0x1D0]  }
0xfb: {  	v11 =	vld @!p0 [tilespmem:$0x5D0]  }
0xfc: {  	v12 =	vld @!p0 [tilespmem:$0x1E0];
	v0 =	vshll.u32 @!p0 v0, $0x8  }
0xfd: {  	v0 =	vadd.s32 @!p0 v1, v0;
	v1 =	vshll.u32 @!p0 v2, $0x8;
	v2 =	vld @!p0 [tilespmem:$0x5E0]  }
0xfe: {  	[tilespmem:$0x980] =	vst @!p0 v0;
	v0 =	vadd.s32 @!p0 v3, v1;
	v1 =	vshll.u32 @!p0 v4, $0x8;
	v3 =	vld @!p0 [tilespmem:$0x1F0]  }
0xff: {  	v4 =	vld @!p0 [tilespmem:$0x5F0];
	[tilespmem:$0x990] =	vst @!p0 v0;
	v0 =	vadd.s32 @!p0 v5, v1;
	v1 =	vshll.u32 @!p0 v6, $0x8  }
0x100: {  	[tilespmem:$0x9A0] =	vst @!p0 v0;
	v0 =	vadd.s32 @!p0 v7, v1;
	v1 =	vshll.u32 @!p0 v8, $0x8  }
0x101: {  	[tilespmem:$0x9B0] =	vst @!p0 v0;
	v0 =	vadd.s32 @!p0 v9, v1;
	v1 =	vshll.u32 @!p0 v10, $0x8  }
0x102: {  	[tilespmem:$0x9C0] =	vst @!p0 v0;
	v0 =	vadd.s32 @!p0 v11, v1;
	v1 =	vshll.u32 @!p0 v12, $0x8  }
0x103: {  	[tilespmem:$0x9D0] =	vst @!p0 v0;
	v0 =	vadd.s32 @!p0 v2, v1;
	v1 =	vshll.u32 @!p0 v3, $0x8  }
0x104: {  	[tilespmem:$0x9E0] =	vst @!p0 v0;
	v0 =	vadd.s32 @!p0 v4, v1  }
0x105: {  	s21 =	sadd.s32 $0x60, s21;
	s7 =	simm.s32 @!p0 $0xCC00;
	s0 =	simm.s32 @!p0 $0x980;
	[tilespmem:$0x9F0] =	vst @!p0 v0  }
0x106: {  	[tilespmem:s7], [sflag:$0xA] =	stream.indirect.gather @!p0 [hbm4b:s2+s6], $0x80, s0, s6, $0xb8;
	[tilespmem:$0x18C00] =	vst v63  }
0x107: {  	p0 =	sne.s32 s21, $0xCC0  }
.Ltmp3:
0x108: {  	_ =	swait.ge [sflag:s14], $0x4000;
	(pc) =	sbr.rel @!p0 .LBB2_5-.Ltmp3, $4  }
0x109: {  	[sflag:s14] =	ssyncset.done $0x0  }
0x10a: {  	s26 =	sadd.s32 $0x1, s26;
	s20 =	sadd.s32 $0x6, s20;
	[sflag:s14] =	ssyncadd.s32 $0xFFFFC000  }
0x10b: {  	[hbm4b:s24+s4] =	stream.linear.scatter [tilespmem:s1], [sflag:$0xE], $0x4000, $0x38;
	[tilespmem:$0x18C00] =	vst v63  }
0x10c: {  	s17 =	sadd.s32 $0x18000, s17;
	s25 =	sadd.s32 $0x3000, s25;
	s24 =	sadd.s32 $0x3000, s24  }
.LBB2_2:
0x10d: {  	p0 =	sgt.u32 s20, $0xC1  }
0x10e: {  	s29 =	sadd.s32 $0x4, s20;
	s0 =	simm.s32 @!p0 $0xD  }
0x10f: {  	p1 =	sgt.u32 s29, $0xC7;
	_ =	swait.ge @!p0 [sflag:s0], $0x4000  }
.Ltmp4:
0x110: {  	[sflag:s0] =	ssyncset.done @!p0 $0x0;
	(pc) =	sbr.rel @p1 .LBB2_4-.Ltmp4, $4  }
0x111: {  	s8 =	sadd.s32 s21, s16;
	[sflag:s0] =	ssyncadd.s32 @!p0 $0xFFFFC000  }
0x112: {  	[tilespmem:s4], [sflag:$0x1] =	stream.linear.gather [hbm4b:s8+s4], $0x80, $0x38;
	[tilespmem:$0x18C00] =	vst v63  }
0x113: {  	s9 =	sadd.s32 s21, s15;
	s6 =	simm.s32 $0x400;
	p3 =	por $0x0, $0x0  }
0x114: {  	[tilespmem:s6], [sflag:$0x1] =	stream.linear.gather [hbm4b:s9+s4], $0x80, $0x38;
	[tilespmem:$0x18C00] =	vst v63  }
0x115: {  	_ =	swait.ge [sflag:s22], $0x80  }
0x116: {  	[sflag:s22] =	ssyncset.done $0x0  }
0x117: {  	[sflag:s22] =	ssyncadd.s32 $0xFFFFFF80  }
0x118: {  	_ =	swait.ge [sflag:s22], $0x80  }
0x119: {  	[sflag:s22] =	ssyncset.done $0x0  }
0x11a: {  	[sflag:s22] =	ssyncadd.s32 $0xFFFFFF80  }
0x11b: {  	v0 =	vld [tilespmem:$0x200]  }
0x11c: {  	v1 =	vld [tilespmem:$0x600]  }
0x11d: {  	v2 =	vld [tilespmem:$0x210]  }
0x11e: {  	v3 =	vld [tilespmem:$0x610]  }
0x11f: {  	v4 =	vld [tilespmem:$0x220]  }
0x120: {  	v5 =	vld [tilespmem:$0x620]  }
0x121: {  	v6 =	vld [tilespmem:$0x230]  }
0x122: {  	v7 =	vld [tilespmem:$0x630]  }
0x123: {  	v8 =	vld [tilespmem:$0x240]  }
0x124: {  	v9 =	vld [tilespmem:$0x640]  }
0x125: {  	v10 =	vld [tilespmem:$0x250]  }
0x126: {  	v11 =	vld [tilespmem:$0x650]  }
0x127: {  	v12 =	vld [tilespmem:$0x260];
	v0 =	vshll.u32 v0, $0x8  }
0x128: {  	v48 =	vld [tilespmem:$0x660];
	v47 =	vshll.u32 v2, $0x8;
	v0 =	vadd.s32 v1, v0  }
0x129: {  	v51 =	vld [tilespmem:$0x270];
	v50 =	vshll.u32 v4, $0x8;
	v49 =	vadd.s32 v3, v47;
	[tilespmem:$0xA00] =	vst v0  }
0x12a: {  	v54 =	vld [tilespmem:$0x670];
	v53 =	vshll.u32 v6, $0x8;
	v52 =	vadd.s32 v5, v50;
	[tilespmem:$0xA10] =	vst v49  }
0x12b: {  	v56 =	vshll.u32 v8, $0x8;
	v55 =	vadd.s32 v7, v53;
	[tilespmem:$0xA20] =	vst v52  }
0x12c: {  	v58 =	vshll.u32 v10, $0x8;
	v57 =	vadd.s32 v9, v56;
	[tilespmem:$0xA30] =	vst v55  }
0x12d: {  	v60 =	vshll.u32 v12, $0x8;
	v59 =	vadd.s32 v11, v58;
	[tilespmem:$0xA40] =	vst v57  }
0x12e: {  	v62 =	vshll.u32 v51, $0x8;
	v61 =	vadd.s32 v48, v60;
	[tilespmem:$0xA50] =	vst v59  }
0x12f: {  	s9 =	sadd.s32 $0x2, s20;
	v63 =	vadd.s32 v54, v62;
	[tilespmem:$0xA60] =	vst v61  }
0x130: {  	s0 =	simm.s32 $0xA00;
	s6 =	simm.s32 $0x10C00;
	p0 =	sgt.u32 s9, $0xC7;
	[tilespmem:$0xA70] =	vst v63  }
0x131: {  	[tilespmem:s6], [sflag:$0xB] =	stream.indirect.gather [hbm4b:s2+s23], $0x80, s0, s23, $0xb8;
	[tilespmem:$0x18C00] =	vst v63  }
0x132: {  	s0 =	simm.s32 @!p0 $0x9  }
.Ltmp5:
0x133: {  	_ =	swait.ge @!p0 [sflag:s0], $0x4000;
	(pc) =	sbr.rel .LBB2_4-.Ltmp5, $4  }
0x134: {  	p3 =	por $0x0, $0x0;
	s7 =	simm.s32 @!p0 $0x8C00;
	[sflag:s0] =	ssyncset.done @!p0 $0x0  }
0x135: {  	p2 =	slt.u32 @!p0 s26, $0x21;
	[sflag:s0] =	ssyncadd.s32 @!p0 $0xFFFFC000;
	s0 =	sshrl.u32 @!p0 s17, $0x3  }
0x136: {  	p3 =	por @!p0 p2, p2;
	s6 =	simm.s32 @!p0 $0x0;
	s0 =	sadd.s32 @!p0 s3, s0  }
0x137: {  	[hbm4b:s0+s6] =	stream.linear.scatter @!p0 [tilespmem:s7], [sflag:$0xF], $0x4000, $0x38;
	[tilespmem:$0x18C00] =	vst v63  }
.LBB2_6:
0x138: {  	_ =	sfence.sel $0x180000  }
0x139: {  	[bflag:$0x0] =	sbarrier.arrive $0xFFFF  }
0x13a: {  	_ =	strace $0x90000047  }
0x13b: {  	s0 =	stileid.u32;
	[bflag:$0x2] =	sbarrier.arrive $0xFFFF  }
0x13c: {  	p0 =	sne.s32 s0, $0x0;
	s0 =	rddreg [dreg:$0x3]  }
0x13d: {  	s0 =	sadd.s32 @!p0 $0x100000, s0  }
0x13e: {  	[sflag:s0] =	ssyncadd.tile.s32 @!p0 $0x1;
	_ =	shalt  }
.Lfunc_end2:
_tile_overlayer_lowered:
.L_overlay_start_2:
0x13f: {  	(tag) =	ssettag $0x2  }
0x140: {  	s0 =	rddreg [dreg:$0x0];
	s2 =	stileid.u32  }
0x141: {  	s1 =	rddreg [dreg:$0x1];
	p0 =	sne.s32 s2, $0x0  }
0x142: {  	s3 =	rddreg [dreg:$0x2];
	[bflag:$0x3] =	sbarrier.arrive $0xFFFF;
	s2 =	simm.s32 @!p0 $0x1C13  }
0x143: {  	[timem:s3], [sflag:s2] =	dma.local @!p0 [hbm:s0], s1  }
0x144: {  	s0 =	simm.s32 @!p0 $0x13  }
0x145: {  	_ =	swait.ge @!p0 [sflag:s0], s1  }
0x146: {  	s1 =	ssub.s32 @!p0 $0x0, s1;
	[sflag:s0] =	ssyncset.done @!p0 $0x0  }
0x147: {  	[sflag:s0] =	ssyncadd.s32 @!p0 s1  }
0x148: {  	[bflag:$0x3] =	sbarrier.arrive $0xFFFF  }
0x149: {  	_ =	shalt  }

</sc_bundles>
